<compile_context>
chip_gen: v7x
topology: tpu7x:2x2x1
jax: 0.10.2.dev20260603
libtpu: 0.0.44.dev20260713+nightly
codegen_flags: <defaults>
</compile_context>

<pallas_src>
import functools

import jax
import jax.numpy as jnp
from jax import lax
from jax.experimental import pallas as pl
from jax.experimental.pallas import tpu as pltpu
from jax.experimental.pallas import tpu_sc as plsc

B, S, D, E, K = 2, 4096, 2048, 64, 2
TOK_BLK = 1024
N = B * S

_info = plsc.get_sparse_core_info()
NC, NS, L = _info.num_cores, _info.num_subcores, _info.num_lanes
NW = NC * NS
TOK_PER_W = N // NW
GROUPS = TOK_PER_W // L


def _proj_kernel(x_ref, wt_ref, b_ref, h_ref):
    h_ref[...] = (
        jnp.dot(x_ref[...], wt_ref[...], preferred_element_type=jnp.float32)
        + b_ref[...]
    )


def _splat_last(vec):
    idx = jnp.full((L,), L - 1, jnp.int32)
    return lax.gather(
        vec,
        idx[:, None],
        dimension_numbers=lax.GatherDimensionNumbers(
            offset_dims=(), collapsed_slice_dims=(0,), start_index_map=(0,)
        ),
        slice_sizes=(1,),
        mode=lax.GatherScatterMode.PROMISE_IN_BOUNDS,
    )


def _vmax_splat(vec):
    return _splat_last(plsc.cummax(vec))


def _vmin_splat(vec):
    return -_splat_last(plsc.cummax(-vec))


def _route_body(h_hbm, out_hbm, h_v, w_v):
    c = lax.axis_index("c")
    s = lax.axis_index("s")
    wid = s * NC + c
    base = wid * (TOK_PER_W * E)
    pltpu.sync_copy(h_hbm.at[pl.ds(base, TOK_PER_W * E)], h_v)
    lane = lax.iota(jnp.int32, L)
    neg_inf = jnp.full((L,), -jnp.inf, jnp.float32)
    one = jnp.full((L,), 1.0, jnp.float32)
    zero = jnp.zeros((L,), jnp.float32)
    e_ids = [jnp.full((L,), float(e), jnp.float32) for e in range(E)]
    big = jnp.full((L,), float(E), jnp.float32)
    e_off = [jnp.full((L,), e, jnp.int32) for e in range(E)]
    ev = jnp.full((L,), E, jnp.int32)

    def group(g, carry):
        flat0 = (g * L + lane) * ev
        idx = [flat0 + e_off[e] for e in range(E)]
        hs = [plsc.load_gather(h_v, [idx[e]]) for e in range(E)]
        m1 = hs[0]
        for e in range(1, E):
            m1 = jnp.maximum(m1, hs[e])
        t1 = [jnp.where(hs[e] == m1, e_ids[e], big) for e in range(E)]
        i1 = t1[0]
        for e in range(1, E):
            i1 = jnp.minimum(i1, t1[e])
        sel1 = [t1[e] == i1 for e in range(E)]
        h2 = [jnp.where(sel1[e], neg_inf, hs[e]) for e in range(E)]
        m2 = h2[0]
        for e in range(1, E):
            m2 = jnp.maximum(m2, h2[e])
        t2 = [jnp.where(h2[e] == m2, e_ids[e], big) for e in range(E)]
        i2 = t2[0]
        for e in range(1, E):
            i2 = jnp.minimum(i2, t2[e])
        e2 = jnp.exp(m2 - m1)
        z = one + e2
        w1 = one / z
        w2 = e2 / z
        for e in range(E):
            w = jnp.where(sel1[e], w1, jnp.where(t2[e] == i2, w2, zero))
            plsc.store_scatter(w_v, [idx[e]], w)
        return carry

    lax.fori_loop(0, GROUPS, group, 0)
    pltpu.sync_copy(w_v, out_hbm.at[pl.ds(base, TOK_PER_W * E)])


def _route(h_flat):
    mesh = plsc.VectorSubcoreMesh(core_axis_name="c", subcore_axis_name="s")
    return pl.kernel(
        _route_body,
        mesh=mesh,
        out_type=jax.ShapeDtypeStruct((N * E,), jnp.float32),
        compiler_params=pltpu.CompilerParams(needs_layout_passes=False),
        scratch_types=[
            pltpu.VMEM((TOK_PER_W * E,), jnp.float32),
            pltpu.VMEM((TOK_PER_W * E,), jnp.float32),
        ],
    )(h_flat)


@functools.partial(jax.jit, static_argnames=())
def kernel(x, W, b):
    xt = x.reshape(N, D)
    wt = W.T
    b2 = b.reshape(1, E)
    grid = N // TOK_BLK
    h = pl.pallas_call(
        _proj_kernel,
        grid=(grid,),
        in_specs=[
            pl.BlockSpec((TOK_BLK, D), lambda i: (i, 0)),
            pl.BlockSpec((D, E), lambda i: (0, 0)),
            pl.BlockSpec((1, E), lambda i: (0, 0)),
        ],
        out_specs=pl.BlockSpec((TOK_BLK, E), lambda i: (i, 0)),
        out_shape=jax.ShapeDtypeStruct((N, E), jnp.float32),
        compiler_params=pltpu.CompilerParams(
            dimension_semantics=("parallel",),
        ),
    )(xt, wt, b2)
    out = _route(h.reshape(N * E))
    return out.reshape(B, S, E)

# --- scband reference (transcript-rebuilt; emitter-appended) ---
"""Pipeline reference for scband-router-75368086110596 (READ-ONLY COPY).

The authoritative reference and input builder live on the scoring server;
editing this copy changes nothing except your own understanding.
"""

import jax, jax.numpy as jnp
import numpy as np

B, S, D, E, K = 2, 4096, 2048, 64, 2

def setup_inputs(seed: int = 0) -> dict:
    key = jax.random.key(seed)
    k1, k2, k3 = jax.random.split(key, 3)
    x = jax.random.normal(k1, (B, S, D), dtype=jnp.float32)
    W = jax.random.normal(k2, (E, D), dtype=jnp.float32) * (1.0 / np.sqrt(D))
    b = jax.random.normal(k3, (E,), dtype=jnp.float32) * 0.01
    return {"x": x, "W": W, "b": b}

def reference(x, W, b):
    # dense projection: [B, S, D] @ [D, E] -> [B, S, E]
    h = jnp.einsum('bsd,ed->bse', x, W) + b
    # top-k selection over expert dim (dim=2), then one-hot mask (matches torch one_hot(...).sum(dim=2).bool())
    _, idx = jax.lax.top_k(h, K)  # idx: [B, S, K]
    mask = jax.nn.one_hot(idx, h.shape[2], dtype=jnp.int32).sum(axis=2).astype(bool)  # [B, S, E]
    masked = jnp.where(mask, h, -jnp.inf)
    weight = jax.nn.softmax(masked, axis=2)
    return weight

if __name__ == "__main__":
    import jax
    _d = setup_inputs()
    print(jax.jit(kernel)(*tuple(_d.values())))

</pallas_src>

<mosaic_0001>
#map = affine_map<(d0, d1) -> (0)>
module attributes {stable_mosaic.version = 14 : i64} {
  func.func @_route_body(%arg0: i32, %arg1: i32, %arg2: memref<524288xf32, #tpu.memory_space<hbm>>, %arg3: memref<524288xf32, #tpu.memory_space<hbm>>, %arg4: memref<16384xf32, #tpu.memory_space<vmem>>, %arg5: memref<16384xf32, #tpu.memory_space<vmem>>) attributes {dimension_semantics = [#tpu.dimension_semantics<core_parallel>, #tpu.dimension_semantics<subcore_parallel>], iteration_bounds = array<i64: 2, 16>, scalar_prefetch = 0 : i64, scratch_operands = 2 : i64, tpu.core_type = #tpu.core_type<sc_vector_subcore>, window_params = [{transform_indices = #map}, {transform_indices = #map}]} {
    %mul3A = arith.constant 2 : i32
    %mul3A_0 = arith.muli %arg1, %mul3A : i32
    %add3A = arith.addi %mul3A_0, %arg0 : i32
    %mul3A_1 = arith.constant 16384 : i32
    %mul3A_2 = arith.muli %add3A, %mul3A_1 : i32
    "tpu.region"() ({
      %run_scoped3A = tpu.sem_alloc : memref<!tpu.dma_semaphore, #tpu.memory_space<semaphore_mem>>
      %dma_start3A = tpu.memref_slice %arg2[%mul3A_2] : memref<524288xf32, #tpu.memory_space<hbm>> -> memref<16384xf32, #tpu.memory_space<hbm>>
      %dma_start3A_273 = tpu.memref_slice %arg2[%mul3A_2] : memref<524288xf32, #tpu.memory_space<hbm>> -> memref<16384xf32, #tpu.memory_space<hbm>>
      tpu.enqueue_dma source(%dma_start3A_273 : memref<16384xf32, #tpu.memory_space<hbm>>) target(%arg4 : memref<16384xf32, #tpu.memory_space<vmem>>) target_semaphore(%run_scoped3A : memref<!tpu.dma_semaphore, #tpu.memory_space<semaphore_mem>>)
      %dma_wait3A = tpu.memref_slice %arg2[%mul3A_2] : memref<524288xf32, #tpu.memory_space<hbm>> -> memref<16384xf32, #tpu.memory_space<hbm>>
      %dma_wait3A_274 = tpu.memref_slice %arg2[%mul3A_2] : memref<524288xf32, #tpu.memory_space<hbm>> -> memref<16384xf32, #tpu.memory_space<hbm>>
      tpu.wait_dma2 semaphore(%run_scoped3A : memref<!tpu.dma_semaphore, #tpu.memory_space<semaphore_mem>>) src(%dma_wait3A_274 : memref<16384xf32, #tpu.memory_space<hbm>>) dst(%arg4 : memref<16384xf32, #tpu.memory_space<vmem>>)
      tpu.yield
    }) : () -> ()
    %iota3A = tpu.iota {dimensions = array<i32: 0>} : vector<16xi32>
    %broadcast_in_dim3A = arith.constant 0xFF800000 : f32
    %broadcast_in_dim3A_3 = vector.broadcast %broadcast_in_dim3A : f32 to vector<16xf32>
    %broadcast_in_dim3A_4 = arith.constant 1.000000e+00 : f32
    %broadcast_in_dim3A_5 = vector.broadcast %broadcast_in_dim3A_4 : f32 to vector<16xf32>
    %broadcast_in_dim3A_6 = arith.constant 0.000000e+00 : f32
    %broadcast_in_dim3A_7 = vector.broadcast %broadcast_in_dim3A_6 : f32 to vector<16xf32>
    %broadcast_in_dim3A_8 = arith.constant 0.000000e+00 : f32
    %broadcast_in_dim3A_9 = vector.broadcast %broadcast_in_dim3A_8 : f32 to vector<16xf32>
    %broadcast_in_dim3A_10 = arith.constant 1.000000e+00 : f32
    %broadcast_in_dim3A_11 = vector.broadcast %broadcast_in_dim3A_10 : f32 to vector<16xf32>
    %broadcast_in_dim3A_12 = arith.constant 2.000000e+00 : f32
    %broadcast_in_dim3A_13 = vector.broadcast %broadcast_in_dim3A_12 : f32 to vector<16xf32>
    %broadcast_in_dim3A_14 = arith.constant 3.000000e+00 : f32
    %broadcast_in_dim3A_15 = vector.broadcast %broadcast_in_dim3A_14 : f32 to vector<16xf32>
    %broadcast_in_dim3A_16 = arith.constant 4.000000e+00 : f32
    %broadcast_in_dim3A_17 = vector.broadcast %broadcast_in_dim3A_16 : f32 to vector<16xf32>
    %broadcast_in_dim3A_18 = arith.constant 5.000000e+00 : f32
    %broadcast_in_dim3A_19 = vector.broadcast %broadcast_in_dim3A_18 : f32 to vector<16xf32>
    %broadcast_in_dim3A_20 = arith.constant 6.000000e+00 : f32
    %broadcast_in_dim3A_21 = vector.broadcast %broadcast_in_dim3A_20 : f32 to vector<16xf32>
    %broadcast_in_dim3A_22 = arith.constant 7.000000e+00 : f32
    %broadcast_in_dim3A_23 = vector.broadcast %broadcast_in_dim3A_22 : f32 to vector<16xf32>
    %broadcast_in_dim3A_24 = arith.constant 8.000000e+00 : f32
    %broadcast_in_dim3A_25 = vector.broadcast %broadcast_in_dim3A_24 : f32 to vector<16xf32>
    %broadcast_in_dim3A_26 = arith.constant 9.000000e+00 : f32
    %broadcast_in_dim3A_27 = vector.broadcast %broadcast_in_dim3A_26 : f32 to vector<16xf32>
    %broadcast_in_dim3A_28 = arith.constant 1.000000e+01 : f32
    %broadcast_in_dim3A_29 = vector.broadcast %broadcast_in_dim3A_28 : f32 to vector<16xf32>
    %broadcast_in_dim3A_30 = arith.constant 1.100000e+01 : f32
    %broadcast_in_dim3A_31 = vector.broadcast %broadcast_in_dim3A_30 : f32 to vector<16xf32>
    %broadcast_in_dim3A_32 = arith.constant 1.200000e+01 : f32
    %broadcast_in_dim3A_33 = vector.broadcast %broadcast_in_dim3A_32 : f32 to vector<16xf32>
    %broadcast_in_dim3A_34 = arith.constant 1.300000e+01 : f32
    %broadcast_in_dim3A_35 = vector.broadcast %broadcast_in_dim3A_34 : f32 to vector<16xf32>
    %broadcast_in_dim3A_36 = arith.constant 1.400000e+01 : f32
    %broadcast_in_dim3A_37 = vector.broadcast %broadcast_in_dim3A_36 : f32 to vector<16xf32>
    %broadcast_in_dim3A_38 = arith.constant 1.500000e+01 : f32
    %broadcast_in_dim3A_39 = vector.broadcast %broadcast_in_dim3A_38 : f32 to vector<16xf32>
    %broadcast_in_dim3A_40 = arith.constant 1.600000e+01 : f32
    %broadcast_in_dim3A_41 = vector.broadcast %broadcast_in_dim3A_40 : f32 to vector<16xf32>
    %broadcast_in_dim3A_42 = arith.constant 1.700000e+01 : f32
    %broadcast_in_dim3A_43 = vector.broadcast %broadcast_in_dim3A_42 : f32 to vector<16xf32>
    %broadcast_in_dim3A_44 = arith.constant 1.800000e+01 : f32
    %broadcast_in_dim3A_45 = vector.broadcast %broadcast_in_dim3A_44 : f32 to vector<16xf32>
    %broadcast_in_dim3A_46 = arith.constant 1.900000e+01 : f32
    %broadcast_in_dim3A_47 = vector.broadcast %broadcast_in_dim3A_46 : f32 to vector<16xf32>
    %broadcast_in_dim3A_48 = arith.constant 2.000000e+01 : f32
    %broadcast_in_dim3A_49 = vector.broadcast %broadcast_in_dim3A_48 : f32 to vector<16xf32>
    %broadcast_in_dim3A_50 = arith.constant 2.100000e+01 : f32
    %broadcast_in_dim3A_51 = vector.broadcast %broadcast_in_dim3A_50 : f32 to vector<16xf32>
    %broadcast_in_dim3A_52 = arith.constant 2.200000e+01 : f32
    %broadcast_in_dim3A_53 = vector.broadcast %broadcast_in_dim3A_52 : f32 to vector<16xf32>
    %broadcast_in_dim3A_54 = arith.constant 2.300000e+01 : f32
    %broadcast_in_dim3A_55 = vector.broadcast %broadcast_in_dim3A_54 : f32 to vector<16xf32>
    %broadcast_in_dim3A_56 = arith.constant 2.400000e+01 : f32
    %broadcast_in_dim3A_57 = vector.broadcast %broadcast_in_dim3A_56 : f32 to vector<16xf32>
    %broadcast_in_dim3A_58 = arith.constant 2.500000e+01 : f32
    %broadcast_in_dim3A_59 = vector.broadcast %broadcast_in_dim3A_58 : f32 to vector<16xf32>
    %broadcast_in_dim3A_60 = arith.constant 2.600000e+01 : f32
    %broadcast_in_dim3A_61 = vector.broadcast %broadcast_in_dim3A_60 : f32 to vector<16xf32>
    %broadcast_in_dim3A_62 = arith.constant 2.700000e+01 : f32
    %broadcast_in_dim3A_63 = vector.broadcast %broadcast_in_dim3A_62 : f32 to vector<16xf32>
    %broadcast_in_dim3A_64 = arith.constant 2.800000e+01 : f32
    %broadcast_in_dim3A_65 = vector.broadcast %broadcast_in_dim3A_64 : f32 to vector<16xf32>
    %broadcast_in_dim3A_66 = arith.constant 2.900000e+01 : f32
    %broadcast_in_dim3A_67 = vector.broadcast %broadcast_in_dim3A_66 : f32 to vector<16xf32>
    %broadcast_in_dim3A_68 = arith.constant 3.000000e+01 : f32
    %broadcast_in_dim3A_69 = vector.broadcast %broadcast_in_dim3A_68 : f32 to vector<16xf32>
    %broadcast_in_dim3A_70 = arith.constant 3.100000e+01 : f32
    %broadcast_in_dim3A_71 = vector.broadcast %broadcast_in_dim3A_70 : f32 to vector<16xf32>
    %broadcast_in_dim3A_72 = arith.constant 3.200000e+01 : f32
    %broadcast_in_dim3A_73 = vector.broadcast %broadcast_in_dim3A_72 : f32 to vector<16xf32>
    %broadcast_in_dim3A_74 = arith.constant 3.300000e+01 : f32
    %broadcast_in_dim3A_75 = vector.broadcast %broadcast_in_dim3A_74 : f32 to vector<16xf32>
    %broadcast_in_dim3A_76 = arith.constant 3.400000e+01 : f32
    %broadcast_in_dim3A_77 = vector.broadcast %broadcast_in_dim3A_76 : f32 to vector<16xf32>
    %broadcast_in_dim3A_78 = arith.constant 3.500000e+01 : f32
    %broadcast_in_dim3A_79 = vector.broadcast %broadcast_in_dim3A_78 : f32 to vector<16xf32>
    %broadcast_in_dim3A_80 = arith.constant 3.600000e+01 : f32
    %broadcast_in_dim3A_81 = vector.broadcast %broadcast_in_dim3A_80 : f32 to vector<16xf32>
    %broadcast_in_dim3A_82 = arith.constant 3.700000e+01 : f32
    %broadcast_in_dim3A_83 = vector.broadcast %broadcast_in_dim3A_82 : f32 to vector<16xf32>
    %broadcast_in_dim3A_84 = arith.constant 3.800000e+01 : f32
    %broadcast_in_dim3A_85 = vector.broadcast %broadcast_in_dim3A_84 : f32 to vector<16xf32>
    %broadcast_in_dim3A_86 = arith.constant 3.900000e+01 : f32
    %broadcast_in_dim3A_87 = vector.broadcast %broadcast_in_dim3A_86 : f32 to vector<16xf32>
    %broadcast_in_dim3A_88 = arith.constant 4.000000e+01 : f32
    %broadcast_in_dim3A_89 = vector.broadcast %broadcast_in_dim3A_88 : f32 to vector<16xf32>
    %broadcast_in_dim3A_90 = arith.constant 4.100000e+01 : f32
    %broadcast_in_dim3A_91 = vector.broadcast %broadcast_in_dim3A_90 : f32 to vector<16xf32>
    %broadcast_in_dim3A_92 = arith.constant 4.200000e+01 : f32
    %broadcast_in_dim3A_93 = vector.broadcast %broadcast_in_dim3A_92 : f32 to vector<16xf32>
    %broadcast_in_dim3A_94 = arith.constant 4.300000e+01 : f32
    %broadcast_in_dim3A_95 = vector.broadcast %broadcast_in_dim3A_94 : f32 to vector<16xf32>
    %broadcast_in_dim3A_96 = arith.constant 4.400000e+01 : f32
    %broadcast_in_dim3A_97 = vector.broadcast %broadcast_in_dim3A_96 : f32 to vector<16xf32>
    %broadcast_in_dim3A_98 = arith.constant 4.500000e+01 : f32
    %broadcast_in_dim3A_99 = vector.broadcast %broadcast_in_dim3A_98 : f32 to vector<16xf32>
    %broadcast_in_dim3A_100 = arith.constant 4.600000e+01 : f32
    %broadcast_in_dim3A_101 = vector.broadcast %broadcast_in_dim3A_100 : f32 to vector<16xf32>
    %broadcast_in_dim3A_102 = arith.constant 4.700000e+01 : f32
    %broadcast_in_dim3A_103 = vector.broadcast %broadcast_in_dim3A_102 : f32 to vector<16xf32>
    %broadcast_in_dim3A_104 = arith.constant 4.800000e+01 : f32
    %broadcast_in_dim3A_105 = vector.broadcast %broadcast_in_dim3A_104 : f32 to vector<16xf32>
    %broadcast_in_dim3A_106 = arith.constant 4.900000e+01 : f32
    %broadcast_in_dim3A_107 = vector.broadcast %broadcast_in_dim3A_106 : f32 to vector<16xf32>
    %broadcast_in_dim3A_108 = arith.constant 5.000000e+01 : f32
    %broadcast_in_dim3A_109 = vector.broadcast %broadcast_in_dim3A_108 : f32 to vector<16xf32>
    %broadcast_in_dim3A_110 = arith.constant 5.100000e+01 : f32
    %broadcast_in_dim3A_111 = vector.broadcast %broadcast_in_dim3A_110 : f32 to vector<16xf32>
    %broadcast_in_dim3A_112 = arith.constant 5.200000e+01 : f32
    %broadcast_in_dim3A_113 = vector.broadcast %broadcast_in_dim3A_112 : f32 to vector<16xf32>
    %broadcast_in_dim3A_114 = arith.constant 5.300000e+01 : f32
    %broadcast_in_dim3A_115 = vector.broadcast %broadcast_in_dim3A_114 : f32 to vector<16xf32>
    %broadcast_in_dim3A_116 = arith.constant 5.400000e+01 : f32
    %broadcast_in_dim3A_117 = vector.broadcast %broadcast_in_dim3A_116 : f32 to vector<16xf32>
    %broadcast_in_dim3A_118 = arith.constant 5.500000e+01 : f32
    %broadcast_in_dim3A_119 = vector.broadcast %broadcast_in_dim3A_118 : f32 to vector<16xf32>
    %broadcast_in_dim3A_120 = arith.constant 5.600000e+01 : f32
    %broadcast_in_dim3A_121 = vector.broadcast %broadcast_in_dim3A_120 : f32 to vector<16xf32>
    %broadcast_in_dim3A_122 = arith.constant 5.700000e+01 : f32
    %broadcast_in_dim3A_123 = vector.broadcast %broadcast_in_dim3A_122 : f32 to vector<16xf32>
    %broadcast_in_dim3A_124 = arith.constant 5.800000e+01 : f32
    %broadcast_in_dim3A_125 = vector.broadcast %broadcast_in_dim3A_124 : f32 to vector<16xf32>
    %broadcast_in_dim3A_126 = arith.constant 5.900000e+01 : f32
    %broadcast_in_dim3A_127 = vector.broadcast %broadcast_in_dim3A_126 : f32 to vector<16xf32>
    %broadcast_in_dim3A_128 = arith.constant 6.000000e+01 : f32
    %broadcast_in_dim3A_129 = vector.broadcast %broadcast_in_dim3A_128 : f32 to vector<16xf32>
    %broadcast_in_dim3A_130 = arith.constant 6.100000e+01 : f32
    %broadcast_in_dim3A_131 = vector.broadcast %broadcast_in_dim3A_130 : f32 to vector<16xf32>
    %broadcast_in_dim3A_132 = arith.constant 6.200000e+01 : f32
    %broadcast_in_dim3A_133 = vector.broadcast %broadcast_in_dim3A_132 : f32 to vector<16xf32>
    %broadcast_in_dim3A_134 = arith.constant 6.300000e+01 : f32
    %broadcast_in_dim3A_135 = vector.broadcast %broadcast_in_dim3A_134 : f32 to vector<16xf32>
    %broadcast_in_dim3A_136 = arith.constant 6.400000e+01 : f32
    %broadcast_in_dim3A_137 = vector.broadcast %broadcast_in_dim3A_136 : f32 to vector<16xf32>
    %broadcast_in_dim3A_138 = arith.constant 0 : i32
    %broadcast_in_dim3A_139 = vector.broadcast %broadcast_in_dim3A_138 : i32 to vector<16xi32>
    %broadcast_in_dim3A_140 = arith.constant 1 : i32
    %broadcast_in_dim3A_141 = vector.broadcast %broadcast_in_dim3A_140 : i32 to vector<16xi32>
    %broadcast_in_dim3A_142 = arith.constant 2 : i32
    %broadcast_in_dim3A_143 = vector.broadcast %broadcast_in_dim3A_142 : i32 to vector<16xi32>
    %broadcast_in_dim3A_144 = arith.constant 3 : i32
    %broadcast_in_dim3A_145 = vector.broadcast %broadcast_in_dim3A_144 : i32 to vector<16xi32>
    %broadcast_in_dim3A_146 = arith.constant 4 : i32
    %broadcast_in_dim3A_147 = vector.broadcast %broadcast_in_dim3A_146 : i32 to vector<16xi32>
    %broadcast_in_dim3A_148 = arith.constant 5 : i32
    %broadcast_in_dim3A_149 = vector.broadcast %broadcast_in_dim3A_148 : i32 to vector<16xi32>
    %broadcast_in_dim3A_150 = arith.constant 6 : i32
    %broadcast_in_dim3A_151 = vector.broadcast %broadcast_in_dim3A_150 : i32 to vector<16xi32>
    %broadcast_in_dim3A_152 = arith.constant 7 : i32
    %broadcast_in_dim3A_153 = vector.broadcast %broadcast_in_dim3A_152 : i32 to vector<16xi32>
    %broadcast_in_dim3A_154 = arith.constant 8 : i32
    %broadcast_in_dim3A_155 = vector.broadcast %broadcast_in_dim3A_154 : i32 to vector<16xi32>
    %broadcast_in_dim3A_156 = arith.constant 9 : i32
    %broadcast_in_dim3A_157 = vector.broadcast %broadcast_in_dim3A_156 : i32 to vector<16xi32>
    %broadcast_in_dim3A_158 = arith.constant 10 : i32
    %broadcast_in_dim3A_159 = vector.broadcast %broadcast_in_dim3A_158 : i32 to vector<16xi32>
    %broadcast_in_dim3A_160 = arith.constant 11 : i32
    %broadcast_in_dim3A_161 = vector.broadcast %broadcast_in_dim3A_160 : i32 to vector<16xi32>
    %broadcast_in_dim3A_162 = arith.constant 12 : i32
    %broadcast_in_dim3A_163 = vector.broadcast %broadcast_in_dim3A_162 : i32 to vector<16xi32>
    %broadcast_in_dim3A_164 = arith.constant 13 : i32
    %broadcast_in_dim3A_165 = vector.broadcast %broadcast_in_dim3A_164 : i32 to vector<16xi32>
    %broadcast_in_dim3A_166 = arith.constant 14 : i32
    %broadcast_in_dim3A_167 = vector.broadcast %broadcast_in_dim3A_166 : i32 to vector<16xi32>
    %broadcast_in_dim3A_168 = arith.constant 15 : i32
    %broadcast_in_dim3A_169 = vector.broadcast %broadcast_in_dim3A_168 : i32 to vector<16xi32>
    %broadcast_in_dim3A_170 = arith.constant 16 : i32
    %broadcast_in_dim3A_171 = vector.broadcast %broadcast_in_dim3A_170 : i32 to vector<16xi32>
    %broadcast_in_dim3A_172 = arith.constant 17 : i32
    %broadcast_in_dim3A_173 = vector.broadcast %broadcast_in_dim3A_172 : i32 to vector<16xi32>
    %broadcast_in_dim3A_174 = arith.constant 18 : i32
    %broadcast_in_dim3A_175 = vector.broadcast %broadcast_in_dim3A_174 : i32 to vector<16xi32>
    %broadcast_in_dim3A_176 = arith.constant 19 : i32
    %broadcast_in_dim3A_177 = vector.broadcast %broadcast_in_dim3A_176 : i32 to vector<16xi32>
    %broadcast_in_dim3A_178 = arith.constant 20 : i32
    %broadcast_in_dim3A_179 = vector.broadcast %broadcast_in_dim3A_178 : i32 to vector<16xi32>
    %broadcast_in_dim3A_180 = arith.constant 21 : i32
    %broadcast_in_dim3A_181 = vector.broadcast %broadcast_in_dim3A_180 : i32 to vector<16xi32>
    %broadcast_in_dim3A_182 = arith.constant 22 : i32
    %broadcast_in_dim3A_183 = vector.broadcast %broadcast_in_dim3A_182 : i32 to vector<16xi32>
    %broadcast_in_dim3A_184 = arith.constant 23 : i32
    %broadcast_in_dim3A_185 = vector.broadcast %broadcast_in_dim3A_184 : i32 to vector<16xi32>
    %broadcast_in_dim3A_186 = arith.constant 24 : i32
    %broadcast_in_dim3A_187 = vector.broadcast %broadcast_in_dim3A_186 : i32 to vector<16xi32>
    %broadcast_in_dim3A_188 = arith.constant 25 : i32
    %broadcast_in_dim3A_189 = vector.broadcast %broadcast_in_dim3A_188 : i32 to vector<16xi32>
    %broadcast_in_dim3A_190 = arith.constant 26 : i32
    %broadcast_in_dim3A_191 = vector.broadcast %broadcast_in_dim3A_190 : i32 to vector<16xi32>
    %broadcast_in_dim3A_192 = arith.constant 27 : i32
    %broadcast_in_dim3A_193 = vector.broadcast %broadcast_in_dim3A_192 : i32 to vector<16xi32>
    %broadcast_in_dim3A_194 = arith.constant 28 : i32
    %broadcast_in_dim3A_195 = vector.broadcast %broadcast_in_dim3A_194 : i32 to vector<16xi32>
    %broadcast_in_dim3A_196 = arith.constant 29 : i32
    %broadcast_in_dim3A_197 = vector.broadcast %broadcast_in_dim3A_196 : i32 to vector<16xi32>
    %broadcast_in_dim3A_198 = arith.constant 30 : i32
    %broadcast_in_dim3A_199 = vector.broadcast %broadcast_in_dim3A_198 : i32 to vector<16xi32>
    %broadcast_in_dim3A_200 = arith.constant 31 : i32
    %broadcast_in_dim3A_201 = vector.broadcast %broadcast_in_dim3A_200 : i32 to vector<16xi32>
    %broadcast_in_dim3A_202 = arith.constant 32 : i32
    %broadcast_in_dim3A_203 = vector.broadcast %broadcast_in_dim3A_202 : i32 to vector<16xi32>
    %broadcast_in_dim3A_204 = arith.constant 33 : i32
    %broadcast_in_dim3A_205 = vector.broadcast %broadcast_in_dim3A_204 : i32 to vector<16xi32>
    %broadcast_in_dim3A_206 = arith.constant 34 : i32
    %broadcast_in_dim3A_207 = vector.broadcast %broadcast_in_dim3A_206 : i32 to vector<16xi32>
    %broadcast_in_dim3A_208 = arith.constant 35 : i32
    %broadcast_in_dim3A_209 = vector.broadcast %broadcast_in_dim3A_208 : i32 to vector<16xi32>
    %broadcast_in_dim3A_210 = arith.constant 36 : i32
    %broadcast_in_dim3A_211 = vector.broadcast %broadcast_in_dim3A_210 : i32 to vector<16xi32>
    %broadcast_in_dim3A_212 = arith.constant 37 : i32
    %broadcast_in_dim3A_213 = vector.broadcast %broadcast_in_dim3A_212 : i32 to vector<16xi32>
    %broadcast_in_dim3A_214 = arith.constant 38 : i32
    %broadcast_in_dim3A_215 = vector.broadcast %broadcast_in_dim3A_214 : i32 to vector<16xi32>
    %broadcast_in_dim3A_216 = arith.constant 39 : i32
    %broadcast_in_dim3A_217 = vector.broadcast %broadcast_in_dim3A_216 : i32 to vector<16xi32>
    %broadcast_in_dim3A_218 = arith.constant 40 : i32
    %broadcast_in_dim3A_219 = vector.broadcast %broadcast_in_dim3A_218 : i32 to vector<16xi32>
    %broadcast_in_dim3A_220 = arith.constant 41 : i32
    %broadcast_in_dim3A_221 = vector.broadcast %broadcast_in_dim3A_220 : i32 to vector<16xi32>
    %broadcast_in_dim3A_222 = arith.constant 42 : i32
    %broadcast_in_dim3A_223 = vector.broadcast %broadcast_in_dim3A_222 : i32 to vector<16xi32>
    %broadcast_in_dim3A_224 = arith.constant 43 : i32
    %broadcast_in_dim3A_225 = vector.broadcast %broadcast_in_dim3A_224 : i32 to vector<16xi32>
    %broadcast_in_dim3A_226 = arith.constant 44 : i32
    %broadcast_in_dim3A_227 = vector.broadcast %broadcast_in_dim3A_226 : i32 to vector<16xi32>
    %broadcast_in_dim3A_228 = arith.constant 45 : i32
    %broadcast_in_dim3A_229 = vector.broadcast %broadcast_in_dim3A_228 : i32 to vector<16xi32>
    %broadcast_in_dim3A_230 = arith.constant 46 : i32
    %broadcast_in_dim3A_231 = vector.broadcast %broadcast_in_dim3A_230 : i32 to vector<16xi32>
    %broadcast_in_dim3A_232 = arith.constant 47 : i32
    %broadcast_in_dim3A_233 = vector.broadcast %broadcast_in_dim3A_232 : i32 to vector<16xi32>
    %broadcast_in_dim3A_234 = arith.constant 48 : i32
    %broadcast_in_dim3A_235 = vector.broadcast %broadcast_in_dim3A_234 : i32 to vector<16xi32>
    %broadcast_in_dim3A_236 = arith.constant 49 : i32
    %broadcast_in_dim3A_237 = vector.broadcast %broadcast_in_dim3A_236 : i32 to vector<16xi32>
    %broadcast_in_dim3A_238 = arith.constant 50 : i32
    %broadcast_in_dim3A_239 = vector.broadcast %broadcast_in_dim3A_238 : i32 to vector<16xi32>
    %broadcast_in_dim3A_240 = arith.constant 51 : i32
    %broadcast_in_dim3A_241 = vector.broadcast %broadcast_in_dim3A_240 : i32 to vector<16xi32>
    %broadcast_in_dim3A_242 = arith.constant 52 : i32
    %broadcast_in_dim3A_243 = vector.broadcast %broadcast_in_dim3A_242 : i32 to vector<16xi32>
    %broadcast_in_dim3A_244 = arith.constant 53 : i32
    %broadcast_in_dim3A_245 = vector.broadcast %broadcast_in_dim3A_244 : i32 to vector<16xi32>
    %broadcast_in_dim3A_246 = arith.constant 54 : i32
    %broadcast_in_dim3A_247 = vector.broadcast %broadcast_in_dim3A_246 : i32 to vector<16xi32>
    %broadcast_in_dim3A_248 = arith.constant 55 : i32
    %broadcast_in_dim3A_249 = vector.broadcast %broadcast_in_dim3A_248 : i32 to vector<16xi32>
    %broadcast_in_dim3A_250 = arith.constant 56 : i32
    %broadcast_in_dim3A_251 = vector.broadcast %broadcast_in_dim3A_250 : i32 to vector<16xi32>
    %broadcast_in_dim3A_252 = arith.constant 57 : i32
    %broadcast_in_dim3A_253 = vector.broadcast %broadcast_in_dim3A_252 : i32 to vector<16xi32>
    %broadcast_in_dim3A_254 = arith.constant 58 : i32
    %broadcast_in_dim3A_255 = vector.broadcast %broadcast_in_dim3A_254 : i32 to vector<16xi32>
    %broadcast_in_dim3A_256 = arith.constant 59 : i32
    %broadcast_in_dim3A_257 = vector.broadcast %broadcast_in_dim3A_256 : i32 to vector<16xi32>
    %broadcast_in_dim3A_258 = arith.constant 60 : i32
    %broadcast_in_dim3A_259 = vector.broadcast %broadcast_in_dim3A_258 : i32 to vector<16xi32>
    %broadcast_in_dim3A_260 = arith.constant 61 : i32
    %broadcast_in_dim3A_261 = vector.broadcast %broadcast_in_dim3A_260 : i32 to vector<16xi32>
    %broadcast_in_dim3A_262 = arith.constant 62 : i32
    %broadcast_in_dim3A_263 = vector.broadcast %broadcast_in_dim3A_262 : i32 to vector<16xi32>
    %broadcast_in_dim3A_264 = arith.constant 63 : i32
    %broadcast_in_dim3A_265 = vector.broadcast %broadcast_in_dim3A_264 : i32 to vector<16xi32>
    %broadcast_in_dim3A_266 = arith.constant 64 : i32
    %broadcast_in_dim3A_267 = vector.broadcast %broadcast_in_dim3A_266 : i32 to vector<16xi32>
    %scan3A = arith.constant 0 : i32
    %scan3A_268 = arith.constant 0 : i32
    %scan3A_269 = arith.constant 16 : i32
    %scan3A_270 = arith.addi %scan3A_268, %scan3A_269 : i32
    %scan3A_271 = arith.constant 1 : i32
    scf.for %scan3A_273 = %scan3A_268 to %scan3A_270 step %scan3A_271  : i32 {
      %mul3A_274 = arith.constant 16 : i32
      %mul3A_275 = arith.muli %scan3A_273, %mul3A_274 : i32
      %add3A_276 = vector.broadcast %mul3A_275 : i32 to vector<16xi32>
      %add3A_277 = arith.addi %add3A_276, %iota3A : vector<16xi32>
      %mul3A_278 = arith.muli %add3A_277, %broadcast_in_dim3A_267 : vector<16xi32>
      %add3A_279 = arith.addi %mul3A_278, %broadcast_in_dim3A_139 : vector<16xi32>
      %add3A_280 = arith.addi %mul3A_278, %broadcast_in_dim3A_141 : vector<16xi32>
      %add3A_281 = arith.addi %mul3A_278, %broadcast_in_dim3A_143 : vector<16xi32>
      %add3A_282 = arith.addi %mul3A_278, %broadcast_in_dim3A_145 : vector<16xi32>
      %add3A_283 = arith.addi %mul3A_278, %broadcast_in_dim3A_147 : vector<16xi32>
      %add3A_284 = arith.addi %mul3A_278, %broadcast_in_dim3A_149 : vector<16xi32>
      %add3A_285 = arith.addi %mul3A_278, %broadcast_in_dim3A_151 : vector<16xi32>
      %add3A_286 = arith.addi %mul3A_278, %broadcast_in_dim3A_153 : vector<16xi32>
      %add3A_287 = arith.addi %mul3A_278, %broadcast_in_dim3A_155 : vector<16xi32>
      %add3A_288 = arith.addi %mul3A_278, %broadcast_in_dim3A_157 : vector<16xi32>
      %add3A_289 = arith.addi %mul3A_278, %broadcast_in_dim3A_159 : vector<16xi32>
      %add3A_290 = arith.addi %mul3A_278, %broadcast_in_dim3A_161 : vector<16xi32>
      %add3A_291 = arith.addi %mul3A_278, %broadcast_in_dim3A_163 : vector<16xi32>
      %add3A_292 = arith.addi %mul3A_278, %broadcast_in_dim3A_165 : vector<16xi32>
      %add3A_293 = arith.addi %mul3A_278, %broadcast_in_dim3A_167 : vector<16xi32>
      %add3A_294 = arith.addi %mul3A_278, %broadcast_in_dim3A_169 : vector<16xi32>
      %add3A_295 = arith.addi %mul3A_278, %broadcast_in_dim3A_171 : vector<16xi32>
      %add3A_296 = arith.addi %mul3A_278, %broadcast_in_dim3A_173 : vector<16xi32>
      %add3A_297 = arith.addi %mul3A_278, %broadcast_in_dim3A_175 : vector<16xi32>
      %add3A_298 = arith.addi %mul3A_278, %broadcast_in_dim3A_177 : vector<16xi32>
      %add3A_299 = arith.addi %mul3A_278, %broadcast_in_dim3A_179 : vector<16xi32>
      %add3A_300 = arith.addi %mul3A_278, %broadcast_in_dim3A_181 : vector<16xi32>
      %add3A_301 = arith.addi %mul3A_278, %broadcast_in_dim3A_183 : vector<16xi32>
      %add3A_302 = arith.addi %mul3A_278, %broadcast_in_dim3A_185 : vector<16xi32>
      %add3A_303 = arith.addi %mul3A_278, %broadcast_in_dim3A_187 : vector<16xi32>
      %add3A_304 = arith.addi %mul3A_278, %broadcast_in_dim3A_189 : vector<16xi32>
      %add3A_305 = arith.addi %mul3A_278, %broadcast_in_dim3A_191 : vector<16xi32>
      %add3A_306 = arith.addi %mul3A_278, %broadcast_in_dim3A_193 : vector<16xi32>
      %add3A_307 = arith.addi %mul3A_278, %broadcast_in_dim3A_195 : vector<16xi32>
      %add3A_308 = arith.addi %mul3A_278, %broadcast_in_dim3A_197 : vector<16xi32>
      %add3A_309 = arith.addi %mul3A_278, %broadcast_in_dim3A_199 : vector<16xi32>
      %add3A_310 = arith.addi %mul3A_278, %broadcast_in_dim3A_201 : vector<16xi32>
      %add3A_311 = arith.addi %mul3A_278, %broadcast_in_dim3A_203 : vector<16xi32>
      %add3A_312 = arith.addi %mul3A_278, %broadcast_in_dim3A_205 : vector<16xi32>
      %add3A_313 = arith.addi %mul3A_278, %broadcast_in_dim3A_207 : vector<16xi32>
      %add3A_314 = arith.addi %mul3A_278, %broadcast_in_dim3A_209 : vector<16xi32>
      %add3A_315 = arith.addi %mul3A_278, %broadcast_in_dim3A_211 : vector<16xi32>
      %add3A_316 = arith.addi %mul3A_278, %broadcast_in_dim3A_213 : vector<16xi32>
      %add3A_317 = arith.addi %mul3A_278, %broadcast_in_dim3A_215 : vector<16xi32>
      %add3A_318 = arith.addi %mul3A_278, %broadcast_in_dim3A_217 : vector<16xi32>
      %add3A_319 = arith.addi %mul3A_278, %broadcast_in_dim3A_219 : vector<16xi32>
      %add3A_320 = arith.addi %mul3A_278, %broadcast_in_dim3A_221 : vector<16xi32>
      %add3A_321 = arith.addi %mul3A_278, %broadcast_in_dim3A_223 : vector<16xi32>
      %add3A_322 = arith.addi %mul3A_278, %broadcast_in_dim3A_225 : vector<16xi32>
      %add3A_323 = arith.addi %mul3A_278, %broadcast_in_dim3A_227 : vector<16xi32>
      %add3A_324 = arith.addi %mul3A_278, %broadcast_in_dim3A_229 : vector<16xi32>
      %add3A_325 = arith.addi %mul3A_278, %broadcast_in_dim3A_231 : vector<16xi32>
      %add3A_326 = arith.addi %mul3A_278, %broadcast_in_dim3A_233 : vector<16xi32>
      %add3A_327 = arith.addi %mul3A_278, %broadcast_in_dim3A_235 : vector<16xi32>
      %add3A_328 = arith.addi %mul3A_278, %broadcast_in_dim3A_237 : vector<16xi32>
      %add3A_329 = arith.addi %mul3A_278, %broadcast_in_dim3A_239 : vector<16xi32>
      %add3A_330 = arith.addi %mul3A_278, %broadcast_in_dim3A_241 : vector<16xi32>
      %add3A_331 = arith.addi %mul3A_278, %broadcast_in_dim3A_243 : vector<16xi32>
      %add3A_332 = arith.addi %mul3A_278, %broadcast_in_dim3A_245 : vector<16xi32>
      %add3A_333 = arith.addi %mul3A_278, %broadcast_in_dim3A_247 : vector<16xi32>
      %add3A_334 = arith.addi %mul3A_278, %broadcast_in_dim3A_249 : vector<16xi32>
      %add3A_335 = arith.addi %mul3A_278, %broadcast_in_dim3A_251 : vector<16xi32>
      %add3A_336 = arith.addi %mul3A_278, %broadcast_in_dim3A_253 : vector<16xi32>
      %add3A_337 = arith.addi %mul3A_278, %broadcast_in_dim3A_255 : vector<16xi32>
      %add3A_338 = arith.addi %mul3A_278, %broadcast_in_dim3A_257 : vector<16xi32>
      %add3A_339 = arith.addi %mul3A_278, %broadcast_in_dim3A_259 : vector<16xi32>
      %add3A_340 = arith.addi %mul3A_278, %broadcast_in_dim3A_261 : vector<16xi32>
      %add3A_341 = arith.addi %mul3A_278, %broadcast_in_dim3A_263 : vector<16xi32>
      %add3A_342 = arith.addi %mul3A_278, %broadcast_in_dim3A_265 : vector<16xi32>
      %gather3A = tpu.vector_load_idx %arg4[%add3A_279] : memref<16384xf32, #tpu.memory_space<vmem>>[vector<16xi32>], vector<16xf32>,
      %gather3A_343 = tpu.vector_load_idx %arg4[%add3A_280] : memref<16384xf32, #tpu.memory_space<vmem>>[vector<16xi32>], vector<16xf32>,
      %gather3A_344 = tpu.vector_load_idx %arg4[%add3A_281] : memref<16384xf32, #tpu.memory_space<vmem>>[vector<16xi32>], vector<16xf32>,
      %gather3A_345 = tpu.vector_load_idx %arg4[%add3A_282] : memref<16384xf32, #tpu.memory_space<vmem>>[vector<16xi32>], vector<16xf32>,
      %gather3A_346 = tpu.vector_load_idx %arg4[%add3A_283] : memref<16384xf32, #tpu.memory_space<vmem>>[vector<16xi32>], vector<16xf32>,
      %gather3A_347 = tpu.vector_load_idx %arg4[%add3A_284] : memref<16384xf32, #tpu.memory_space<vmem>>[vector<16xi32>], vector<16xf32>,
      %gather3A_348 = tpu.vector_load_idx %arg4[%add3A_285] : memref<16384xf32, #tpu.memory_space<vmem>>[vector<16xi32>], vector<16xf32>,
      %gather3A_349 = tpu.vector_load_idx %arg4[%add3A_286] : memref<16384xf32, #tpu.memory_space<vmem>>[vector<16xi32>], vector<16xf32>,
      %gather3A_350 = tpu.vector_load_idx %arg4[%add3A_287] : memref<16384xf32, #tpu.memory_space<vmem>>[vector<16xi32>], vector<16xf32>,
      %gather3A_351 = tpu.vector_load_idx %arg4[%add3A_288] : memref<16384xf32, #tpu.memory_space<vmem>>[vector<16xi32>], vector<16xf32>,
      %gather3A_352 = tpu.vector_load_idx %arg4[%add3A_289] : memref<16384xf32, #tpu.memory_space<vmem>>[vector<16xi32>], vector<16xf32>,
      %gather3A_353 = tpu.vector_load_idx %arg4[%add3A_290] : memref<16384xf32, #tpu.memory_space<vmem>>[vector<16xi32>], vector<16xf32>,
      %gather3A_354 = tpu.vector_load_idx %arg4[%add3A_291] : memref<16384xf32, #tpu.memory_space<vmem>>[vector<16xi32>], vector<16xf32>,
      %gather3A_355 = tpu.vector_load_idx %arg4[%add3A_292] : memref<16384xf32, #tpu.memory_space<vmem>>[vector<16xi32>], vector<16xf32>,
      %gather3A_356 = tpu.vector_load_idx %arg4[%add3A_293] : memref<16384xf32, #tpu.memory_space<vmem>>[vector<16xi32>], vector<16xf32>,
      %gather3A_357 = tpu.vector_load_idx %arg4[%add3A_294] : memref<16384xf32, #tpu.memory_space<vmem>>[vector<16xi32>], vector<16xf32>,
      %gather3A_358 = tpu.vector_load_idx %arg4[%add3A_295] : memref<16384xf32, #tpu.memory_space<vmem>>[vector<16xi32>], vector<16xf32>,
      %gather3A_359 = tpu.vector_load_idx %arg4[%add3A_296] : memref<16384xf32, #tpu.memory_space<vmem>>[vector<16xi32>], vector<16xf32>,
      %gather3A_360 = tpu.vector_load_idx %arg4[%add3A_297] : memref<16384xf32, #tpu.memory_space<vmem>>[vector<16xi32>], vector<16xf32>,
      %gather3A_361 = tpu.vector_load_idx %arg4[%add3A_298] : memref<16384xf32, #tpu.memory_space<vmem>>[vector<16xi32>], vector<16xf32>,
      %gather3A_362 = tpu.vector_load_idx %arg4[%add3A_299] : memref<16384xf32, #tpu.memory_space<vmem>>[vector<16xi32>], vector<16xf32>,
      %gather3A_363 = tpu.vector_load_idx %arg4[%add3A_300] : memref<16384xf32, #tpu.memory_space<vmem>>[vector<16xi32>], vector<16xf32>,
      %gather3A_364 = tpu.vector_load_idx %arg4[%add3A_301] : memref<16384xf32, #tpu.memory_space<vmem>>[vector<16xi32>], vector<16xf32>,
      %gather3A_365 = tpu.vector_load_idx %arg4[%add3A_302] : memref<16384xf32, #tpu.memory_space<vmem>>[vector<16xi32>], vector<16xf32>,
      %gather3A_366 = tpu.vector_load_idx %arg4[%add3A_303] : memref<16384xf32, #tpu.memory_space<vmem>>[vector<16xi32>], vector<16xf32>,
      %gather3A_367 = tpu.vector_load_idx %arg4[%add3A_304] : memref<16384xf32, #tpu.memory_space<vmem>>[vector<16xi32>], vector<16xf32>,
      %gather3A_368 = tpu.vector_load_idx %arg4[%add3A_305] : memref<16384xf32, #tpu.memory_space<vmem>>[vector<16xi32>], vector<16xf32>,
      %gather3A_369 = tpu.vector_load_idx %arg4[%add3A_306] : memref<16384xf32, #tpu.memory_space<vmem>>[vector<16xi32>], vector<16xf32>,
      %gather3A_370 = tpu.vector_load_idx %arg4[%add3A_307] : memref<16384xf32, #tpu.memory_space<vmem>>[vector<16xi32>], vector<16xf32>,
      %gather3A_371 = tpu.vector_load_idx %arg4[%add3A_308] : memref<16384xf32, #tpu.memory_space<vmem>>[vector<16xi32>], vector<16xf32>,
      %gather3A_372 = tpu.vector_load_idx %arg4[%add3A_309] : memref<16384xf32, #tpu.memory_space<vmem>>[vector<16xi32>], vector<16xf32>,
      %gather3A_373 = tpu.vector_load_idx %arg4[%add3A_310] : memref<16384xf32, #tpu.memory_space<vmem>>[vector<16xi32>], vector<16xf32>,
      %gather3A_374 = tpu.vector_load_idx %arg4[%add3A_311] : memref<16384xf32, #tpu.memory_space<vmem>>[vector<16xi32>], vector<16xf32>,
      %gather3A_375 = tpu.vector_load_idx %arg4[%add3A_312] : memref<16384xf32, #tpu.memory_space<vmem>>[vector<16xi32>], vector<16xf32>,
      %gather3A_376 = tpu.vector_load_idx %arg4[%add3A_313] : memref<16384xf32, #tpu.memory_space<vmem>>[vector<16xi32>], vector<16xf32>,
      %gather3A_377 = tpu.vector_load_idx %arg4[%add3A_314] : memref<16384xf32, #tpu.memory_space<vmem>>[vector<16xi32>], vector<16xf32>,
      %gather3A_378 = tpu.vector_load_idx %arg4[%add3A_315] : memref<16384xf32, #tpu.memory_space<vmem>>[vector<16xi32>], vector<16xf32>,
      %gather3A_379 = tpu.vector_load_idx %arg4[%add3A_316] : memref<16384xf32, #tpu.memory_space<vmem>>[vector<16xi32>], vector<16xf32>,
      %gather3A_380 = tpu.vector_load_idx %arg4[%add3A_317] : memref<16384xf32, #tpu.memory_space<vmem>>[vector<16xi32>], vector<16xf32>,
      %gather3A_381 = tpu.vector_load_idx %arg4[%add3A_318] : memref<16384xf32, #tpu.memory_space<vmem>>[vector<16xi32>], vector<16xf32>,
      %gather3A_382 = tpu.vector_load_idx %arg4[%add3A_319] : memref<16384xf32, #tpu.memory_space<vmem>>[vector<16xi32>], vector<16xf32>,
      %gather3A_383 = tpu.vector_load_idx %arg4[%add3A_320] : memref<16384xf32, #tpu.memory_space<vmem>>[vector<16xi32>], vector<16xf32>,
      %gather3A_384 = tpu.vector_load_idx %arg4[%add3A_321] : memref<16384xf32, #tpu.memory_space<vmem>>[vector<16xi32>], vector<16xf32>,
      %gather3A_385 = tpu.vector_load_idx %arg4[%add3A_322] : memref<16384xf32, #tpu.memory_space<vmem>>[vector<16xi32>], vector<16xf32>,
      %gather3A_386 = tpu.vector_load_idx %arg4[%add3A_323] : memref<16384xf32, #tpu.memory_space<vmem>>[vector<16xi32>], vector<16xf32>,
      %gather3A_387 = tpu.vector_load_idx %arg4[%add3A_324] : memref<16384xf32, #tpu.memory_space<vmem>>[vector<16xi32>], vector<16xf32>,
      %gather3A_388 = tpu.vector_load_idx %arg4[%add3A_325] : memref<16384xf32, #tpu.memory_space<vmem>>[vector<16xi32>], vector<16xf32>,
      %gather3A_389 = tpu.vector_load_idx %arg4[%add3A_326] : memref<16384xf32, #tpu.memory_space<vmem>>[vector<16xi32>], vector<16xf32>,
      %gather3A_390 = tpu.vector_load_idx %arg4[%add3A_327] : memref<16384xf32, #tpu.memory_space<vmem>>[vector<16xi32>], vector<16xf32>,
      %gather3A_391 = tpu.vector_load_idx %arg4[%add3A_328] : memref<16384xf32, #tpu.memory_space<vmem>>[vector<16xi32>], vector<16xf32>,
      %gather3A_392 = tpu.vector_load_idx %arg4[%add3A_329] : memref<16384xf32, #tpu.memory_space<vmem>>[vector<16xi32>], vector<16xf32>,
      %gather3A_393 = tpu.vector_load_idx %arg4[%add3A_330] : memref<16384xf32, #tpu.memory_space<vmem>>[vector<16xi32>], vector<16xf32>,
      %gather3A_394 = tpu.vector_load_idx %arg4[%add3A_331] : memref<16384xf32, #tpu.memory_space<vmem>>[vector<16xi32>], vector<16xf32>,
      %gather3A_395 = tpu.vector_load_idx %arg4[%add3A_332] : memref<16384xf32, #tpu.memory_space<vmem>>[vector<16xi32>], vector<16xf32>,
      %gather3A_396 = tpu.vector_load_idx %arg4[%add3A_333] : memref<16384xf32, #tpu.memory_space<vmem>>[vector<16xi32>], vector<16xf32>,
      %gather3A_397 = tpu.vector_load_idx %arg4[%add3A_334] : memref<16384xf32, #tpu.memory_space<vmem>>[vector<16xi32>], vector<16xf32>,
      %gather3A_398 = tpu.vector_load_idx %arg4[%add3A_335] : memref<16384xf32, #tpu.memory_space<vmem>>[vector<16xi32>], vector<16xf32>,
      %gather3A_399 = tpu.vector_load_idx %arg4[%add3A_336] : memref<16384xf32, #tpu.memory_space<vmem>>[vector<16xi32>], vector<16xf32>,
      %gather3A_400 = tpu.vector_load_idx %arg4[%add3A_337] : memref<16384xf32, #tpu.memory_space<vmem>>[vector<16xi32>], vector<16xf32>,
      %gather3A_401 = tpu.vector_load_idx %arg4[%add3A_338] : memref<16384xf32, #tpu.memory_space<vmem>>[vector<16xi32>], vector<16xf32>,
      %gather3A_402 = tpu.vector_load_idx %arg4[%add3A_339] : memref<16384xf32, #tpu.memory_space<vmem>>[vector<16xi32>], vector<16xf32>,
      %gather3A_403 = tpu.vector_load_idx %arg4[%add3A_340] : memref<16384xf32, #tpu.memory_space<vmem>>[vector<16xi32>], vector<16xf32>,
      %gather3A_404 = tpu.vector_load_idx %arg4[%add3A_341] : memref<16384xf32, #tpu.memory_space<vmem>>[vector<16xi32>], vector<16xf32>,
      %gather3A_405 = tpu.vector_load_idx %arg4[%add3A_342] : memref<16384xf32, #tpu.memory_space<vmem>>[vector<16xi32>], vector<16xf32>,
      %max3A = arith.maximumf %gather3A, %gather3A_343 : vector<16xf32>
      %max3A_406 = arith.maximumf %max3A, %gather3A_344 : vector<16xf32>
      %max3A_407 = arith.maximumf %max3A_406, %gather3A_345 : vector<16xf32>
      %max3A_408 = arith.maximumf %max3A_407, %gather3A_346 : vector<16xf32>
      %max3A_409 = arith.maximumf %max3A_408, %gather3A_347 : vector<16xf32>
      %max3A_410 = arith.maximumf %max3A_409, %gather3A_348 : vector<16xf32>
      %max3A_411 = arith.maximumf %max3A_410, %gather3A_349 : vector<16xf32>
      %max3A_412 = arith.maximumf %max3A_411, %gather3A_350 : vector<16xf32>
      %max3A_413 = arith.maximumf %max3A_412, %gather3A_351 : vector<16xf32>
      %max3A_414 = arith.maximumf %max3A_413, %gather3A_352 : vector<16xf32>
      %max3A_415 = arith.maximumf %max3A_414, %gather3A_353 : vector<16xf32>
      %max3A_416 = arith.maximumf %max3A_415, %gather3A_354 : vector<16xf32>
      %max3A_417 = arith.maximumf %max3A_416, %gather3A_355 : vector<16xf32>
      %max3A_418 = arith.maximumf %max3A_417, %gather3A_356 : vector<16xf32>
      %max3A_419 = arith.maximumf %max3A_418, %gather3A_357 : vector<16xf32>
      %max3A_420 = arith.maximumf %max3A_419, %gather3A_358 : vector<16xf32>
      %max3A_421 = arith.maximumf %max3A_420, %gather3A_359 : vector<16xf32>
      %max3A_422 = arith.maximumf %max3A_421, %gather3A_360 : vector<16xf32>
      %max3A_423 = arith.maximumf %max3A_422, %gather3A_361 : vector<16xf32>
      %max3A_424 = arith.maximumf %max3A_423, %gather3A_362 : vector<16xf32>
      %max3A_425 = arith.maximumf %max3A_424, %gather3A_363 : vector<16xf32>
      %max3A_426 = arith.maximumf %max3A_425, %gather3A_364 : vector<16xf32>
      %max3A_427 = arith.maximumf %max3A_426, %gather3A_365 : vector<16xf32>
      %max3A_428 = arith.maximumf %max3A_427, %gather3A_366 : vector<16xf32>
      %max3A_429 = arith.maximumf %max3A_428, %gather3A_367 : vector<16xf32>
      %max3A_430 = arith.maximumf %max3A_429, %gather3A_368 : vector<16xf32>
      %max3A_431 = arith.maximumf %max3A_430, %gather3A_369 : vector<16xf32>
      %max3A_432 = arith.maximumf %max3A_431, %gather3A_370 : vector<16xf32>
      %max3A_433 = arith.maximumf %max3A_432, %gather3A_371 : vector<16xf32>
      %max3A_434 = arith.maximumf %max3A_433, %gather3A_372 : vector<16xf32>
      %max3A_435 = arith.maximumf %max3A_434, %gather3A_373 : vector<16xf32>
      %max3A_436 = arith.maximumf %max3A_435, %gather3A_374 : vector<16xf32>
      %max3A_437 = arith.maximumf %max3A_436, %gather3A_375 : vector<16xf32>
      %max3A_438 = arith.maximumf %max3A_437, %gather3A_376 : vector<16xf32>
      %max3A_439 = arith.maximumf %max3A_438, %gather3A_377 : vector<16xf32>
      %max3A_440 = arith.maximumf %max3A_439, %gather3A_378 : vector<16xf32>
      %max3A_441 = arith.maximumf %max3A_440, %gather3A_379 : vector<16xf32>
      %max3A_442 = arith.maximumf %max3A_441, %gather3A_380 : vector<16xf32>
      %max3A_443 = arith.maximumf %max3A_442, %gather3A_381 : vector<16xf32>
      %max3A_444 = arith.maximumf %max3A_443, %gather3A_382 : vector<16xf32>
      %max3A_445 = arith.maximumf %max3A_444, %gather3A_383 : vector<16xf32>
      %max3A_446 = arith.maximumf %max3A_445, %gather3A_384 : vector<16xf32>
      %max3A_447 = arith.maximumf %max3A_446, %gather3A_385 : vector<16xf32>
      %max3A_448 = arith.maximumf %max3A_447, %gather3A_386 : vector<16xf32>
      %max3A_449 = arith.maximumf %max3A_448, %gather3A_387 : vector<16xf32>
      %max3A_450 = arith.maximumf %max3A_449, %gather3A_388 : vector<16xf32>
      %max3A_451 = arith.maximumf %max3A_450, %gather3A_389 : vector<16xf32>
      %max3A_452 = arith.maximumf %max3A_451, %gather3A_390 : vector<16xf32>
      %max3A_453 = arith.maximumf %max3A_452, %gather3A_391 : vector<16xf32>
      %max3A_454 = arith.maximumf %max3A_453, %gather3A_392 : vector<16xf32>
      %max3A_455 = arith.maximumf %max3A_454, %gather3A_393 : vector<16xf32>
      %max3A_456 = arith.maximumf %max3A_455, %gather3A_394 : vector<16xf32>
      %max3A_457 = arith.maximumf %max3A_456, %gather3A_395 : vector<16xf32>
      %max3A_458 = arith.maximumf %max3A_457, %gather3A_396 : vector<16xf32>
      %max3A_459 = arith.maximumf %max3A_458, %gather3A_397 : vector<16xf32>
      %max3A_460 = arith.maximumf %max3A_459, %gather3A_398 : vector<16xf32>
      %max3A_461 = arith.maximumf %max3A_460, %gather3A_399 : vector<16xf32>
      %max3A_462 = arith.maximumf %max3A_461, %gather3A_400 : vector<16xf32>
      %max3A_463 = arith.maximumf %max3A_462, %gather3A_401 : vector<16xf32>
      %max3A_464 = arith.maximumf %max3A_463, %gather3A_402 : vector<16xf32>
      %max3A_465 = arith.maximumf %max3A_464, %gather3A_403 : vector<16xf32>
      %max3A_466 = arith.maximumf %max3A_465, %gather3A_404 : vector<16xf32>
      %max3A_467 = arith.maximumf %max3A_466, %gather3A_405 : vector<16xf32>
      %eq3A = arith.cmpf oeq, %gather3A, %max3A_467 : vector<16xf32>
      %select_n3A = arith.select %eq3A, %broadcast_in_dim3A_9, %broadcast_in_dim3A_137 : vector<16xi1>, vector<16xf32>
      %eq3A_468 = arith.cmpf oeq, %gather3A_343, %max3A_467 : vector<16xf32>
      %select_n3A_469 = arith.select %eq3A_468, %broadcast_in_dim3A_11, %broadcast_in_dim3A_137 : vector<16xi1>, vector<16xf32>
      %eq3A_470 = arith.cmpf oeq, %gather3A_344, %max3A_467 : vector<16xf32>
      %select_n3A_471 = arith.select %eq3A_470, %broadcast_in_dim3A_13, %broadcast_in_dim3A_137 : vector<16xi1>, vector<16xf32>
      %eq3A_472 = arith.cmpf oeq, %gather3A_345, %max3A_467 : vector<16xf32>
      %select_n3A_473 = arith.select %eq3A_472, %broadcast_in_dim3A_15, %broadcast_in_dim3A_137 : vector<16xi1>, vector<16xf32>
      %eq3A_474 = arith.cmpf oeq, %gather3A_346, %max3A_467 : vector<16xf32>
      %select_n3A_475 = arith.select %eq3A_474, %broadcast_in_dim3A_17, %broadcast_in_dim3A_137 : vector<16xi1>, vector<16xf32>
      %eq3A_476 = arith.cmpf oeq, %gather3A_347, %max3A_467 : vector<16xf32>
      %select_n3A_477 = arith.select %eq3A_476, %broadcast_in_dim3A_19, %broadcast_in_dim3A_137 : vector<16xi1>, vector<16xf32>
      %eq3A_478 = arith.cmpf oeq, %gather3A_348, %max3A_467 : vector<16xf32>
      %select_n3A_479 = arith.select %eq3A_478, %broadcast_in_dim3A_21, %broadcast_in_dim3A_137 : vector<16xi1>, vector<16xf32>
      %eq3A_480 = arith.cmpf oeq, %gather3A_349, %max3A_467 : vector<16xf32>
      %select_n3A_481 = arith.select %eq3A_480, %broadcast_in_dim3A_23, %broadcast_in_dim3A_137 : vector<16xi1>, vector<16xf32>
      %eq3A_482 = arith.cmpf oeq, %gather3A_350, %max3A_467 : vector<16xf32>
      %select_n3A_483 = arith.select %eq3A_482, %broadcast_in_dim3A_25, %broadcast_in_dim3A_137 : vector<16xi1>, vector<16xf32>
      %eq3A_484 = arith.cmpf oeq, %gather3A_351, %max3A_467 : vector<16xf32>
      %select_n3A_485 = arith.select %eq3A_484, %broadcast_in_dim3A_27, %broadcast_in_dim3A_137 : vector<16xi1>, vector<16xf32>
      %eq3A_486 = arith.cmpf oeq, %gather3A_352, %max3A_467 : vector<16xf32>
      %select_n3A_487 = arith.select %eq3A_486, %broadcast_in_dim3A_29, %broadcast_in_dim3A_137 : vector<16xi1>, vector<16xf32>
      %eq3A_488 = arith.cmpf oeq, %gather3A_353, %max3A_467 : vector<16xf32>
      %select_n3A_489 = arith.select %eq3A_488, %broadcast_in_dim3A_31, %broadcast_in_dim3A_137 : vector<16xi1>, vector<16xf32>
      %eq3A_490 = arith.cmpf oeq, %gather3A_354, %max3A_467 : vector<16xf32>
      %select_n3A_491 = arith.select %eq3A_490, %broadcast_in_dim3A_33, %broadcast_in_dim3A_137 : vector<16xi1>, vector<16xf32>
      %eq3A_492 = arith.cmpf oeq, %gather3A_355, %max3A_467 : vector<16xf32>
      %select_n3A_493 = arith.select %eq3A_492, %broadcast_in_dim3A_35, %broadcast_in_dim3A_137 : vector<16xi1>, vector<16xf32>
      %eq3A_494 = arith.cmpf oeq, %gather3A_356, %max3A_467 : vector<16xf32>
      %select_n3A_495 = arith.select %eq3A_494, %broadcast_in_dim3A_37, %broadcast_in_dim3A_137 : vector<16xi1>, vector<16xf32>
      %eq3A_496 = arith.cmpf oeq, %gather3A_357, %max3A_467 : vector<16xf32>
      %select_n3A_497 = arith.select %eq3A_496, %broadcast_in_dim3A_39, %broadcast_in_dim3A_137 : vector<16xi1>, vector<16xf32>
      %eq3A_498 = arith.cmpf oeq, %gather3A_358, %max3A_467 : vector<16xf32>
      %select_n3A_499 = arith.select %eq3A_498, %broadcast_in_dim3A_41, %broadcast_in_dim3A_137 : vector<16xi1>, vector<16xf32>
      %eq3A_500 = arith.cmpf oeq, %gather3A_359, %max3A_467 : vector<16xf32>
      %select_n3A_501 = arith.select %eq3A_500, %broadcast_in_dim3A_43, %broadcast_in_dim3A_137 : vector<16xi1>, vector<16xf32>
      %eq3A_502 = arith.cmpf oeq, %gather3A_360, %max3A_467 : vector<16xf32>
      %select_n3A_503 = arith.select %eq3A_502, %broadcast_in_dim3A_45, %broadcast_in_dim3A_137 : vector<16xi1>, vector<16xf32>
      %eq3A_504 = arith.cmpf oeq, %gather3A_361, %max3A_467 : vector<16xf32>
      %select_n3A_505 = arith.select %eq3A_504, %broadcast_in_dim3A_47, %broadcast_in_dim3A_137 : vector<16xi1>, vector<16xf32>
      %eq3A_506 = arith.cmpf oeq, %gather3A_362, %max3A_467 : vector<16xf32>
      %select_n3A_507 = arith.select %eq3A_506, %broadcast_in_dim3A_49, %broadcast_in_dim3A_137 : vector<16xi1>, vector<16xf32>
      %eq3A_508 = arith.cmpf oeq, %gather3A_363, %max3A_467 : vector<16xf32>
      %select_n3A_509 = arith.select %eq3A_508, %broadcast_in_dim3A_51, %broadcast_in_dim3A_137 : vector<16xi1>, vector<16xf32>
      %eq3A_510 = arith.cmpf oeq, %gather3A_364, %max3A_467 : vector<16xf32>
      %select_n3A_511 = arith.select %eq3A_510, %broadcast_in_dim3A_53, %broadcast_in_dim3A_137 : vector<16xi1>, vector<16xf32>
      %eq3A_512 = arith.cmpf oeq, %gather3A_365, %max3A_467 : vector<16xf32>
      %select_n3A_513 = arith.select %eq3A_512, %broadcast_in_dim3A_55, %broadcast_in_dim3A_137 : vector<16xi1>, vector<16xf32>
      %eq3A_514 = arith.cmpf oeq, %gather3A_366, %max3A_467 : vector<16xf32>
      %select_n3A_515 = arith.select %eq3A_514, %broadcast_in_dim3A_57, %broadcast_in_dim3A_137 : vector<16xi1>, vector<16xf32>
      %eq3A_516 = arith.cmpf oeq, %gather3A_367, %max3A_467 : vector<16xf32>
      %select_n3A_517 = arith.select %eq3A_516, %broadcast_in_dim3A_59, %broadcast_in_dim3A_137 : vector<16xi1>, vector<16xf32>
      %eq3A_518 = arith.cmpf oeq, %gather3A_368, %max3A_467 : vector<16xf32>
      %select_n3A_519 = arith.select %eq3A_518, %broadcast_in_dim3A_61, %broadcast_in_dim3A_137 : vector<16xi1>, vector<16xf32>
      %eq3A_520 = arith.cmpf oeq, %gather3A_369, %max3A_467 : vector<16xf32>
      %select_n3A_521 = arith.select %eq3A_520, %broadcast_in_dim3A_63, %broadcast_in_dim3A_137 : vector<16xi1>, vector<16xf32>
      %eq3A_522 = arith.cmpf oeq, %gather3A_370, %max3A_467 : vector<16xf32>
      %select_n3A_523 = arith.select %eq3A_522, %broadcast_in_dim3A_65, %broadcast_in_dim3A_137 : vector<16xi1>, vector<16xf32>
      %eq3A_524 = arith.cmpf oeq, %gather3A_371, %max3A_467 : vector<16xf32>
      %select_n3A_525 = arith.select %eq3A_524, %broadcast_in_dim3A_67, %broadcast_in_dim3A_137 : vector<16xi1>, vector<16xf32>
      %eq3A_526 = arith.cmpf oeq, %gather3A_372, %max3A_467 : vector<16xf32>
      %select_n3A_527 = arith.select %eq3A_526, %broadcast_in_dim3A_69, %broadcast_in_dim3A_137 : vector<16xi1>, vector<16xf32>
      %eq3A_528 = arith.cmpf oeq, %gather3A_373, %max3A_467 : vector<16xf32>
      %select_n3A_529 = arith.select %eq3A_528, %broadcast_in_dim3A_71, %broadcast_in_dim3A_137 : vector<16xi1>, vector<16xf32>
      %eq3A_530 = arith.cmpf oeq, %gather3A_374, %max3A_467 : vector<16xf32>
      %select_n3A_531 = arith.select %eq3A_530, %broadcast_in_dim3A_73, %broadcast_in_dim3A_137 : vector<16xi1>, vector<16xf32>
      %eq3A_532 = arith.cmpf oeq, %gather3A_375, %max3A_467 : vector<16xf32>
      %select_n3A_533 = arith.select %eq3A_532, %broadcast_in_dim3A_75, %broadcast_in_dim3A_137 : vector<16xi1>, vector<16xf32>
      %eq3A_534 = arith.cmpf oeq, %gather3A_376, %max3A_467 : vector<16xf32>
      %select_n3A_535 = arith.select %eq3A_534, %broadcast_in_dim3A_77, %broadcast_in_dim3A_137 : vector<16xi1>, vector<16xf32>
      %eq3A_536 = arith.cmpf oeq, %gather3A_377, %max3A_467 : vector<16xf32>
      %select_n3A_537 = arith.select %eq3A_536, %broadcast_in_dim3A_79, %broadcast_in_dim3A_137 : vector<16xi1>, vector<16xf32>
      %eq3A_538 = arith.cmpf oeq, %gather3A_378, %max3A_467 : vector<16xf32>
      %select_n3A_539 = arith.select %eq3A_538, %broadcast_in_dim3A_81, %broadcast_in_dim3A_137 : vector<16xi1>, vector<16xf32>
      %eq3A_540 = arith.cmpf oeq, %gather3A_379, %max3A_467 : vector<16xf32>
      %select_n3A_541 = arith.select %eq3A_540, %broadcast_in_dim3A_83, %broadcast_in_dim3A_137 : vector<16xi1>, vector<16xf32>
      %eq3A_542 = arith.cmpf oeq, %gather3A_380, %max3A_467 : vector<16xf32>
      %select_n3A_543 = arith.select %eq3A_542, %broadcast_in_dim3A_85, %broadcast_in_dim3A_137 : vector<16xi1>, vector<16xf32>
      %eq3A_544 = arith.cmpf oeq, %gather3A_381, %max3A_467 : vector<16xf32>
      %select_n3A_545 = arith.select %eq3A_544, %broadcast_in_dim3A_87, %broadcast_in_dim3A_137 : vector<16xi1>, vector<16xf32>
      %eq3A_546 = arith.cmpf oeq, %gather3A_382, %max3A_467 : vector<16xf32>
      %select_n3A_547 = arith.select %eq3A_546, %broadcast_in_dim3A_89, %broadcast_in_dim3A_137 : vector<16xi1>, vector<16xf32>
      %eq3A_548 = arith.cmpf oeq, %gather3A_383, %max3A_467 : vector<16xf32>
      %select_n3A_549 = arith.select %eq3A_548, %broadcast_in_dim3A_91, %broadcast_in_dim3A_137 : vector<16xi1>, vector<16xf32>
      %eq3A_550 = arith.cmpf oeq, %gather3A_384, %max3A_467 : vector<16xf32>
      %select_n3A_551 = arith.select %eq3A_550, %broadcast_in_dim3A_93, %broadcast_in_dim3A_137 : vector<16xi1>, vector<16xf32>
      %eq3A_552 = arith.cmpf oeq, %gather3A_385, %max3A_467 : vector<16xf32>
      %select_n3A_553 = arith.select %eq3A_552, %broadcast_in_dim3A_95, %broadcast_in_dim3A_137 : vector<16xi1>, vector<16xf32>
      %eq3A_554 = arith.cmpf oeq, %gather3A_386, %max3A_467 : vector<16xf32>
      %select_n3A_555 = arith.select %eq3A_554, %broadcast_in_dim3A_97, %broadcast_in_dim3A_137 : vector<16xi1>, vector<16xf32>
      %eq3A_556 = arith.cmpf oeq, %gather3A_387, %max3A_467 : vector<16xf32>
      %select_n3A_557 = arith.select %eq3A_556, %broadcast_in_dim3A_99, %broadcast_in_dim3A_137 : vector<16xi1>, vector<16xf32>
      %eq3A_558 = arith.cmpf oeq, %gather3A_388, %max3A_467 : vector<16xf32>
      %select_n3A_559 = arith.select %eq3A_558, %broadcast_in_dim3A_101, %broadcast_in_dim3A_137 : vector<16xi1>, vector<16xf32>
      %eq3A_560 = arith.cmpf oeq, %gather3A_389, %max3A_467 : vector<16xf32>
      %select_n3A_561 = arith.select %eq3A_560, %broadcast_in_dim3A_103, %broadcast_in_dim3A_137 : vector<16xi1>, vector<16xf32>
      %eq3A_562 = arith.cmpf oeq, %gather3A_390, %max3A_467 : vector<16xf32>
      %select_n3A_563 = arith.select %eq3A_562, %broadcast_in_dim3A_105, %broadcast_in_dim3A_137 : vector<16xi1>, vector<16xf32>
      %eq3A_564 = arith.cmpf oeq, %gather3A_391, %max3A_467 : vector<16xf32>
      %select_n3A_565 = arith.select %eq3A_564, %broadcast_in_dim3A_107, %broadcast_in_dim3A_137 : vector<16xi1>, vector<16xf32>
      %eq3A_566 = arith.cmpf oeq, %gather3A_392, %max3A_467 : vector<16xf32>
      %select_n3A_567 = arith.select %eq3A_566, %broadcast_in_dim3A_109, %broadcast_in_dim3A_137 : vector<16xi1>, vector<16xf32>
      %eq3A_568 = arith.cmpf oeq, %gather3A_393, %max3A_467 : vector<16xf32>
      %select_n3A_569 = arith.select %eq3A_568, %broadcast_in_dim3A_111, %broadcast_in_dim3A_137 : vector<16xi1>, vector<16xf32>
      %eq3A_570 = arith.cmpf oeq, %gather3A_394, %max3A_467 : vector<16xf32>
      %select_n3A_571 = arith.select %eq3A_570, %broadcast_in_dim3A_113, %broadcast_in_dim3A_137 : vector<16xi1>, vector<16xf32>
      %eq3A_572 = arith.cmpf oeq, %gather3A_395, %max3A_467 : vector<16xf32>
      %select_n3A_573 = arith.select %eq3A_572, %broadcast_in_dim3A_115, %broadcast_in_dim3A_137 : vector<16xi1>, vector<16xf32>
      %eq3A_574 = arith.cmpf oeq, %gather3A_396, %max3A_467 : vector<16xf32>
      %select_n3A_575 = arith.select %eq3A_574, %broadcast_in_dim3A_117, %broadcast_in_dim3A_137 : vector<16xi1>, vector<16xf32>
      %eq3A_576 = arith.cmpf oeq, %gather3A_397, %max3A_467 : vector<16xf32>
      %select_n3A_577 = arith.select %eq3A_576, %broadcast_in_dim3A_119, %broadcast_in_dim3A_137 : vector<16xi1>, vector<16xf32>
      %eq3A_578 = arith.cmpf oeq, %gather3A_398, %max3A_467 : vector<16xf32>
      %select_n3A_579 = arith.select %eq3A_578, %broadcast_in_dim3A_121, %broadcast_in_dim3A_137 : vector<16xi1>, vector<16xf32>
      %eq3A_580 = arith.cmpf oeq, %gather3A_399, %max3A_467 : vector<16xf32>
      %select_n3A_581 = arith.select %eq3A_580, %broadcast_in_dim3A_123, %broadcast_in_dim3A_137 : vector<16xi1>, vector<16xf32>
      %eq3A_582 = arith.cmpf oeq, %gather3A_400, %max3A_467 : vector<16xf32>
      %select_n3A_583 = arith.select %eq3A_582, %broadcast_in_dim3A_125, %broadcast_in_dim3A_137 : vector<16xi1>, vector<16xf32>
      %eq3A_584 = arith.cmpf oeq, %gather3A_401, %max3A_467 : vector<16xf32>
      %select_n3A_585 = arith.select %eq3A_584, %broadcast_in_dim3A_127, %broadcast_in_dim3A_137 : vector<16xi1>, vector<16xf32>
      %eq3A_586 = arith.cmpf oeq, %gather3A_402, %max3A_467 : vector<16xf32>
      %select_n3A_587 = arith.select %eq3A_586, %broadcast_in_dim3A_129, %broadcast_in_dim3A_137 : vector<16xi1>, vector<16xf32>
      %eq3A_588 = arith.cmpf oeq, %gather3A_403, %max3A_467 : vector<16xf32>
      %select_n3A_589 = arith.select %eq3A_588, %broadcast_in_dim3A_131, %broadcast_in_dim3A_137 : vector<16xi1>, vector<16xf32>
      %eq3A_590 = arith.cmpf oeq, %gather3A_404, %max3A_467 : vector<16xf32>
      %select_n3A_591 = arith.select %eq3A_590, %broadcast_in_dim3A_133, %broadcast_in_dim3A_137 : vector<16xi1>, vector<16xf32>
      %eq3A_592 = arith.cmpf oeq, %gather3A_405, %max3A_467 : vector<16xf32>
      %select_n3A_593 = arith.select %eq3A_592, %broadcast_in_dim3A_135, %broadcast_in_dim3A_137 : vector<16xi1>, vector<16xf32>
      %min3A = arith.minimumf %select_n3A, %select_n3A_469 : vector<16xf32>
      %min3A_594 = arith.minimumf %min3A, %select_n3A_471 : vector<16xf32>
      %min3A_595 = arith.minimumf %min3A_594, %select_n3A_473 : vector<16xf32>
      %min3A_596 = arith.minimumf %min3A_595, %select_n3A_475 : vector<16xf32>
      %min3A_597 = arith.minimumf %min3A_596, %select_n3A_477 : vector<16xf32>
      %min3A_598 = arith.minimumf %min3A_597, %select_n3A_479 : vector<16xf32>
      %min3A_599 = arith.minimumf %min3A_598, %select_n3A_481 : vector<16xf32>
      %min3A_600 = arith.minimumf %min3A_599, %select_n3A_483 : vector<16xf32>
      %min3A_601 = arith.minimumf %min3A_600, %select_n3A_485 : vector<16xf32>
      %min3A_602 = arith.minimumf %min3A_601, %select_n3A_487 : vector<16xf32>
      %min3A_603 = arith.minimumf %min3A_602, %select_n3A_489 : vector<16xf32>
      %min3A_604 = arith.minimumf %min3A_603, %select_n3A_491 : vector<16xf32>
      %min3A_605 = arith.minimumf %min3A_604, %select_n3A_493 : vector<16xf32>
      %min3A_606 = arith.minimumf %min3A_605, %select_n3A_495 : vector<16xf32>
      %min3A_607 = arith.minimumf %min3A_606, %select_n3A_497 : vector<16xf32>
      %min3A_608 = arith.minimumf %min3A_607, %select_n3A_499 : vector<16xf32>
      %min3A_609 = arith.minimumf %min3A_608, %select_n3A_501 : vector<16xf32>
      %min3A_610 = arith.minimumf %min3A_609, %select_n3A_503 : vector<16xf32>
      %min3A_611 = arith.minimumf %min3A_610, %select_n3A_505 : vector<16xf32>
      %min3A_612 = arith.minimumf %min3A_611, %select_n3A_507 : vector<16xf32>
      %min3A_613 = arith.minimumf %min3A_612, %select_n3A_509 : vector<16xf32>
      %min3A_614 = arith.minimumf %min3A_613, %select_n3A_511 : vector<16xf32>
      %min3A_615 = arith.minimumf %min3A_614, %select_n3A_513 : vector<16xf32>
      %min3A_616 = arith.minimumf %min3A_615, %select_n3A_515 : vector<16xf32>
      %min3A_617 = arith.minimumf %min3A_616, %select_n3A_517 : vector<16xf32>
      %min3A_618 = arith.minimumf %min3A_617, %select_n3A_519 : vector<16xf32>
      %min3A_619 = arith.minimumf %min3A_618, %select_n3A_521 : vector<16xf32>
      %min3A_620 = arith.minimumf %min3A_619, %select_n3A_523 : vector<16xf32>
      %min3A_621 = arith.minimumf %min3A_620, %select_n3A_525 : vector<16xf32>
      %min3A_622 = arith.minimumf %min3A_621, %select_n3A_527 : vector<16xf32>
      %min3A_623 = arith.minimumf %min3A_622, %select_n3A_529 : vector<16xf32>
      %min3A_624 = arith.minimumf %min3A_623, %select_n3A_531 : vector<16xf32>
      %min3A_625 = arith.minimumf %min3A_624, %select_n3A_533 : vector<16xf32>
      %min3A_626 = arith.minimumf %min3A_625, %select_n3A_535 : vector<16xf32>
      %min3A_627 = arith.minimumf %min3A_626, %select_n3A_537 : vector<16xf32>
      %min3A_628 = arith.minimumf %min3A_627, %select_n3A_539 : vector<16xf32>
      %min3A_629 = arith.minimumf %min3A_628, %select_n3A_541 : vector<16xf32>
      %min3A_630 = arith.minimumf %min3A_629, %select_n3A_543 : vector<16xf32>
      %min3A_631 = arith.minimumf %min3A_630, %select_n3A_545 : vector<16xf32>
      %min3A_632 = arith.minimumf %min3A_631, %select_n3A_547 : vector<16xf32>
      %min3A_633 = arith.minimumf %min3A_632, %select_n3A_549 : vector<16xf32>
      %min3A_634 = arith.minimumf %min3A_633, %select_n3A_551 : vector<16xf32>
      %min3A_635 = arith.minimumf %min3A_634, %select_n3A_553 : vector<16xf32>
      %min3A_636 = arith.minimumf %min3A_635, %select_n3A_555 : vector<16xf32>
      %min3A_637 = arith.minimumf %min3A_636, %select_n3A_557 : vector<16xf32>
      %min3A_638 = arith.minimumf %min3A_637, %select_n3A_559 : vector<16xf32>
      %min3A_639 = arith.minimumf %min3A_638, %select_n3A_561 : vector<16xf32>
      %min3A_640 = arith.minimumf %min3A_639, %select_n3A_563 : vector<16xf32>
      %min3A_641 = arith.minimumf %min3A_640, %select_n3A_565 : vector<16xf32>
      %min3A_642 = arith.minimumf %min3A_641, %select_n3A_567 : vector<16xf32>
      %min3A_643 = arith.minimumf %min3A_642, %select_n3A_569 : vector<16xf32>
      %min3A_644 = arith.minimumf %min3A_643, %select_n3A_571 : vector<16xf32>
      %min3A_645 = arith.minimumf %min3A_644, %select_n3A_573 : vector<16xf32>
      %min3A_646 = arith.minimumf %min3A_645, %select_n3A_575 : vector<16xf32>
      %min3A_647 = arith.minimumf %min3A_646, %select_n3A_577 : vector<16xf32>
      %min3A_648 = arith.minimumf %min3A_647, %select_n3A_579 : vector<16xf32>
      %min3A_649 = arith.minimumf %min3A_648, %select_n3A_581 : vector<16xf32>
      %min3A_650 = arith.minimumf %min3A_649, %select_n3A_583 : vector<16xf32>
      %min3A_651 = arith.minimumf %min3A_650, %select_n3A_585 : vector<16xf32>
      %min3A_652 = arith.minimumf %min3A_651, %select_n3A_587 : vector<16xf32>
      %min3A_653 = arith.minimumf %min3A_652, %select_n3A_589 : vector<16xf32>
      %min3A_654 = arith.minimumf %min3A_653, %select_n3A_591 : vector<16xf32>
      %min3A_655 = arith.minimumf %min3A_654, %select_n3A_593 : vector<16xf32>
      %eq3A_656 = arith.cmpf oeq, %select_n3A, %min3A_655 : vector<16xf32>
      %eq3A_657 = arith.cmpf oeq, %select_n3A_469, %min3A_655 : vector<16xf32>
      %eq3A_658 = arith.cmpf oeq, %select_n3A_471, %min3A_655 : vector<16xf32>
      %eq3A_659 = arith.cmpf oeq, %select_n3A_473, %min3A_655 : vector<16xf32>
      %eq3A_660 = arith.cmpf oeq, %select_n3A_475, %min3A_655 : vector<16xf32>
      %eq3A_661 = arith.cmpf oeq, %select_n3A_477, %min3A_655 : vector<16xf32>
      %eq3A_662 = arith.cmpf oeq, %select_n3A_479, %min3A_655 : vector<16xf32>
      %eq3A_663 = arith.cmpf oeq, %select_n3A_481, %min3A_655 : vector<16xf32>
      %eq3A_664 = arith.cmpf oeq, %select_n3A_483, %min3A_655 : vector<16xf32>
      %eq3A_665 = arith.cmpf oeq, %select_n3A_485, %min3A_655 : vector<16xf32>
      %eq3A_666 = arith.cmpf oeq, %select_n3A_487, %min3A_655 : vector<16xf32>
      %eq3A_667 = arith.cmpf oeq, %select_n3A_489, %min3A_655 : vector<16xf32>
      %eq3A_668 = arith.cmpf oeq, %select_n3A_491, %min3A_655 : vector<16xf32>
      %eq3A_669 = arith.cmpf oeq, %select_n3A_493, %min3A_655 : vector<16xf32>
      %eq3A_670 = arith.cmpf oeq, %select_n3A_495, %min3A_655 : vector<16xf32>
      %eq3A_671 = arith.cmpf oeq, %select_n3A_497, %min3A_655 : vector<16xf32>
      %eq3A_672 = arith.cmpf oeq, %select_n3A_499, %min3A_655 : vector<16xf32>
      %eq3A_673 = arith.cmpf oeq, %select_n3A_501, %min3A_655 : vector<16xf32>
      %eq3A_674 = arith.cmpf oeq, %select_n3A_503, %min3A_655 : vector<16xf32>
      %eq3A_675 = arith.cmpf oeq, %select_n3A_505, %min3A_655 : vector<16xf32>
      %eq3A_676 = arith.cmpf oeq, %select_n3A_507, %min3A_655 : vector<16xf32>
      %eq3A_677 = arith.cmpf oeq, %select_n3A_509, %min3A_655 : vector<16xf32>
      %eq3A_678 = arith.cmpf oeq, %select_n3A_511, %min3A_655 : vector<16xf32>
      %eq3A_679 = arith.cmpf oeq, %select_n3A_513, %min3A_655 : vector<16xf32>
      %eq3A_680 = arith.cmpf oeq, %select_n3A_515, %min3A_655 : vector<16xf32>
      %eq3A_681 = arith.cmpf oeq, %select_n3A_517, %min3A_655 : vector<16xf32>
      %eq3A_682 = arith.cmpf oeq, %select_n3A_519, %min3A_655 : vector<16xf32>
      %eq3A_683 = arith.cmpf oeq, %select_n3A_521, %min3A_655 : vector<16xf32>
      %eq3A_684 = arith.cmpf oeq, %select_n3A_523, %min3A_655 : vector<16xf32>
      %eq3A_685 = arith.cmpf oeq, %select_n3A_525, %min3A_655 : vector<16xf32>
      %eq3A_686 = arith.cmpf oeq, %select_n3A_527, %min3A_655 : vector<16xf32>
      %eq3A_687 = arith.cmpf oeq, %select_n3A_529, %min3A_655 : vector<16xf32>
      %eq3A_688 = arith.cmpf oeq, %select_n3A_531, %min3A_655 : vector<16xf32>
      %eq3A_689 = arith.cmpf oeq, %select_n3A_533, %min3A_655 : vector<16xf32>
      %eq3A_690 = arith.cmpf oeq, %select_n3A_535, %min3A_655 : vector<16xf32>
      %eq3A_691 = arith.cmpf oeq, %select_n3A_537, %min3A_655 : vector<16xf32>
      %eq3A_692 = arith.cmpf oeq, %select_n3A_539, %min3A_655 : vector<16xf32>
      %eq3A_693 = arith.cmpf oeq, %select_n3A_541, %min3A_655 : vector<16xf32>
      %eq3A_694 = arith.cmpf oeq, %select_n3A_543, %min3A_655 : vector<16xf32>
      %eq3A_695 = arith.cmpf oeq, %select_n3A_545, %min3A_655 : vector<16xf32>
      %eq3A_696 = arith.cmpf oeq, %select_n3A_547, %min3A_655 : vector<16xf32>
      %eq3A_697 = arith.cmpf oeq, %select_n3A_549, %min3A_655 : vector<16xf32>
      %eq3A_698 = arith.cmpf oeq, %select_n3A_551, %min3A_655 : vector<16xf32>
      %eq3A_699 = arith.cmpf oeq, %select_n3A_553, %min3A_655 : vector<16xf32>
      %eq3A_700 = arith.cmpf oeq, %select_n3A_555, %min3A_655 : vector<16xf32>
      %eq3A_701 = arith.cmpf oeq, %select_n3A_557, %min3A_655 : vector<16xf32>
      %eq3A_702 = arith.cmpf oeq, %select_n3A_559, %min3A_655 : vector<16xf32>
      %eq3A_703 = arith.cmpf oeq, %select_n3A_561, %min3A_655 : vector<16xf32>
      %eq3A_704 = arith.cmpf oeq, %select_n3A_563, %min3A_655 : vector<16xf32>
      %eq3A_705 = arith.cmpf oeq, %select_n3A_565, %min3A_655 : vector<16xf32>
      %eq3A_706 = arith.cmpf oeq, %select_n3A_567, %min3A_655 : vector<16xf32>
      %eq3A_707 = arith.cmpf oeq, %select_n3A_569, %min3A_655 : vector<16xf32>
      %eq3A_708 = arith.cmpf oeq, %select_n3A_571, %min3A_655 : vector<16xf32>
      %eq3A_709 = arith.cmpf oeq, %select_n3A_573, %min3A_655 : vector<16xf32>
      %eq3A_710 = arith.cmpf oeq, %select_n3A_575, %min3A_655 : vector<16xf32>
      %eq3A_711 = arith.cmpf oeq, %select_n3A_577, %min3A_655 : vector<16xf32>
      %eq3A_712 = arith.cmpf oeq, %select_n3A_579, %min3A_655 : vector<16xf32>
      %eq3A_713 = arith.cmpf oeq, %select_n3A_581, %min3A_655 : vector<16xf32>
      %eq3A_714 = arith.cmpf oeq, %select_n3A_583, %min3A_655 : vector<16xf32>
      %eq3A_715 = arith.cmpf oeq, %select_n3A_585, %min3A_655 : vector<16xf32>
      %eq3A_716 = arith.cmpf oeq, %select_n3A_587, %min3A_655 : vector<16xf32>
      %eq3A_717 = arith.cmpf oeq, %select_n3A_589, %min3A_655 : vector<16xf32>
      %eq3A_718 = arith.cmpf oeq, %select_n3A_591, %min3A_655 : vector<16xf32>
      %eq3A_719 = arith.cmpf oeq, %select_n3A_593, %min3A_655 : vector<16xf32>
      %select_n3A_720 = arith.select %eq3A_656, %broadcast_in_dim3A_3, %gather3A : vector<16xi1>, vector<16xf32>
      %select_n3A_721 = arith.select %eq3A_657, %broadcast_in_dim3A_3, %gather3A_343 : vector<16xi1>, vector<16xf32>
      %select_n3A_722 = arith.select %eq3A_658, %broadcast_in_dim3A_3, %gather3A_344 : vector<16xi1>, vector<16xf32>
      %select_n3A_723 = arith.select %eq3A_659, %broadcast_in_dim3A_3, %gather3A_345 : vector<16xi1>, vector<16xf32>
      %select_n3A_724 = arith.select %eq3A_660, %broadcast_in_dim3A_3, %gather3A_346 : vector<16xi1>, vector<16xf32>
      %select_n3A_725 = arith.select %eq3A_661, %broadcast_in_dim3A_3, %gather3A_347 : vector<16xi1>, vector<16xf32>
      %select_n3A_726 = arith.select %eq3A_662, %broadcast_in_dim3A_3, %gather3A_348 : vector<16xi1>, vector<16xf32>
      %select_n3A_727 = arith.select %eq3A_663, %broadcast_in_dim3A_3, %gather3A_349 : vector<16xi1>, vector<16xf32>
      %select_n3A_728 = arith.select %eq3A_664, %broadcast_in_dim3A_3, %gather3A_350 : vector<16xi1>, vector<16xf32>
      %select_n3A_729 = arith.select %eq3A_665, %broadcast_in_dim3A_3, %gather3A_351 : vector<16xi1>, vector<16xf32>
      %select_n3A_730 = arith.select %eq3A_666, %broadcast_in_dim3A_3, %gather3A_352 : vector<16xi1>, vector<16xf32>
      %select_n3A_731 = arith.select %eq3A_667, %broadcast_in_dim3A_3, %gather3A_353 : vector<16xi1>, vector<16xf32>
      %select_n3A_732 = arith.select %eq3A_668, %broadcast_in_dim3A_3, %gather3A_354 : vector<16xi1>, vector<16xf32>
      %select_n3A_733 = arith.select %eq3A_669, %broadcast_in_dim3A_3, %gather3A_355 : vector<16xi1>, vector<16xf32>
      %select_n3A_734 = arith.select %eq3A_670, %broadcast_in_dim3A_3, %gather3A_356 : vector<16xi1>, vector<16xf32>
      %select_n3A_735 = arith.select %eq3A_671, %broadcast_in_dim3A_3, %gather3A_357 : vector<16xi1>, vector<16xf32>
      %select_n3A_736 = arith.select %eq3A_672, %broadcast_in_dim3A_3, %gather3A_358 : vector<16xi1>, vector<16xf32>
      %select_n3A_737 = arith.select %eq3A_673, %broadcast_in_dim3A_3, %gather3A_359 : vector<16xi1>, vector<16xf32>
      %select_n3A_738 = arith.select %eq3A_674, %broadcast_in_dim3A_3, %gather3A_360 : vector<16xi1>, vector<16xf32>
      %select_n3A_739 = arith.select %eq3A_675, %broadcast_in_dim3A_3, %gather3A_361 : vector<16xi1>, vector<16xf32>
      %select_n3A_740 = arith.select %eq3A_676, %broadcast_in_dim3A_3, %gather3A_362 : vector<16xi1>, vector<16xf32>
      %select_n3A_741 = arith.select %eq3A_677, %broadcast_in_dim3A_3, %gather3A_363 : vector<16xi1>, vector<16xf32>
      %select_n3A_742 = arith.select %eq3A_678, %broadcast_in_dim3A_3, %gather3A_364 : vector<16xi1>, vector<16xf32>
      %select_n3A_743 = arith.select %eq3A_679, %broadcast_in_dim3A_3, %gather3A_365 : vector<16xi1>, vector<16xf32>
      %select_n3A_744 = arith.select %eq3A_680, %broadcast_in_dim3A_3, %gather3A_366 : vector<16xi1>, vector<16xf32>
      %select_n3A_745 = arith.select %eq3A_681, %broadcast_in_dim3A_3, %gather3A_367 : vector<16xi1>, vector<16xf32>
      %select_n3A_746 = arith.select %eq3A_682, %broadcast_in_dim3A_3, %gather3A_368 : vector<16xi1>, vector<16xf32>
      %select_n3A_747 = arith.select %eq3A_683, %broadcast_in_dim3A_3, %gather3A_369 : vector<16xi1>, vector<16xf32>
      %select_n3A_748 = arith.select %eq3A_684, %broadcast_in_dim3A_3, %gather3A_370 : vector<16xi1>, vector<16xf32>
      %select_n3A_749 = arith.select %eq3A_685, %broadcast_in_dim3A_3, %gather3A_371 : vector<16xi1>, vector<16xf32>
      %select_n3A_750 = arith.select %eq3A_686, %broadcast_in_dim3A_3, %gather3A_372 : vector<16xi1>, vector<16xf32>
      %select_n3A_751 = arith.select %eq3A_687, %broadcast_in_dim3A_3, %gather3A_373 : vector<16xi1>, vector<16xf32>
      %select_n3A_752 = arith.select %eq3A_688, %broadcast_in_dim3A_3, %gather3A_374 : vector<16xi1>, vector<16xf32>
      %select_n3A_753 = arith.select %eq3A_689, %broadcast_in_dim3A_3, %gather3A_375 : vector<16xi1>, vector<16xf32>
      %select_n3A_754 = arith.select %eq3A_690, %broadcast_in_dim3A_3, %gather3A_376 : vector<16xi1>, vector<16xf32>
      %select_n3A_755 = arith.select %eq3A_691, %broadcast_in_dim3A_3, %gather3A_377 : vector<16xi1>, vector<16xf32>
      %select_n3A_756 = arith.select %eq3A_692, %broadcast_in_dim3A_3, %gather3A_378 : vector<16xi1>, vector<16xf32>
      %select_n3A_757 = arith.select %eq3A_693, %broadcast_in_dim3A_3, %gather3A_379 : vector<16xi1>, vector<16xf32>
      %select_n3A_758 = arith.select %eq3A_694, %broadcast_in_dim3A_3, %gather3A_380 : vector<16xi1>, vector<16xf32>
      %select_n3A_759 = arith.select %eq3A_695, %broadcast_in_dim3A_3, %gather3A_381 : vector<16xi1>, vector<16xf32>
      %select_n3A_760 = arith.select %eq3A_696, %broadcast_in_dim3A_3, %gather3A_382 : vector<16xi1>, vector<16xf32>
      %select_n3A_761 = arith.select %eq3A_697, %broadcast_in_dim3A_3, %gather3A_383 : vector<16xi1>, vector<16xf32>
      %select_n3A_762 = arith.select %eq3A_698, %broadcast_in_dim3A_3, %gather3A_384 : vector<16xi1>, vector<16xf32>
      %select_n3A_763 = arith.select %eq3A_699, %broadcast_in_dim3A_3, %gather3A_385 : vector<16xi1>, vector<16xf32>
      %select_n3A_764 = arith.select %eq3A_700, %broadcast_in_dim3A_3, %gather3A_386 : vector<16xi1>, vector<16xf32>
      %select_n3A_765 = arith.select %eq3A_701, %broadcast_in_dim3A_3, %gather3A_387 : vector<16xi1>, vector<16xf32>
      %select_n3A_766 = arith.select %eq3A_702, %broadcast_in_dim3A_3, %gather3A_388 : vector<16xi1>, vector<16xf32>
      %select_n3A_767 = arith.select %eq3A_703, %broadcast_in_dim3A_3, %gather3A_389 : vector<16xi1>, vector<16xf32>
      %select_n3A_768 = arith.select %eq3A_704, %broadcast_in_dim3A_3, %gather3A_390 : vector<16xi1>, vector<16xf32>
      %select_n3A_769 = arith.select %eq3A_705, %broadcast_in_dim3A_3, %gather3A_391 : vector<16xi1>, vector<16xf32>
      %select_n3A_770 = arith.select %eq3A_706, %broadcast_in_dim3A_3, %gather3A_392 : vector<16xi1>, vector<16xf32>
      %select_n3A_771 = arith.select %eq3A_707, %broadcast_in_dim3A_3, %gather3A_393 : vector<16xi1>, vector<16xf32>
      %select_n3A_772 = arith.select %eq3A_708, %broadcast_in_dim3A_3, %gather3A_394 : vector<16xi1>, vector<16xf32>
      %select_n3A_773 = arith.select %eq3A_709, %broadcast_in_dim3A_3, %gather3A_395 : vector<16xi1>, vector<16xf32>
      %select_n3A_774 = arith.select %eq3A_710, %broadcast_in_dim3A_3, %gather3A_396 : vector<16xi1>, vector<16xf32>
      %select_n3A_775 = arith.select %eq3A_711, %broadcast_in_dim3A_3, %gather3A_397 : vector<16xi1>, vector<16xf32>
      %select_n3A_776 = arith.select %eq3A_712, %broadcast_in_dim3A_3, %gather3A_398 : vector<16xi1>, vector<16xf32>
      %select_n3A_777 = arith.select %eq3A_713, %broadcast_in_dim3A_3, %gather3A_399 : vector<16xi1>, vector<16xf32>
      %select_n3A_778 = arith.select %eq3A_714, %broadcast_in_dim3A_3, %gather3A_400 : vector<16xi1>, vector<16xf32>
      %select_n3A_779 = arith.select %eq3A_715, %broadcast_in_dim3A_3, %gather3A_401 : vector<16xi1>, vector<16xf32>
      %select_n3A_780 = arith.select %eq3A_716, %broadcast_in_dim3A_3, %gather3A_402 : vector<16xi1>, vector<16xf32>
      %select_n3A_781 = arith.select %eq3A_717, %broadcast_in_dim3A_3, %gather3A_403 : vector<16xi1>, vector<16xf32>
      %select_n3A_782 = arith.select %eq3A_718, %broadcast_in_dim3A_3, %gather3A_404 : vector<16xi1>, vector<16xf32>
      %select_n3A_783 = arith.select %eq3A_719, %broadcast_in_dim3A_3, %gather3A_405 : vector<16xi1>, vector<16xf32>
      %max3A_784 = arith.maximumf %select_n3A_720, %select_n3A_721 : vector<16xf32>
      %max3A_785 = arith.maximumf %max3A_784, %select_n3A_722 : vector<16xf32>
      %max3A_786 = arith.maximumf %max3A_785, %select_n3A_723 : vector<16xf32>
      %max3A_787 = arith.maximumf %max3A_786, %select_n3A_724 : vector<16xf32>
      %max3A_788 = arith.maximumf %max3A_787, %select_n3A_725 : vector<16xf32>
      %max3A_789 = arith.maximumf %max3A_788, %select_n3A_726 : vector<16xf32>
      %max3A_790 = arith.maximumf %max3A_789, %select_n3A_727 : vector<16xf32>
      %max3A_791 = arith.maximumf %max3A_790, %select_n3A_728 : vector<16xf32>
      %max3A_792 = arith.maximumf %max3A_791, %select_n3A_729 : vector<16xf32>
      %max3A_793 = arith.maximumf %max3A_792, %select_n3A_730 : vector<16xf32>
      %max3A_794 = arith.maximumf %max3A_793, %select_n3A_731 : vector<16xf32>
      %max3A_795 = arith.maximumf %max3A_794, %select_n3A_732 : vector<16xf32>
      %max3A_796 = arith.maximumf %max3A_795, %select_n3A_733 : vector<16xf32>
      %max3A_797 = arith.maximumf %max3A_796, %select_n3A_734 : vector<16xf32>
      %max3A_798 = arith.maximumf %max3A_797, %select_n3A_735 : vector<16xf32>
      %max3A_799 = arith.maximumf %max3A_798, %select_n3A_736 : vector<16xf32>
      %max3A_800 = arith.maximumf %max3A_799, %select_n3A_737 : vector<16xf32>
      %max3A_801 = arith.maximumf %max3A_800, %select_n3A_738 : vector<16xf32>
      %max3A_802 = arith.maximumf %max3A_801, %select_n3A_739 : vector<16xf32>
      %max3A_803 = arith.maximumf %max3A_802, %select_n3A_740 : vector<16xf32>
      %max3A_804 = arith.maximumf %max3A_803, %select_n3A_741 : vector<16xf32>
      %max3A_805 = arith.maximumf %max3A_804, %select_n3A_742 : vector<16xf32>
      %max3A_806 = arith.maximumf %max3A_805, %select_n3A_743 : vector<16xf32>
      %max3A_807 = arith.maximumf %max3A_806, %select_n3A_744 : vector<16xf32>
      %max3A_808 = arith.maximumf %max3A_807, %select_n3A_745 : vector<16xf32>
      %max3A_809 = arith.maximumf %max3A_808, %select_n3A_746 : vector<16xf32>
      %max3A_810 = arith.maximumf %max3A_809, %select_n3A_747 : vector<16xf32>
      %max3A_811 = arith.maximumf %max3A_810, %select_n3A_748 : vector<16xf32>
      %max3A_812 = arith.maximumf %max3A_811, %select_n3A_749 : vector<16xf32>
      %max3A_813 = arith.maximumf %max3A_812, %select_n3A_750 : vector<16xf32>
      %max3A_814 = arith.maximumf %max3A_813, %select_n3A_751 : vector<16xf32>
      %max3A_815 = arith.maximumf %max3A_814, %select_n3A_752 : vector<16xf32>
      %max3A_816 = arith.maximumf %max3A_815, %select_n3A_753 : vector<16xf32>
      %max3A_817 = arith.maximumf %max3A_816, %select_n3A_754 : vector<16xf32>
      %max3A_818 = arith.maximumf %max3A_817, %select_n3A_755 : vector<16xf32>
      %max3A_819 = arith.maximumf %max3A_818, %select_n3A_756 : vector<16xf32>
      %max3A_820 = arith.maximumf %max3A_819, %select_n3A_757 : vector<16xf32>
      %max3A_821 = arith.maximumf %max3A_820, %select_n3A_758 : vector<16xf32>
      %max3A_822 = arith.maximumf %max3A_821, %select_n3A_759 : vector<16xf32>
      %max3A_823 = arith.maximumf %max3A_822, %select_n3A_760 : vector<16xf32>
      %max3A_824 = arith.maximumf %max3A_823, %select_n3A_761 : vector<16xf32>
      %max3A_825 = arith.maximumf %max3A_824, %select_n3A_762 : vector<16xf32>
      %max3A_826 = arith.maximumf %max3A_825, %select_n3A_763 : vector<16xf32>
      %max3A_827 = arith.maximumf %max3A_826, %select_n3A_764 : vector<16xf32>
      %max3A_828 = arith.maximumf %max3A_827, %select_n3A_765 : vector<16xf32>
      %max3A_829 = arith.maximumf %max3A_828, %select_n3A_766 : vector<16xf32>
      %max3A_830 = arith.maximumf %max3A_829, %select_n3A_767 : vector<16xf32>
      %max3A_831 = arith.maximumf %max3A_830, %select_n3A_768 : vector<16xf32>
      %max3A_832 = arith.maximumf %max3A_831, %select_n3A_769 : vector<16xf32>
      %max3A_833 = arith.maximumf %max3A_832, %select_n3A_770 : vector<16xf32>
      %max3A_834 = arith.maximumf %max3A_833, %select_n3A_771 : vector<16xf32>
      %max3A_835 = arith.maximumf %max3A_834, %select_n3A_772 : vector<16xf32>
      %max3A_836 = arith.maximumf %max3A_835, %select_n3A_773 : vector<16xf32>
      %max3A_837 = arith.maximumf %max3A_836, %select_n3A_774 : vector<16xf32>
      %max3A_838 = arith.maximumf %max3A_837, %select_n3A_775 : vector<16xf32>
      %max3A_839 = arith.maximumf %max3A_838, %select_n3A_776 : vector<16xf32>
      %max3A_840 = arith.maximumf %max3A_839, %select_n3A_777 : vector<16xf32>
      %max3A_841 = arith.maximumf %max3A_840, %select_n3A_778 : vector<16xf32>
      %max3A_842 = arith.maximumf %max3A_841, %select_n3A_779 : vector<16xf32>
      %max3A_843 = arith.maximumf %max3A_842, %select_n3A_780 : vector<16xf32>
      %max3A_844 = arith.maximumf %max3A_843, %select_n3A_781 : vector<16xf32>
      %max3A_845 = arith.maximumf %max3A_844, %select_n3A_782 : vector<16xf32>
      %max3A_846 = arith.maximumf %max3A_845, %select_n3A_783 : vector<16xf32>
      %eq3A_847 = arith.cmpf oeq, %select_n3A_720, %max3A_846 : vector<16xf32>
      %select_n3A_848 = arith.select %eq3A_847, %broadcast_in_dim3A_9, %broadcast_in_dim3A_137 : vector<16xi1>, vector<16xf32>
      %eq3A_849 = arith.cmpf oeq, %select_n3A_721, %max3A_846 : vector<16xf32>
      %select_n3A_850 = arith.select %eq3A_849, %broadcast_in_dim3A_11, %broadcast_in_dim3A_137 : vector<16xi1>, vector<16xf32>
      %eq3A_851 = arith.cmpf oeq, %select_n3A_722, %max3A_846 : vector<16xf32>
      %select_n3A_852 = arith.select %eq3A_851, %broadcast_in_dim3A_13, %broadcast_in_dim3A_137 : vector<16xi1>, vector<16xf32>
      %eq3A_853 = arith.cmpf oeq, %select_n3A_723, %max3A_846 : vector<16xf32>
      %select_n3A_854 = arith.select %eq3A_853, %broadcast_in_dim3A_15, %broadcast_in_dim3A_137 : vector<16xi1>, vector<16xf32>
      %eq3A_855 = arith.cmpf oeq, %select_n3A_724, %max3A_846 : vector<16xf32>
      %select_n3A_856 = arith.select %eq3A_855, %broadcast_in_dim3A_17, %broadcast_in_dim3A_137 : vector<16xi1>, vector<16xf32>
      %eq3A_857 = arith.cmpf oeq, %select_n3A_725, %max3A_846 : vector<16xf32>
      %select_n3A_858 = arith.select %eq3A_857, %broadcast_in_dim3A_19, %broadcast_in_dim3A_137 : vector<16xi1>, vector<16xf32>
      %eq3A_859 = arith.cmpf oeq, %select_n3A_726, %max3A_846 : vector<16xf32>
      %select_n3A_860 = arith.select %eq3A_859, %broadcast_in_dim3A_21, %broadcast_in_dim3A_137 : vector<16xi1>, vector<16xf32>
      %eq3A_861 = arith.cmpf oeq, %select_n3A_727, %max3A_846 : vector<16xf32>
      %select_n3A_862 = arith.select %eq3A_861, %broadcast_in_dim3A_23, %broadcast_in_dim3A_137 : vector<16xi1>, vector<16xf32>
      %eq3A_863 = arith.cmpf oeq, %select_n3A_728, %max3A_846 : vector<16xf32>
      %select_n3A_864 = arith.select %eq3A_863, %broadcast_in_dim3A_25, %broadcast_in_dim3A_137 : vector<16xi1>, vector<16xf32>
      %eq3A_865 = arith.cmpf oeq, %select_n3A_729, %max3A_846 : vector<16xf32>
      %select_n3A_866 = arith.select %eq3A_865, %broadcast_in_dim3A_27, %broadcast_in_dim3A_137 : vector<16xi1>, vector<16xf32>
      %eq3A_867 = arith.cmpf oeq, %select_n3A_730, %max3A_846 : vector<16xf32>
      %select_n3A_868 = arith.select %eq3A_867, %broadcast_in_dim3A_29, %broadcast_in_dim3A_137 : vector<16xi1>, vector<16xf32>
      %eq3A_869 = arith.cmpf oeq, %select_n3A_731, %max3A_846 : vector<16xf32>
      %select_n3A_870 = arith.select %eq3A_869, %broadcast_in_dim3A_31, %broadcast_in_dim3A_137 : vector<16xi1>, vector<16xf32>
      %eq3A_871 = arith.cmpf oeq, %select_n3A_732, %max3A_846 : vector<16xf32>
      %select_n3A_872 = arith.select %eq3A_871, %broadcast_in_dim3A_33, %broadcast_in_dim3A_137 : vector<16xi1>, vector<16xf32>
      %eq3A_873 = arith.cmpf oeq, %select_n3A_733, %max3A_846 : vector<16xf32>
      %select_n3A_874 = arith.select %eq3A_873, %broadcast_in_dim3A_35, %broadcast_in_dim3A_137 : vector<16xi1>, vector<16xf32>
      %eq3A_875 = arith.cmpf oeq, %select_n3A_734, %max3A_846 : vector<16xf32>
      %select_n3A_876 = arith.select %eq3A_875, %broadcast_in_dim3A_37, %broadcast_in_dim3A_137 : vector<16xi1>, vector<16xf32>
      %eq3A_877 = arith.cmpf oeq, %select_n3A_735, %max3A_846 : vector<16xf32>
      %select_n3A_878 = arith.select %eq3A_877, %broadcast_in_dim3A_39, %broadcast_in_dim3A_137 : vector<16xi1>, vector<16xf32>
      %eq3A_879 = arith.cmpf oeq, %select_n3A_736, %max3A_846 : vector<16xf32>
      %select_n3A_880 = arith.select %eq3A_879, %broadcast_in_dim3A_41, %broadcast_in_dim3A_137 : vector<16xi1>, vector<16xf32>
      %eq3A_881 = arith.cmpf oeq, %select_n3A_737, %max3A_846 : vector<16xf32>
      %select_n3A_882 = arith.select %eq3A_881, %broadcast_in_dim3A_43, %broadcast_in_dim3A_137 : vector<16xi1>, vector<16xf32>
      %eq3A_883 = arith.cmpf oeq, %select_n3A_738, %max3A_846 : vector<16xf32>
      %select_n3A_884 = arith.select %eq3A_883, %broadcast_in_dim3A_45, %broadcast_in_dim3A_137 : vector<16xi1>, vector<16xf32>
      %eq3A_885 = arith.cmpf oeq, %select_n3A_739, %max3A_846 : vector<16xf32>
      %select_n3A_886 = arith.select %eq3A_885, %broadcast_in_dim3A_47, %broadcast_in_dim3A_137 : vector<16xi1>, vector<16xf32>
      %eq3A_887 = arith.cmpf oeq, %select_n3A_740, %max3A_846 : vector<16xf32>
      %select_n3A_888 = arith.select %eq3A_887, %broadcast_in_dim3A_49, %broadcast_in_dim3A_137 : vector<16xi1>, vector<16xf32>
      %eq3A_889 = arith.cmpf oeq, %select_n3A_741, %max3A_846 : vector<16xf32>
      %select_n3A_890 = arith.select %eq3A_889, %broadcast_in_dim3A_51, %broadcast_in_dim3A_137 : vector<16xi1>, vector<16xf32>
      %eq3A_891 = arith.cmpf oeq, %select_n3A_742, %max3A_846 : vector<16xf32>
      %select_n3A_892 = arith.select %eq3A_891, %broadcast_in_dim3A_53, %broadcast_in_dim3A_137 : vector<16xi1>, vector<16xf32>
      %eq3A_893 = arith.cmpf oeq, %select_n3A_743, %max3A_846 : vector<16xf32>
      %select_n3A_894 = arith.select %eq3A_893, %broadcast_in_dim3A_55, %broadcast_in_dim3A_137 : vector<16xi1>, vector<16xf32>
      %eq3A_895 = arith.cmpf oeq, %select_n3A_744, %max3A_846 : vector<16xf32>
      %select_n3A_896 = arith.select %eq3A_895, %broadcast_in_dim3A_57, %broadcast_in_dim3A_137 : vector<16xi1>, vector<16xf32>
      %eq3A_897 = arith.cmpf oeq, %select_n3A_745, %max3A_846 : vector<16xf32>
      %select_n3A_898 = arith.select %eq3A_897, %broadcast_in_dim3A_59, %broadcast_in_dim3A_137 : vector<16xi1>, vector<16xf32>
      %eq3A_899 = arith.cmpf oeq, %select_n3A_746, %max3A_846 : vector<16xf32>
      %select_n3A_900 = arith.select %eq3A_899, %broadcast_in_dim3A_61, %broadcast_in_dim3A_137 : vector<16xi1>, vector<16xf32>
      %eq3A_901 = arith.cmpf oeq, %select_n3A_747, %max3A_846 : vector<16xf32>
      %select_n3A_902 = arith.select %eq3A_901, %broadcast_in_dim3A_63, %broadcast_in_dim3A_137 : vector<16xi1>, vector<16xf32>
      %eq3A_903 = arith.cmpf oeq, %select_n3A_748, %max3A_846 : vector<16xf32>
      %select_n3A_904 = arith.select %eq3A_903, %broadcast_in_dim3A_65, %broadcast_in_dim3A_137 : vector<16xi1>, vector<16xf32>
      %eq3A_905 = arith.cmpf oeq, %select_n3A_749, %max3A_846 : vector<16xf32>
      %select_n3A_906 = arith.select %eq3A_905, %broadcast_in_dim3A_67, %broadcast_in_dim3A_137 : vector<16xi1>, vector<16xf32>
      %eq3A_907 = arith.cmpf oeq, %select_n3A_750, %max3A_846 : vector<16xf32>
      %select_n3A_908 = arith.select %eq3A_907, %broadcast_in_dim3A_69, %broadcast_in_dim3A_137 : vector<16xi1>, vector<16xf32>
      %eq3A_909 = arith.cmpf oeq, %select_n3A_751, %max3A_846 : vector<16xf32>
      %select_n3A_910 = arith.select %eq3A_909, %broadcast_in_dim3A_71, %broadcast_in_dim3A_137 : vector<16xi1>, vector<16xf32>
      %eq3A_911 = arith.cmpf oeq, %select_n3A_752, %max3A_846 : vector<16xf32>
      %select_n3A_912 = arith.select %eq3A_911, %broadcast_in_dim3A_73, %broadcast_in_dim3A_137 : vector<16xi1>, vector<16xf32>
      %eq3A_913 = arith.cmpf oeq, %select_n3A_753, %max3A_846 : vector<16xf32>
      %select_n3A_914 = arith.select %eq3A_913, %broadcast_in_dim3A_75, %broadcast_in_dim3A_137 : vector<16xi1>, vector<16xf32>
      %eq3A_915 = arith.cmpf oeq, %select_n3A_754, %max3A_846 : vector<16xf32>
      %select_n3A_916 = arith.select %eq3A_915, %broadcast_in_dim3A_77, %broadcast_in_dim3A_137 : vector<16xi1>, vector<16xf32>
      %eq3A_917 = arith.cmpf oeq, %select_n3A_755, %max3A_846 : vector<16xf32>
      %select_n3A_918 = arith.select %eq3A_917, %broadcast_in_dim3A_79, %broadcast_in_dim3A_137 : vector<16xi1>, vector<16xf32>
      %eq3A_919 = arith.cmpf oeq, %select_n3A_756, %max3A_846 : vector<16xf32>
      %select_n3A_920 = arith.select %eq3A_919, %broadcast_in_dim3A_81, %broadcast_in_dim3A_137 : vector<16xi1>, vector<16xf32>
      %eq3A_921 = arith.cmpf oeq, %select_n3A_757, %max3A_846 : vector<16xf32>
      %select_n3A_922 = arith.select %eq3A_921, %broadcast_in_dim3A_83, %broadcast_in_dim3A_137 : vector<16xi1>, vector<16xf32>
      %eq3A_923 = arith.cmpf oeq, %select_n3A_758, %max3A_846 : vector<16xf32>
      %select_n3A_924 = arith.select %eq3A_923, %broadcast_in_dim3A_85, %broadcast_in_dim3A_137 : vector<16xi1>, vector<16xf32>
      %eq3A_925 = arith.cmpf oeq, %select_n3A_759, %max3A_846 : vector<16xf32>
      %select_n3A_926 = arith.select %eq3A_925, %broadcast_in_dim3A_87, %broadcast_in_dim3A_137 : vector<16xi1>, vector<16xf32>
      %eq3A_927 = arith.cmpf oeq, %select_n3A_760, %max3A_846 : vector<16xf32>
      %select_n3A_928 = arith.select %eq3A_927, %broadcast_in_dim3A_89, %broadcast_in_dim3A_137 : vector<16xi1>, vector<16xf32>
      %eq3A_929 = arith.cmpf oeq, %select_n3A_761, %max3A_846 : vector<16xf32>
      %select_n3A_930 = arith.select %eq3A_929, %broadcast_in_dim3A_91, %broadcast_in_dim3A_137 : vector<16xi1>, vector<16xf32>
      %eq3A_931 = arith.cmpf oeq, %select_n3A_762, %max3A_846 : vector<16xf32>
      %select_n3A_932 = arith.select %eq3A_931, %broadcast_in_dim3A_93, %broadcast_in_dim3A_137 : vector<16xi1>, vector<16xf32>
      %eq3A_933 = arith.cmpf oeq, %select_n3A_763, %max3A_846 : vector<16xf32>
      %select_n3A_934 = arith.select %eq3A_933, %broadcast_in_dim3A_95, %broadcast_in_dim3A_137 : vector<16xi1>, vector<16xf32>
      %eq3A_935 = arith.cmpf oeq, %select_n3A_764, %max3A_846 : vector<16xf32>
      %select_n3A_936 = arith.select %eq3A_935, %broadcast_in_dim3A_97, %broadcast_in_dim3A_137 : vector<16xi1>, vector<16xf32>
      %eq3A_937 = arith.cmpf oeq, %select_n3A_765, %max3A_846 : vector<16xf32>
      %select_n3A_938 = arith.select %eq3A_937, %broadcast_in_dim3A_99, %broadcast_in_dim3A_137 : vector<16xi1>, vector<16xf32>
      %eq3A_939 = arith.cmpf oeq, %select_n3A_766, %max3A_846 : vector<16xf32>
      %select_n3A_940 = arith.select %eq3A_939, %broadcast_in_dim3A_101, %broadcast_in_dim3A_137 : vector<16xi1>, vector<16xf32>
      %eq3A_941 = arith.cmpf oeq, %select_n3A_767, %max3A_846 : vector<16xf32>
      %select_n3A_942 = arith.select %eq3A_941, %broadcast_in_dim3A_103, %broadcast_in_dim3A_137 : vector<16xi1>, vector<16xf32>
      %eq3A_943 = arith.cmpf oeq, %select_n3A_768, %max3A_846 : vector<16xf32>
      %select_n3A_944 = arith.select %eq3A_943, %broadcast_in_dim3A_105, %broadcast_in_dim3A_137 : vector<16xi1>, vector<16xf32>
      %eq3A_945 = arith.cmpf oeq, %select_n3A_769, %max3A_846 : vector<16xf32>
      %select_n3A_946 = arith.select %eq3A_945, %broadcast_in_dim3A_107, %broadcast_in_dim3A_137 : vector<16xi1>, vector<16xf32>
      %eq3A_947 = arith.cmpf oeq, %select_n3A_770, %max3A_846 : vector<16xf32>
      %select_n3A_948 = arith.select %eq3A_947, %broadcast_in_dim3A_109, %broadcast_in_dim3A_137 : vector<16xi1>, vector<16xf32>
      %eq3A_949 = arith.cmpf oeq, %select_n3A_771, %max3A_846 : vector<16xf32>
      %select_n3A_950 = arith.select %eq3A_949, %broadcast_in_dim3A_111, %broadcast_in_dim3A_137 : vector<16xi1>, vector<16xf32>
      %eq3A_951 = arith.cmpf oeq, %select_n3A_772, %max3A_846 : vector<16xf32>
      %select_n3A_952 = arith.select %eq3A_951, %broadcast_in_dim3A_113, %broadcast_in_dim3A_137 : vector<16xi1>, vector<16xf32>
      %eq3A_953 = arith.cmpf oeq, %select_n3A_773, %max3A_846 : vector<16xf32>
      %select_n3A_954 = arith.select %eq3A_953, %broadcast_in_dim3A_115, %broadcast_in_dim3A_137 : vector<16xi1>, vector<16xf32>
      %eq3A_955 = arith.cmpf oeq, %select_n3A_774, %max3A_846 : vector<16xf32>
      %select_n3A_956 = arith.select %eq3A_955, %broadcast_in_dim3A_117, %broadcast_in_dim3A_137 : vector<16xi1>, vector<16xf32>
      %eq3A_957 = arith.cmpf oeq, %select_n3A_775, %max3A_846 : vector<16xf32>
      %select_n3A_958 = arith.select %eq3A_957, %broadcast_in_dim3A_119, %broadcast_in_dim3A_137 : vector<16xi1>, vector<16xf32>
      %eq3A_959 = arith.cmpf oeq, %select_n3A_776, %max3A_846 : vector<16xf32>
      %select_n3A_960 = arith.select %eq3A_959, %broadcast_in_dim3A_121, %broadcast_in_dim3A_137 : vector<16xi1>, vector<16xf32>
      %eq3A_961 = arith.cmpf oeq, %select_n3A_777, %max3A_846 : vector<16xf32>
      %select_n3A_962 = arith.select %eq3A_961, %broadcast_in_dim3A_123, %broadcast_in_dim3A_137 : vector<16xi1>, vector<16xf32>
      %eq3A_963 = arith.cmpf oeq, %select_n3A_778, %max3A_846 : vector<16xf32>
      %select_n3A_964 = arith.select %eq3A_963, %broadcast_in_dim3A_125, %broadcast_in_dim3A_137 : vector<16xi1>, vector<16xf32>
      %eq3A_965 = arith.cmpf oeq, %select_n3A_779, %max3A_846 : vector<16xf32>
      %select_n3A_966 = arith.select %eq3A_965, %broadcast_in_dim3A_127, %broadcast_in_dim3A_137 : vector<16xi1>, vector<16xf32>
      %eq3A_967 = arith.cmpf oeq, %select_n3A_780, %max3A_846 : vector<16xf32>
      %select_n3A_968 = arith.select %eq3A_967, %broadcast_in_dim3A_129, %broadcast_in_dim3A_137 : vector<16xi1>, vector<16xf32>
      %eq3A_969 = arith.cmpf oeq, %select_n3A_781, %max3A_846 : vector<16xf32>
      %select_n3A_970 = arith.select %eq3A_969, %broadcast_in_dim3A_131, %broadcast_in_dim3A_137 : vector<16xi1>, vector<16xf32>
      %eq3A_971 = arith.cmpf oeq, %select_n3A_782, %max3A_846 : vector<16xf32>
      %select_n3A_972 = arith.select %eq3A_971, %broadcast_in_dim3A_133, %broadcast_in_dim3A_137 : vector<16xi1>, vector<16xf32>
      %eq3A_973 = arith.cmpf oeq, %select_n3A_783, %max3A_846 : vector<16xf32>
      %select_n3A_974 = arith.select %eq3A_973, %broadcast_in_dim3A_135, %broadcast_in_dim3A_137 : vector<16xi1>, vector<16xf32>
      %min3A_975 = arith.minimumf %select_n3A_848, %select_n3A_850 : vector<16xf32>
      %min3A_976 = arith.minimumf %min3A_975, %select_n3A_852 : vector<16xf32>
      %min3A_977 = arith.minimumf %min3A_976, %select_n3A_854 : vector<16xf32>
      %min3A_978 = arith.minimumf %min3A_977, %select_n3A_856 : vector<16xf32>
      %min3A_979 = arith.minimumf %min3A_978, %select_n3A_858 : vector<16xf32>
      %min3A_980 = arith.minimumf %min3A_979, %select_n3A_860 : vector<16xf32>
      %min3A_981 = arith.minimumf %min3A_980, %select_n3A_862 : vector<16xf32>
      %min3A_982 = arith.minimumf %min3A_981, %select_n3A_864 : vector<16xf32>
      %min3A_983 = arith.minimumf %min3A_982, %select_n3A_866 : vector<16xf32>
      %min3A_984 = arith.minimumf %min3A_983, %select_n3A_868 : vector<16xf32>
      %min3A_985 = arith.minimumf %min3A_984, %select_n3A_870 : vector<16xf32>
      %min3A_986 = arith.minimumf %min3A_985, %select_n3A_872 : vector<16xf32>
      %min3A_987 = arith.minimumf %min3A_986, %select_n3A_874 : vector<16xf32>
      %min3A_988 = arith.minimumf %min3A_987, %select_n3A_876 : vector<16xf32>
      %min3A_989 = arith.minimumf %min3A_988, %select_n3A_878 : vector<16xf32>
      %min3A_990 = arith.minimumf %min3A_989, %select_n3A_880 : vector<16xf32>
      %min3A_991 = arith.minimumf %min3A_990, %select_n3A_882 : vector<16xf32>
      %min3A_992 = arith.minimumf %min3A_991, %select_n3A_884 : vector<16xf32>
      %min3A_993 = arith.minimumf %min3A_992, %select_n3A_886 : vector<16xf32>
      %min3A_994 = arith.minimumf %min3A_993, %select_n3A_888 : vector<16xf32>
      %min3A_995 = arith.minimumf %min3A_994, %select_n3A_890 : vector<16xf32>
      %min3A_996 = arith.minimumf %min3A_995, %select_n3A_892 : vector<16xf32>
      %min3A_997 = arith.minimumf %min3A_996, %select_n3A_894 : vector<16xf32>
      %min3A_998 = arith.minimumf %min3A_997, %select_n3A_896 : vector<16xf32>
      %min3A_999 = arith.minimumf %min3A_998, %select_n3A_898 : vector<16xf32>
      %min3A_1000 = arith.minimumf %min3A_999, %select_n3A_900 : vector<16xf32>
      %min3A_1001 = arith.minimumf %min3A_1000, %select_n3A_902 : vector<16xf32>
      %min3A_1002 = arith.minimumf %min3A_1001, %select_n3A_904 : vector<16xf32>
      %min3A_1003 = arith.minimumf %min3A_1002, %select_n3A_906 : vector<16xf32>
      %min3A_1004 = arith.minimumf %min3A_1003, %select_n3A_908 : vector<16xf32>
      %min3A_1005 = arith.minimumf %min3A_1004, %select_n3A_910 : vector<16xf32>
      %min3A_1006 = arith.minimumf %min3A_1005, %select_n3A_912 : vector<16xf32>
      %min3A_1007 = arith.minimumf %min3A_1006, %select_n3A_914 : vector<16xf32>
      %min3A_1008 = arith.minimumf %min3A_1007, %select_n3A_916 : vector<16xf32>
      %min3A_1009 = arith.minimumf %min3A_1008, %select_n3A_918 : vector<16xf32>
      %min3A_1010 = arith.minimumf %min3A_1009, %select_n3A_920 : vector<16xf32>
      %min3A_1011 = arith.minimumf %min3A_1010, %select_n3A_922 : vector<16xf32>
      %min3A_1012 = arith.minimumf %min3A_1011, %select_n3A_924 : vector<16xf32>
      %min3A_1013 = arith.minimumf %min3A_1012, %select_n3A_926 : vector<16xf32>
      %min3A_1014 = arith.minimumf %min3A_1013, %select_n3A_928 : vector<16xf32>
      %min3A_1015 = arith.minimumf %min3A_1014, %select_n3A_930 : vector<16xf32>
      %min3A_1016 = arith.minimumf %min3A_1015, %select_n3A_932 : vector<16xf32>
      %min3A_1017 = arith.minimumf %min3A_1016, %select_n3A_934 : vector<16xf32>
      %min3A_1018 = arith.minimumf %min3A_1017, %select_n3A_936 : vector<16xf32>
      %min3A_1019 = arith.minimumf %min3A_1018, %select_n3A_938 : vector<16xf32>
      %min3A_1020 = arith.minimumf %min3A_1019, %select_n3A_940 : vector<16xf32>
      %min3A_1021 = arith.minimumf %min3A_1020, %select_n3A_942 : vector<16xf32>
      %min3A_1022 = arith.minimumf %min3A_1021, %select_n3A_944 : vector<16xf32>
      %min3A_1023 = arith.minimumf %min3A_1022, %select_n3A_946 : vector<16xf32>
      %min3A_1024 = arith.minimumf %min3A_1023, %select_n3A_948 : vector<16xf32>
      %min3A_1025 = arith.minimumf %min3A_1024, %select_n3A_950 : vector<16xf32>
      %min3A_1026 = arith.minimumf %min3A_1025, %select_n3A_952 : vector<16xf32>
      %min3A_1027 = arith.minimumf %min3A_1026, %select_n3A_954 : vector<16xf32>
      %min3A_1028 = arith.minimumf %min3A_1027, %select_n3A_956 : vector<16xf32>
      %min3A_1029 = arith.minimumf %min3A_1028, %select_n3A_958 : vector<16xf32>
      %min3A_1030 = arith.minimumf %min3A_1029, %select_n3A_960 : vector<16xf32>
      %min3A_1031 = arith.minimumf %min3A_1030, %select_n3A_962 : vector<16xf32>
      %min3A_1032 = arith.minimumf %min3A_1031, %select_n3A_964 : vector<16xf32>
      %min3A_1033 = arith.minimumf %min3A_1032, %select_n3A_966 : vector<16xf32>
      %min3A_1034 = arith.minimumf %min3A_1033, %select_n3A_968 : vector<16xf32>
      %min3A_1035 = arith.minimumf %min3A_1034, %select_n3A_970 : vector<16xf32>
      %min3A_1036 = arith.minimumf %min3A_1035, %select_n3A_972 : vector<16xf32>
      %min3A_1037 = arith.minimumf %min3A_1036, %select_n3A_974 : vector<16xf32>
      %sub3A = arith.subf %max3A_846, %max3A_467 : vector<16xf32>
      %exp3A = math.exp %sub3A : vector<16xf32>
      %add3A_1038 = arith.addf %broadcast_in_dim3A_5, %exp3A : vector<16xf32>
      %div3A = arith.divf %broadcast_in_dim3A_5, %add3A_1038 : vector<16xf32>
      %div3A_1039 = arith.divf %exp3A, %add3A_1038 : vector<16xf32>
      %eq3A_1040 = arith.cmpf oeq, %select_n3A_848, %min3A_1037 : vector<16xf32>
      %select_n3A_1041 = arith.select %eq3A_1040, %div3A_1039, %broadcast_in_dim3A_7 : vector<16xi1>, vector<16xf32>
      %select_n3A_1042 = arith.select %eq3A_656, %div3A, %select_n3A_1041 : vector<16xi1>, vector<16xf32>
      tpu.vector_store_idx %arg5[%add3A_279], %select_n3A_1042 : memref<16384xf32, #tpu.memory_space<vmem>>[vector<16xi32>], vector<16xf32>,
      %eq3A_1043 = arith.cmpf oeq, %select_n3A_850, %min3A_1037 : vector<16xf32>
      %select_n3A_1044 = arith.select %eq3A_1043, %div3A_1039, %broadcast_in_dim3A_7 : vector<16xi1>, vector<16xf32>
      %select_n3A_1045 = arith.select %eq3A_657, %div3A, %select_n3A_1044 : vector<16xi1>, vector<16xf32>
      tpu.vector_store_idx %arg5[%add3A_280], %select_n3A_1045 : memref<16384xf32, #tpu.memory_space<vmem>>[vector<16xi32>], vector<16xf32>,
      %eq3A_1046 = arith.cmpf oeq, %select_n3A_852, %min3A_1037 : vector<16xf32>
      %select_n3A_1047 = arith.select %eq3A_1046, %div3A_1039, %broadcast_in_dim3A_7 : vector<16xi1>, vector<16xf32>
      %select_n3A_1048 = arith.select %eq3A_658, %div3A, %select_n3A_1047 : vector<16xi1>, vector<16xf32>
      tpu.vector_store_idx %arg5[%add3A_281], %select_n3A_1048 : memref<16384xf32, #tpu.memory_space<vmem>>[vector<16xi32>], vector<16xf32>,
      %eq3A_1049 = arith.cmpf oeq, %select_n3A_854, %min3A_1037 : vector<16xf32>
      %select_n3A_1050 = arith.select %eq3A_1049, %div3A_1039, %broadcast_in_dim3A_7 : vector<16xi1>, vector<16xf32>
      %select_n3A_1051 = arith.select %eq3A_659, %div3A, %select_n3A_1050 : vector<16xi1>, vector<16xf32>
      tpu.vector_store_idx %arg5[%add3A_282], %select_n3A_1051 : memref<16384xf32, #tpu.memory_space<vmem>>[vector<16xi32>], vector<16xf32>,
      %eq3A_1052 = arith.cmpf oeq, %select_n3A_856, %min3A_1037 : vector<16xf32>
      %select_n3A_1053 = arith.select %eq3A_1052, %div3A_1039, %broadcast_in_dim3A_7 : vector<16xi1>, vector<16xf32>
      %select_n3A_1054 = arith.select %eq3A_660, %div3A, %select_n3A_1053 : vector<16xi1>, vector<16xf32>
      tpu.vector_store_idx %arg5[%add3A_283], %select_n3A_1054 : memref<16384xf32, #tpu.memory_space<vmem>>[vector<16xi32>], vector<16xf32>,
      %eq3A_1055 = arith.cmpf oeq, %select_n3A_858, %min3A_1037 : vector<16xf32>
      %select_n3A_1056 = arith.select %eq3A_1055, %div3A_1039, %broadcast_in_dim3A_7 : vector<16xi1>, vector<16xf32>
      %select_n3A_1057 = arith.select %eq3A_661, %div3A, %select_n3A_1056 : vector<16xi1>, vector<16xf32>
      tpu.vector_store_idx %arg5[%add3A_284], %select_n3A_1057 : memref<16384xf32, #tpu.memory_space<vmem>>[vector<16xi32>], vector<16xf32>,
      %eq3A_1058 = arith.cmpf oeq, %select_n3A_860, %min3A_1037 : vector<16xf32>
      %select_n3A_1059 = arith.select %eq3A_1058, %div3A_1039, %broadcast_in_dim3A_7 : vector<16xi1>, vector<16xf32>
      %select_n3A_1060 = arith.select %eq3A_662, %div3A, %select_n3A_1059 : vector<16xi1>, vector<16xf32>
      tpu.vector_store_idx %arg5[%add3A_285], %select_n3A_1060 : memref<16384xf32, #tpu.memory_space<vmem>>[vector<16xi32>], vector<16xf32>,
      %eq3A_1061 = arith.cmpf oeq, %select_n3A_862, %min3A_1037 : vector<16xf32>
      %select_n3A_1062 = arith.select %eq3A_1061, %div3A_1039, %broadcast_in_dim3A_7 : vector<16xi1>, vector<16xf32>
      %select_n3A_1063 = arith.select %eq3A_663, %div3A, %select_n3A_1062 : vector<16xi1>, vector<16xf32>
      tpu.vector_store_idx %arg5[%add3A_286], %select_n3A_1063 : memref<16384xf32, #tpu.memory_space<vmem>>[vector<16xi32>], vector<16xf32>,
      %eq3A_1064 = arith.cmpf oeq, %select_n3A_864, %min3A_1037 : vector<16xf32>
      %select_n3A_1065 = arith.select %eq3A_1064, %div3A_1039, %broadcast_in_dim3A_7 : vector<16xi1>, vector<16xf32>
      %select_n3A_1066 = arith.select %eq3A_664, %div3A, %select_n3A_1065 : vector<16xi1>, vector<16xf32>
      tpu.vector_store_idx %arg5[%add3A_287], %select_n3A_1066 : memref<16384xf32, #tpu.memory_space<vmem>>[vector<16xi32>], vector<16xf32>,
      %eq3A_1067 = arith.cmpf oeq, %select_n3A_866, %min3A_1037 : vector<16xf32>
      %select_n3A_1068 = arith.select %eq3A_1067, %div3A_1039, %broadcast_in_dim3A_7 : vector<16xi1>, vector<16xf32>
      %select_n3A_1069 = arith.select %eq3A_665, %div3A, %select_n3A_1068 : vector<16xi1>, vector<16xf32>
      tpu.vector_store_idx %arg5[%add3A_288], %select_n3A_1069 : memref<16384xf32, #tpu.memory_space<vmem>>[vector<16xi32>], vector<16xf32>,
      %eq3A_1070 = arith.cmpf oeq, %select_n3A_868, %min3A_1037 : vector<16xf32>
      %select_n3A_1071 = arith.select %eq3A_1070, %div3A_1039, %broadcast_in_dim3A_7 : vector<16xi1>, vector<16xf32>
      %select_n3A_1072 = arith.select %eq3A_666, %div3A, %select_n3A_1071 : vector<16xi1>, vector<16xf32>
      tpu.vector_store_idx %arg5[%add3A_289], %select_n3A_1072 : memref<16384xf32, #tpu.memory_space<vmem>>[vector<16xi32>], vector<16xf32>,
      %eq3A_1073 = arith.cmpf oeq, %select_n3A_870, %min3A_1037 : vector<16xf32>
      %select_n3A_1074 = arith.select %eq3A_1073, %div3A_1039, %broadcast_in_dim3A_7 : vector<16xi1>, vector<16xf32>
      %select_n3A_1075 = arith.select %eq3A_667, %div3A, %select_n3A_1074 : vector<16xi1>, vector<16xf32>
      tpu.vector_store_idx %arg5[%add3A_290], %select_n3A_1075 : memref<16384xf32, #tpu.memory_space<vmem>>[vector<16xi32>], vector<16xf32>,
      %eq3A_1076 = arith.cmpf oeq, %select_n3A_872, %min3A_1037 : vector<16xf32>
      %select_n3A_1077 = arith.select %eq3A_1076, %div3A_1039, %broadcast_in_dim3A_7 : vector<16xi1>, vector<16xf32>
      %select_n3A_1078 = arith.select %eq3A_668, %div3A, %select_n3A_1077 : vector<16xi1>, vector<16xf32>
      tpu.vector_store_idx %arg5[%add3A_291], %select_n3A_1078 : memref<16384xf32, #tpu.memory_space<vmem>>[vector<16xi32>], vector<16xf32>,
      %eq3A_1079 = arith.cmpf oeq, %select_n3A_874, %min3A_1037 : vector<16xf32>
      %select_n3A_1080 = arith.select %eq3A_1079, %div3A_1039, %broadcast_in_dim3A_7 : vector<16xi1>, vector<16xf32>
      %select_n3A_1081 = arith.select %eq3A_669, %div3A, %select_n3A_1080 : vector<16xi1>, vector<16xf32>
      tpu.vector_store_idx %arg5[%add3A_292], %select_n3A_1081 : memref<16384xf32, #tpu.memory_space<vmem>>[vector<16xi32>], vector<16xf32>,
      %eq3A_1082 = arith.cmpf oeq, %select_n3A_876, %min3A_1037 : vector<16xf32>
      %select_n3A_1083 = arith.select %eq3A_1082, %div3A_1039, %broadcast_in_dim3A_7 : vector<16xi1>, vector<16xf32>
      %select_n3A_1084 = arith.select %eq3A_670, %div3A, %select_n3A_1083 : vector<16xi1>, vector<16xf32>
      tpu.vector_store_idx %arg5[%add3A_293], %select_n3A_1084 : memref<16384xf32, #tpu.memory_space<vmem>>[vector<16xi32>], vector<16xf32>,
      %eq3A_1085 = arith.cmpf oeq, %select_n3A_878, %min3A_1037 : vector<16xf32>
      %select_n3A_1086 = arith.select %eq3A_1085, %div3A_1039, %broadcast_in_dim3A_7 : vector<16xi1>, vector<16xf32>
      %select_n3A_1087 = arith.select %eq3A_671, %div3A, %select_n3A_1086 : vector<16xi1>, vector<16xf32>
      tpu.vector_store_idx %arg5[%add3A_294], %select_n3A_1087 : memref<16384xf32, #tpu.memory_space<vmem>>[vector<16xi32>], vector<16xf32>,
      %eq3A_1088 = arith.cmpf oeq, %select_n3A_880, %min3A_1037 : vector<16xf32>
      %select_n3A_1089 = arith.select %eq3A_1088, %div3A_1039, %broadcast_in_dim3A_7 : vector<16xi1>, vector<16xf32>
      %select_n3A_1090 = arith.select %eq3A_672, %div3A, %select_n3A_1089 : vector<16xi1>, vector<16xf32>
      tpu.vector_store_idx %arg5[%add3A_295], %select_n3A_1090 : memref<16384xf32, #tpu.memory_space<vmem>>[vector<16xi32>], vector<16xf32>,
      %eq3A_1091 = arith.cmpf oeq, %select_n3A_882, %min3A_1037 : vector<16xf32>
      %select_n3A_1092 = arith.select %eq3A_1091, %div3A_1039, %broadcast_in_dim3A_7 : vector<16xi1>, vector<16xf32>
      %select_n3A_1093 = arith.select %eq3A_673, %div3A, %select_n3A_1092 : vector<16xi1>, vector<16xf32>
      tpu.vector_store_idx %arg5[%add3A_296], %select_n3A_1093 : memref<16384xf32, #tpu.memory_space<vmem>>[vector<16xi32>], vector<16xf32>,
      %eq3A_1094 = arith.cmpf oeq, %select_n3A_884, %min3A_1037 : vector<16xf32>
      %select_n3A_1095 = arith.select %eq3A_1094, %div3A_1039, %broadcast_in_dim3A_7 : vector<16xi1>, vector<16xf32>
      %select_n3A_1096 = arith.select %eq3A_674, %div3A, %select_n3A_1095 : vector<16xi1>, vector<16xf32>
      tpu.vector_store_idx %arg5[%add3A_297], %select_n3A_1096 : memref<16384xf32, #tpu.memory_space<vmem>>[vector<16xi32>], vector<16xf32>,
      %eq3A_1097 = arith.cmpf oeq, %select_n3A_886, %min3A_1037 : vector<16xf32>
      %select_n3A_1098 = arith.select %eq3A_1097, %div3A_1039, %broadcast_in_dim3A_7 : vector<16xi1>, vector<16xf32>
      %select_n3A_1099 = arith.select %eq3A_675, %div3A, %select_n3A_1098 : vector<16xi1>, vector<16xf32>
      tpu.vector_store_idx %arg5[%add3A_298], %select_n3A_1099 : memref<16384xf32, #tpu.memory_space<vmem>>[vector<16xi32>], vector<16xf32>,
      %eq3A_1100 = arith.cmpf oeq, %select_n3A_888, %min3A_1037 : vector<16xf32>
      %select_n3A_1101 = arith.select %eq3A_1100, %div3A_1039, %broadcast_in_dim3A_7 : vector<16xi1>, vector<16xf32>
      %select_n3A_1102 = arith.select %eq3A_676, %div3A, %select_n3A_1101 : vector<16xi1>, vector<16xf32>
      tpu.vector_store_idx %arg5[%add3A_299], %select_n3A_1102 : memref<16384xf32, #tpu.memory_space<vmem>>[vector<16xi32>], vector<16xf32>,
      %eq3A_1103 = arith.cmpf oeq, %select_n3A_890, %min3A_1037 : vector<16xf32>
      %select_n3A_1104 = arith.select %eq3A_1103, %div3A_1039, %broadcast_in_dim3A_7 : vector<16xi1>, vector<16xf32>
      %select_n3A_1105 = arith.select %eq3A_677, %div3A, %select_n3A_1104 : vector<16xi1>, vector<16xf32>
      tpu.vector_store_idx %arg5[%add3A_300], %select_n3A_1105 : memref<16384xf32, #tpu.memory_space<vmem>>[vector<16xi32>], vector<16xf32>,
      %eq3A_1106 = arith.cmpf oeq, %select_n3A_892, %min3A_1037 : vector<16xf32>
      %select_n3A_1107 = arith.select %eq3A_1106, %div3A_1039, %broadcast_in_dim3A_7 : vector<16xi1>, vector<16xf32>
      %select_n3A_1108 = arith.select %eq3A_678, %div3A, %select_n3A_1107 : vector<16xi1>, vector<16xf32>
      tpu.vector_store_idx %arg5[%add3A_301], %select_n3A_1108 : memref<16384xf32, #tpu.memory_space<vmem>>[vector<16xi32>], vector<16xf32>,
      %eq3A_1109 = arith.cmpf oeq, %select_n3A_894, %min3A_1037 : vector<16xf32>
      %select_n3A_1110 = arith.select %eq3A_1109, %div3A_1039, %broadcast_in_dim3A_7 : vector<16xi1>, vector<16xf32>
      %select_n3A_1111 = arith.select %eq3A_679, %div3A, %select_n3A_1110 : vector<16xi1>, vector<16xf32>
      tpu.vector_store_idx %arg5[%add3A_302], %select_n3A_1111 : memref<16384xf32, #tpu.memory_space<vmem>>[vector<16xi32>], vector<16xf32>,
      %eq3A_1112 = arith.cmpf oeq, %select_n3A_896, %min3A_1037 : vector<16xf32>
      %select_n3A_1113 = arith.select %eq3A_1112, %div3A_1039, %broadcast_in_dim3A_7 : vector<16xi1>, vector<16xf32>
      %select_n3A_1114 = arith.select %eq3A_680, %div3A, %select_n3A_1113 : vector<16xi1>, vector<16xf32>
      tpu.vector_store_idx %arg5[%add3A_303], %select_n3A_1114 : memref<16384xf32, #tpu.memory_space<vmem>>[vector<16xi32>], vector<16xf32>,
      %eq3A_1115 = arith.cmpf oeq, %select_n3A_898, %min3A_1037 : vector<16xf32>
      %select_n3A_1116 = arith.select %eq3A_1115, %div3A_1039, %broadcast_in_dim3A_7 : vector<16xi1>, vector<16xf32>
      %select_n3A_1117 = arith.select %eq3A_681, %div3A, %select_n3A_1116 : vector<16xi1>, vector<16xf32>
      tpu.vector_store_idx %arg5[%add3A_304], %select_n3A_1117 : memref<16384xf32, #tpu.memory_space<vmem>>[vector<16xi32>], vector<16xf32>,
      %eq3A_1118 = arith.cmpf oeq, %select_n3A_900, %min3A_1037 : vector<16xf32>
      %select_n3A_1119 = arith.select %eq3A_1118, %div3A_1039, %broadcast_in_dim3A_7 : vector<16xi1>, vector<16xf32>
      %select_n3A_1120 = arith.select %eq3A_682, %div3A, %select_n3A_1119 : vector<16xi1>, vector<16xf32>
      tpu.vector_store_idx %arg5[%add3A_305], %select_n3A_1120 : memref<16384xf32, #tpu.memory_space<vmem>>[vector<16xi32>], vector<16xf32>,
      %eq3A_1121 = arith.cmpf oeq, %select_n3A_902, %min3A_1037 : vector<16xf32>
      %select_n3A_1122 = arith.select %eq3A_1121, %div3A_1039, %broadcast_in_dim3A_7 : vector<16xi1>, vector<16xf32>
      %select_n3A_1123 = arith.select %eq3A_683, %div3A, %select_n3A_1122 : vector<16xi1>, vector<16xf32>
      tpu.vector_store_idx %arg5[%add3A_306], %select_n3A_1123 : memref<16384xf32, #tpu.memory_space<vmem>>[vector<16xi32>], vector<16xf32>,
      %eq3A_1124 = arith.cmpf oeq, %select_n3A_904, %min3A_1037 : vector<16xf32>
      %select_n3A_1125 = arith.select %eq3A_1124, %div3A_1039, %broadcast_in_dim3A_7 : vector<16xi1>, vector<16xf32>
      %select_n3A_1126 = arith.select %eq3A_684, %div3A, %select_n3A_1125 : vector<16xi1>, vector<16xf32>
      tpu.vector_store_idx %arg5[%add3A_307], %select_n3A_1126 : memref<16384xf32, #tpu.memory_space<vmem>>[vector<16xi32>], vector<16xf32>,
      %eq3A_1127 = arith.cmpf oeq, %select_n3A_906, %min3A_1037 : vector<16xf32>
      %select_n3A_1128 = arith.select %eq3A_1127, %div3A_1039, %broadcast_in_dim3A_7 : vector<16xi1>, vector<16xf32>
      %select_n3A_1129 = arith.select %eq3A_685, %div3A, %select_n3A_1128 : vector<16xi1>, vector<16xf32>
      tpu.vector_store_idx %arg5[%add3A_308], %select_n3A_1129 : memref<16384xf32, #tpu.memory_space<vmem>>[vector<16xi32>], vector<16xf32>,
      %eq3A_1130 = arith.cmpf oeq, %select_n3A_908, %min3A_1037 : vector<16xf32>
      %select_n3A_1131 = arith.select %eq3A_1130, %div3A_1039, %broadcast_in_dim3A_7 : vector<16xi1>, vector<16xf32>
      %select_n3A_1132 = arith.select %eq3A_686, %div3A, %select_n3A_1131 : vector<16xi1>, vector<16xf32>
      tpu.vector_store_idx %arg5[%add3A_309], %select_n3A_1132 : memref<16384xf32, #tpu.memory_space<vmem>>[vector<16xi32>], vector<16xf32>,
      %eq3A_1133 = arith.cmpf oeq, %select_n3A_910, %min3A_1037 : vector<16xf32>
      %select_n3A_1134 = arith.select %eq3A_1133, %div3A_1039, %broadcast_in_dim3A_7 : vector<16xi1>, vector<16xf32>
      %select_n3A_1135 = arith.select %eq3A_687, %div3A, %select_n3A_1134 : vector<16xi1>, vector<16xf32>
      tpu.vector_store_idx %arg5[%add3A_310], %select_n3A_1135 : memref<16384xf32, #tpu.memory_space<vmem>>[vector<16xi32>], vector<16xf32>,
      %eq3A_1136 = arith.cmpf oeq, %select_n3A_912, %min3A_1037 : vector<16xf32>
      %select_n3A_1137 = arith.select %eq3A_1136, %div3A_1039, %broadcast_in_dim3A_7 : vector<16xi1>, vector<16xf32>
      %select_n3A_1138 = arith.select %eq3A_688, %div3A, %select_n3A_1137 : vector<16xi1>, vector<16xf32>
      tpu.vector_store_idx %arg5[%add3A_311], %select_n3A_1138 : memref<16384xf32, #tpu.memory_space<vmem>>[vector<16xi32>], vector<16xf32>,
      %eq3A_1139 = arith.cmpf oeq, %select_n3A_914, %min3A_1037 : vector<16xf32>
      %select_n3A_1140 = arith.select %eq3A_1139, %div3A_1039, %broadcast_in_dim3A_7 : vector<16xi1>, vector<16xf32>
      %select_n3A_1141 = arith.select %eq3A_689, %div3A, %select_n3A_1140 : vector<16xi1>, vector<16xf32>
      tpu.vector_store_idx %arg5[%add3A_312], %select_n3A_1141 : memref<16384xf32, #tpu.memory_space<vmem>>[vector<16xi32>], vector<16xf32>,
      %eq3A_1142 = arith.cmpf oeq, %select_n3A_916, %min3A_1037 : vector<16xf32>
      %select_n3A_1143 = arith.select %eq3A_1142, %div3A_1039, %broadcast_in_dim3A_7 : vector<16xi1>, vector<16xf32>
      %select_n3A_1144 = arith.select %eq3A_690, %div3A, %select_n3A_1143 : vector<16xi1>, vector<16xf32>
      tpu.vector_store_idx %arg5[%add3A_313], %select_n3A_1144 : memref<16384xf32, #tpu.memory_space<vmem>>[vector<16xi32>], vector<16xf32>,
      %eq3A_1145 = arith.cmpf oeq, %select_n3A_918, %min3A_1037 : vector<16xf32>
      %select_n3A_1146 = arith.select %eq3A_1145, %div3A_1039, %broadcast_in_dim3A_7 : vector<16xi1>, vector<16xf32>
      %select_n3A_1147 = arith.select %eq3A_691, %div3A, %select_n3A_1146 : vector<16xi1>, vector<16xf32>
      tpu.vector_store_idx %arg5[%add3A_314], %select_n3A_1147 : memref<16384xf32, #tpu.memory_space<vmem>>[vector<16xi32>], vector<16xf32>,
      %eq3A_1148 = arith.cmpf oeq, %select_n3A_920, %min3A_1037 : vector<16xf32>
      %select_n3A_1149 = arith.select %eq3A_1148, %div3A_1039, %broadcast_in_dim3A_7 : vector<16xi1>, vector<16xf32>
      %select_n3A_1150 = arith.select %eq3A_692, %div3A, %select_n3A_1149 : vector<16xi1>, vector<16xf32>
      tpu.vector_store_idx %arg5[%add3A_315], %select_n3A_1150 : memref<16384xf32, #tpu.memory_space<vmem>>[vector<16xi32>], vector<16xf32>,
      %eq3A_1151 = arith.cmpf oeq, %select_n3A_922, %min3A_1037 : vector<16xf32>
      %select_n3A_1152 = arith.select %eq3A_1151, %div3A_1039, %broadcast_in_dim3A_7 : vector<16xi1>, vector<16xf32>
      %select_n3A_1153 = arith.select %eq3A_693, %div3A, %select_n3A_1152 : vector<16xi1>, vector<16xf32>
      tpu.vector_store_idx %arg5[%add3A_316], %select_n3A_1153 : memref<16384xf32, #tpu.memory_space<vmem>>[vector<16xi32>], vector<16xf32>,
      %eq3A_1154 = arith.cmpf oeq, %select_n3A_924, %min3A_1037 : vector<16xf32>
      %select_n3A_1155 = arith.select %eq3A_1154, %div3A_1039, %broadcast_in_dim3A_7 : vector<16xi1>, vector<16xf32>
      %select_n3A_1156 = arith.select %eq3A_694, %div3A, %select_n3A_1155 : vector<16xi1>, vector<16xf32>
      tpu.vector_store_idx %arg5[%add3A_317], %select_n3A_1156 : memref<16384xf32, #tpu.memory_space<vmem>>[vector<16xi32>], vector<16xf32>,
      %eq3A_1157 = arith.cmpf oeq, %select_n3A_926, %min3A_1037 : vector<16xf32>
      %select_n3A_1158 = arith.select %eq3A_1157, %div3A_1039, %broadcast_in_dim3A_7 : vector<16xi1>, vector<16xf32>
      %select_n3A_1159 = arith.select %eq3A_695, %div3A, %select_n3A_1158 : vector<16xi1>, vector<16xf32>
      tpu.vector_store_idx %arg5[%add3A_318], %select_n3A_1159 : memref<16384xf32, #tpu.memory_space<vmem>>[vector<16xi32>], vector<16xf32>,
      %eq3A_1160 = arith.cmpf oeq, %select_n3A_928, %min3A_1037 : vector<16xf32>
      %select_n3A_1161 = arith.select %eq3A_1160, %div3A_1039, %broadcast_in_dim3A_7 : vector<16xi1>, vector<16xf32>
      %select_n3A_1162 = arith.select %eq3A_696, %div3A, %select_n3A_1161 : vector<16xi1>, vector<16xf32>
      tpu.vector_store_idx %arg5[%add3A_319], %select_n3A_1162 : memref<16384xf32, #tpu.memory_space<vmem>>[vector<16xi32>], vector<16xf32>,
      %eq3A_1163 = arith.cmpf oeq, %select_n3A_930, %min3A_1037 : vector<16xf32>
      %select_n3A_1164 = arith.select %eq3A_1163, %div3A_1039, %broadcast_in_dim3A_7 : vector<16xi1>, vector<16xf32>
      %select_n3A_1165 = arith.select %eq3A_697, %div3A, %select_n3A_1164 : vector<16xi1>, vector<16xf32>
      tpu.vector_store_idx %arg5[%add3A_320], %select_n3A_1165 : memref<16384xf32, #tpu.memory_space<vmem>>[vector<16xi32>], vector<16xf32>,
      %eq3A_1166 = arith.cmpf oeq, %select_n3A_932, %min3A_1037 : vector<16xf32>
      %select_n3A_1167 = arith.select %eq3A_1166, %div3A_1039, %broadcast_in_dim3A_7 : vector<16xi1>, vector<16xf32>
      %select_n3A_1168 = arith.select %eq3A_698, %div3A, %select_n3A_1167 : vector<16xi1>, vector<16xf32>
      tpu.vector_store_idx %arg5[%add3A_321], %select_n3A_1168 : memref<16384xf32, #tpu.memory_space<vmem>>[vector<16xi32>], vector<16xf32>,
      %eq3A_1169 = arith.cmpf oeq, %select_n3A_934, %min3A_1037 : vector<16xf32>
      %select_n3A_1170 = arith.select %eq3A_1169, %div3A_1039, %broadcast_in_dim3A_7 : vector<16xi1>, vector<16xf32>
      %select_n3A_1171 = arith.select %eq3A_699, %div3A, %select_n3A_1170 : vector<16xi1>, vector<16xf32>
      tpu.vector_store_idx %arg5[%add3A_322], %select_n3A_1171 : memref<16384xf32, #tpu.memory_space<vmem>>[vector<16xi32>], vector<16xf32>,
      %eq3A_1172 = arith.cmpf oeq, %select_n3A_936, %min3A_1037 : vector<16xf32>
      %select_n3A_1173 = arith.select %eq3A_1172, %div3A_1039, %broadcast_in_dim3A_7 : vector<16xi1>, vector<16xf32>
      %select_n3A_1174 = arith.select %eq3A_700, %div3A, %select_n3A_1173 : vector<16xi1>, vector<16xf32>
      tpu.vector_store_idx %arg5[%add3A_323], %select_n3A_1174 : memref<16384xf32, #tpu.memory_space<vmem>>[vector<16xi32>], vector<16xf32>,
      %eq3A_1175 = arith.cmpf oeq, %select_n3A_938, %min3A_1037 : vector<16xf32>
      %select_n3A_1176 = arith.select %eq3A_1175, %div3A_1039, %broadcast_in_dim3A_7 : vector<16xi1>, vector<16xf32>
      %select_n3A_1177 = arith.select %eq3A_701, %div3A, %select_n3A_1176 : vector<16xi1>, vector<16xf32>
      tpu.vector_store_idx %arg5[%add3A_324], %select_n3A_1177 : memref<16384xf32, #tpu.memory_space<vmem>>[vector<16xi32>], vector<16xf32>,
      %eq3A_1178 = arith.cmpf oeq, %select_n3A_940, %min3A_1037 : vector<16xf32>
      %select_n3A_1179 = arith.select %eq3A_1178, %div3A_1039, %broadcast_in_dim3A_7 : vector<16xi1>, vector<16xf32>
      %select_n3A_1180 = arith.select %eq3A_702, %div3A, %select_n3A_1179 : vector<16xi1>, vector<16xf32>
      tpu.vector_store_idx %arg5[%add3A_325], %select_n3A_1180 : memref<16384xf32, #tpu.memory_space<vmem>>[vector<16xi32>], vector<16xf32>,
      %eq3A_1181 = arith.cmpf oeq, %select_n3A_942, %min3A_1037 : vector<16xf32>
      %select_n3A_1182 = arith.select %eq3A_1181, %div3A_1039, %broadcast_in_dim3A_7 : vector<16xi1>, vector<16xf32>
      %select_n3A_1183 = arith.select %eq3A_703, %div3A, %select_n3A_1182 : vector<16xi1>, vector<16xf32>
      tpu.vector_store_idx %arg5[%add3A_326], %select_n3A_1183 : memref<16384xf32, #tpu.memory_space<vmem>>[vector<16xi32>], vector<16xf32>,
      %eq3A_1184 = arith.cmpf oeq, %select_n3A_944, %min3A_1037 : vector<16xf32>
      %select_n3A_1185 = arith.select %eq3A_1184, %div3A_1039, %broadcast_in_dim3A_7 : vector<16xi1>, vector<16xf32>
      %select_n3A_1186 = arith.select %eq3A_704, %div3A, %select_n3A_1185 : vector<16xi1>, vector<16xf32>
      tpu.vector_store_idx %arg5[%add3A_327], %select_n3A_1186 : memref<16384xf32, #tpu.memory_space<vmem>>[vector<16xi32>], vector<16xf32>,
      %eq3A_1187 = arith.cmpf oeq, %select_n3A_946, %min3A_1037 : vector<16xf32>
      %select_n3A_1188 = arith.select %eq3A_1187, %div3A_1039, %broadcast_in_dim3A_7 : vector<16xi1>, vector<16xf32>
      %select_n3A_1189 = arith.select %eq3A_705, %div3A, %select_n3A_1188 : vector<16xi1>, vector<16xf32>
      tpu.vector_store_idx %arg5[%add3A_328], %select_n3A_1189 : memref<16384xf32, #tpu.memory_space<vmem>>[vector<16xi32>], vector<16xf32>,
      %eq3A_1190 = arith.cmpf oeq, %select_n3A_948, %min3A_1037 : vector<16xf32>
      %select_n3A_1191 = arith.select %eq3A_1190, %div3A_1039, %broadcast_in_dim3A_7 : vector<16xi1>, vector<16xf32>
      %select_n3A_1192 = arith.select %eq3A_706, %div3A, %select_n3A_1191 : vector<16xi1>, vector<16xf32>
      tpu.vector_store_idx %arg5[%add3A_329], %select_n3A_1192 : memref<16384xf32, #tpu.memory_space<vmem>>[vector<16xi32>], vector<16xf32>,
      %eq3A_1193 = arith.cmpf oeq, %select_n3A_950, %min3A_1037 : vector<16xf32>
      %select_n3A_1194 = arith.select %eq3A_1193, %div3A_1039, %broadcast_in_dim3A_7 : vector<16xi1>, vector<16xf32>
      %select_n3A_1195 = arith.select %eq3A_707, %div3A, %select_n3A_1194 : vector<16xi1>, vector<16xf32>
      tpu.vector_store_idx %arg5[%add3A_330], %select_n3A_1195 : memref<16384xf32, #tpu.memory_space<vmem>>[vector<16xi32>], vector<16xf32>,
      %eq3A_1196 = arith.cmpf oeq, %select_n3A_952, %min3A_1037 : vector<16xf32>
      %select_n3A_1197 = arith.select %eq3A_1196, %div3A_1039, %broadcast_in_dim3A_7 : vector<16xi1>, vector<16xf32>
      %select_n3A_1198 = arith.select %eq3A_708, %div3A, %select_n3A_1197 : vector<16xi1>, vector<16xf32>
      tpu.vector_store_idx %arg5[%add3A_331], %select_n3A_1198 : memref<16384xf32, #tpu.memory_space<vmem>>[vector<16xi32>], vector<16xf32>,
      %eq3A_1199 = arith.cmpf oeq, %select_n3A_954, %min3A_1037 : vector<16xf32>
      %select_n3A_1200 = arith.select %eq3A_1199, %div3A_1039, %broadcast_in_dim3A_7 : vector<16xi1>, vector<16xf32>
      %select_n3A_1201 = arith.select %eq3A_709, %div3A, %select_n3A_1200 : vector<16xi1>, vector<16xf32>
      tpu.vector_store_idx %arg5[%add3A_332], %select_n3A_1201 : memref<16384xf32, #tpu.memory_space<vmem>>[vector<16xi32>], vector<16xf32>,
      %eq3A_1202 = arith.cmpf oeq, %select_n3A_956, %min3A_1037 : vector<16xf32>
      %select_n3A_1203 = arith.select %eq3A_1202, %div3A_1039, %broadcast_in_dim3A_7 : vector<16xi1>, vector<16xf32>
      %select_n3A_1204 = arith.select %eq3A_710, %div3A, %select_n3A_1203 : vector<16xi1>, vector<16xf32>
      tpu.vector_store_idx %arg5[%add3A_333], %select_n3A_1204 : memref<16384xf32, #tpu.memory_space<vmem>>[vector<16xi32>], vector<16xf32>,
      %eq3A_1205 = arith.cmpf oeq, %select_n3A_958, %min3A_1037 : vector<16xf32>
      %select_n3A_1206 = arith.select %eq3A_1205, %div3A_1039, %broadcast_in_dim3A_7 : vector<16xi1>, vector<16xf32>
      %select_n3A_1207 = arith.select %eq3A_711, %div3A, %select_n3A_1206 : vector<16xi1>, vector<16xf32>
      tpu.vector_store_idx %arg5[%add3A_334], %select_n3A_1207 : memref<16384xf32, #tpu.memory_space<vmem>>[vector<16xi32>], vector<16xf32>,
      %eq3A_1208 = arith.cmpf oeq, %select_n3A_960, %min3A_1037 : vector<16xf32>
      %select_n3A_1209 = arith.select %eq3A_1208, %div3A_1039, %broadcast_in_dim3A_7 : vector<16xi1>, vector<16xf32>
      %select_n3A_1210 = arith.select %eq3A_712, %div3A, %select_n3A_1209 : vector<16xi1>, vector<16xf32>
      tpu.vector_store_idx %arg5[%add3A_335], %select_n3A_1210 : memref<16384xf32, #tpu.memory_space<vmem>>[vector<16xi32>], vector<16xf32>,
      %eq3A_1211 = arith.cmpf oeq, %select_n3A_962, %min3A_1037 : vector<16xf32>
      %select_n3A_1212 = arith.select %eq3A_1211, %div3A_1039, %broadcast_in_dim3A_7 : vector<16xi1>, vector<16xf32>
      %select_n3A_1213 = arith.select %eq3A_713, %div3A, %select_n3A_1212 : vector<16xi1>, vector<16xf32>
      tpu.vector_store_idx %arg5[%add3A_336], %select_n3A_1213 : memref<16384xf32, #tpu.memory_space<vmem>>[vector<16xi32>], vector<16xf32>,
      %eq3A_1214 = arith.cmpf oeq, %select_n3A_964, %min3A_1037 : vector<16xf32>
      %select_n3A_1215 = arith.select %eq3A_1214, %div3A_1039, %broadcast_in_dim3A_7 : vector<16xi1>, vector<16xf32>
      %select_n3A_1216 = arith.select %eq3A_714, %div3A, %select_n3A_1215 : vector<16xi1>, vector<16xf32>
      tpu.vector_store_idx %arg5[%add3A_337], %select_n3A_1216 : memref<16384xf32, #tpu.memory_space<vmem>>[vector<16xi32>], vector<16xf32>,
      %eq3A_1217 = arith.cmpf oeq, %select_n3A_966, %min3A_1037 : vector<16xf32>
      %select_n3A_1218 = arith.select %eq3A_1217, %div3A_1039, %broadcast_in_dim3A_7 : vector<16xi1>, vector<16xf32>
      %select_n3A_1219 = arith.select %eq3A_715, %div3A, %select_n3A_1218 : vector<16xi1>, vector<16xf32>
      tpu.vector_store_idx %arg5[%add3A_338], %select_n3A_1219 : memref<16384xf32, #tpu.memory_space<vmem>>[vector<16xi32>], vector<16xf32>,
      %eq3A_1220 = arith.cmpf oeq, %select_n3A_968, %min3A_1037 : vector<16xf32>
      %select_n3A_1221 = arith.select %eq3A_1220, %div3A_1039, %broadcast_in_dim3A_7 : vector<16xi1>, vector<16xf32>
      %select_n3A_1222 = arith.select %eq3A_716, %div3A, %select_n3A_1221 : vector<16xi1>, vector<16xf32>
      tpu.vector_store_idx %arg5[%add3A_339], %select_n3A_1222 : memref<16384xf32, #tpu.memory_space<vmem>>[vector<16xi32>], vector<16xf32>,
      %eq3A_1223 = arith.cmpf oeq, %select_n3A_970, %min3A_1037 : vector<16xf32>
      %select_n3A_1224 = arith.select %eq3A_1223, %div3A_1039, %broadcast_in_dim3A_7 : vector<16xi1>, vector<16xf32>
      %select_n3A_1225 = arith.select %eq3A_717, %div3A, %select_n3A_1224 : vector<16xi1>, vector<16xf32>
      tpu.vector_store_idx %arg5[%add3A_340], %select_n3A_1225 : memref<16384xf32, #tpu.memory_space<vmem>>[vector<16xi32>], vector<16xf32>,
      %eq3A_1226 = arith.cmpf oeq, %select_n3A_972, %min3A_1037 : vector<16xf32>
      %select_n3A_1227 = arith.select %eq3A_1226, %div3A_1039, %broadcast_in_dim3A_7 : vector<16xi1>, vector<16xf32>
      %select_n3A_1228 = arith.select %eq3A_718, %div3A, %select_n3A_1227 : vector<16xi1>, vector<16xf32>
      tpu.vector_store_idx %arg5[%add3A_341], %select_n3A_1228 : memref<16384xf32, #tpu.memory_space<vmem>>[vector<16xi32>], vector<16xf32>,
      %eq3A_1229 = arith.cmpf oeq, %select_n3A_974, %min3A_1037 : vector<16xf32>
      %select_n3A_1230 = arith.select %eq3A_1229, %div3A_1039, %broadcast_in_dim3A_7 : vector<16xi1>, vector<16xf32>
      %select_n3A_1231 = arith.select %eq3A_719, %div3A, %select_n3A_1230 : vector<16xi1>, vector<16xf32>
      tpu.vector_store_idx %arg5[%add3A_342], %select_n3A_1231 : memref<16384xf32, #tpu.memory_space<vmem>>[vector<16xi32>], vector<16xf32>,
    }
    %scan3A_272 = arith.constant 16 : i32
    "tpu.region"() ({
      %run_scoped3A = tpu.sem_alloc : memref<!tpu.dma_semaphore, #tpu.memory_space<semaphore_mem>>
      %dma_start3A = tpu.memref_slice %arg3[%mul3A_2] : memref<524288xf32, #tpu.memory_space<hbm>> -> memref<16384xf32, #tpu.memory_space<hbm>>
      %dma_start3A_273 = tpu.memref_slice %arg3[%mul3A_2] : memref<524288xf32, #tpu.memory_space<hbm>> -> memref<16384xf32, #tpu.memory_space<hbm>>
      tpu.enqueue_dma source(%arg5 : memref<16384xf32, #tpu.memory_space<vmem>>) target(%dma_start3A_273 : memref<16384xf32, #tpu.memory_space<hbm>>) target_semaphore(%run_scoped3A : memref<!tpu.dma_semaphore, #tpu.memory_space<semaphore_mem>>)
      %dma_wait3A = tpu.memref_slice %arg3[%mul3A_2] : memref<524288xf32, #tpu.memory_space<hbm>> -> memref<16384xf32, #tpu.memory_space<hbm>>
      %dma_wait3A_274 = tpu.memref_slice %arg3[%mul3A_2] : memref<524288xf32, #tpu.memory_space<hbm>> -> memref<16384xf32, #tpu.memory_space<hbm>>
      tpu.wait_dma2 semaphore(%run_scoped3A : memref<!tpu.dma_semaphore, #tpu.memory_space<semaphore_mem>>) src(%arg5 : memref<16384xf32, #tpu.memory_space<vmem>>) dst(%dma_wait3A_274 : memref<16384xf32, #tpu.memory_space<hbm>>)
      tpu.yield
    }) : () -> ()
    return
  }
}

module attributes {stable_mosaic.version = 14 : i64} {
  func.func @_proj_kernel(%arg0: i32, %arg1: memref<1024x2048xf32, #tpu.memory_space<vmem>>, %arg2: memref<2048x64xf32, #tpu.memory_space<vmem>>, %arg3: memref<1x64xf32, #tpu.memory_space<vmem>>, %arg4: memref<1024x64xf32, #tpu.memory_space<vmem>>) attributes {dimension_semantics = [#tpu.dimension_semantics<parallel>], iteration_bounds = array<i64: 8>, scalar_prefetch = 0 : i64, scratch_operands = 0 : i64, tpu.core_type = #tpu.core_type<tc>, window_params = [{transform_indices = @transform_0, window_bounds = array<i64: 1024, 2048>}, {pipeline_mode = #tpu.pipeline_mode<synchronous>, transform_indices = @transform_1, window_bounds = array<i64: 2048, 64>}, {pipeline_mode = #tpu.pipeline_mode<synchronous>, transform_indices = @transform_2, window_bounds = array<i64: 1, 64>}, {transform_indices = @transform_3, window_bounds = array<i64: 1024, 64>}]} {
    %get3A = arith.constant 0 : index
    %get3A_0 = arith.constant 0 : index
    %get3A_1 = vector.load %arg1[%get3A, %get3A_0] : memref<1024x2048xf32, #tpu.memory_space<vmem>>, vector<1024x2048xf32>
    %get3A_2 = arith.constant 0 : index
    %get3A_3 = arith.constant 0 : index
    %get3A_4 = vector.load %arg2[%get3A_2, %get3A_3] : memref<2048x64xf32, #tpu.memory_space<vmem>>, vector<2048x64xf32>
    %dot_general3A = arith.constant dense<0.000000e+00> : vector<1024x64xf32>
    %dot_general3A_5 = tpu.matmul %get3A_1, %get3A_4, %dot_general3A {dimension_numbers = #tpu.dot_dimension_numbers<[1], [0], [0], [1], [0, 0, 1, 1], [], []>, transpose_lhs_hint = false} : vector<1024x2048xf32>, vector<2048x64xf32>, vector<1024x64xf32> -> vector<1024x64xf32>
    %get3A_6 = arith.constant 0 : index
    %get3A_7 = arith.constant 0 : index
    %get3A_8 = vector.load %arg3[%get3A_6, %get3A_7] : memref<1x64xf32, #tpu.memory_space<vmem>>, vector<1x64xf32>
    %add3A = vector.broadcast %get3A_8 : vector<1x64xf32> to vector<1024x64xf32>
    %add3A_9 = arith.addf %dot_general3A_5, %add3A : vector<1024x64xf32>
    %swap3A = arith.constant 0 : index
    %swap3A_10 = arith.constant 0 : index
    %swap3A_11 = vector.load %arg4[%swap3A, %swap3A_10] : memref<1024x64xf32, #tpu.memory_space<vmem>>, vector<1024x64xf32>
    tpu.vector_store %arg4[%swap3A, %swap3A_10], %add3A_9 {strides = array<i32>} : memref<1024x64xf32, #tpu.memory_space<vmem>>, vector<1024x64xf32>,
    return
  }
  func.func @transform_0(%arg0: i32) -> (i32, i32) {
    %c0_i32 = arith.constant 0 : i32
    %c0_i32_0 = arith.constant 0 : i32
    return %arg0, %c0_i32 : i32, i32
  }
  func.func @transform_1(%arg0: i32) -> (i32, i32) {
    %c0_i32 = arith.constant 0 : i32
    %c0_i32_0 = arith.constant 0 : i32
    %c0_i32_1 = arith.constant 0 : i32
    return %c0_i32, %c0_i32_0 : i32, i32
  }
  func.func @transform_2(%arg0: i32) -> (i32, i32) {
    %c0_i32 = arith.constant 0 : i32
    %c0_i32_0 = arith.constant 0 : i32
    %c0_i32_1 = arith.constant 0 : i32
    return %c0_i32, %c0_i32_0 : i32, i32
  }
  func.func @transform_3(%arg0: i32) -> (i32, i32) {
    %c0_i32 = arith.constant 0 : i32
    %c0_i32_0 = arith.constant 0 : i32
    return %arg0, %c0_i32 : i32, i32
  }
}

</mosaic_0001>

<sc_bundles>
// kernel: kernel.4.cloned.1.call-start
scs
__scs_entry_jumppad:
0x0: {  	(pc) =	sbr.rel $0x88, $3  }
0x1: {  	(tag) =	ssettag $0x0;
	lr =	simm.s32 $0x1  }
0x2: {  	[smem:$0x3F9E] =	sst lr;
	_ =	strace $0xD0000000  }
0x3: {  	_ = 	snop  }
0x4: {  	_ = 	snop  }
0x5: {  	_ = 	snop  }
0x6: {  	_ = 	snop  }
0x7: {  	_ = 	snop  }
__scs_overlays_trampoline_lowered:
0x8: {  	[smem:$0x3FAD] =	sst s0  }
0x9: {  	[smem:$0x3FAE] =	sst s1  }
0xa: {  	[smem:$0x3FAF] =	sst s2  }
0xb: {  	[smem:$0x3FB0] =	sst s3  }
0xc: {  	[smem:$0x3FB1] =	sst s4  }
0xd: {  	[smem:$0x3FB2] =	sst s5  }
0xe: {  	[smem:$0x3FB3] =	sst s6  }
0xf: {  	[smem:$0x3FB4] =	sst s7  }
0x10: {  	[smem:$0x3FB5] =	sst s8  }
0x11: {  	[smem:$0x3FB6] =	sst s9;
	s0 =	simm.s32 @!p0 $0x0  }
0x12: {  	s1 =	sld [smem:$0x3F9C];
	s0 =	simm.s32 @p0 $0x1  }
0x13: {  	[smem:$0x3FB7] =	sst s0;
	s0 =	simm.s32 @!p1 $0x0  }
0x14: {  	s2 =	sld [smem:$0x3F9B];
	s0 =	simm.s32 @p1 $0x1  }
0x15: {  	[smem:$0x3FB8] =	sst s0;
	s0 =	simm.s32 @!p2 $0x0  }
0x16: {  	s3 =	sld [smem:$0x3FDB];
	s0 =	simm.s32 @p2 $0x1  }
0x17: {  	s4 =	simm.s32 $0x1BF5;
	[smem:$0x3FBA] =	sst s0  }
0x18: {  	s0 =	sld [smem:$0x3F9D];
	_ =	swait.ge [sflag:s4], $0x0  }
0x19: {  	s7 =	sld [smem:$0x3F9E]  }
0x1a: {  	s8 =	sadd.s32 $0xFFFFE003, lr  }
0x1b: {  	s9 =	sadd.s32 $0xFFFFFEF7, lr;
	s5 =	simm.s32 $0xFFFFFFFF;
	p2 =	slt.u32 s8, $0xFFFFF086  }
0x1c: {  	p1 =	slt.u32 s9, $0xF7A;
	s5 =	simm.s32 @!p2 $0x0  }
0x1d: {  	s5 =	simm.s32 @p1 $0x1;
	p0 =	seq.s32 s7, s2  }
0x1e: {  	s7 =	smul.u32 @!p0 $0xF7A, s2;
	p2 =	seq.s32 @!p0 s5, $0x0  }
0x1f: {  	s9 =	smul.u32 $0xF7A, s1;
	s8 =	simm.s32 @!p0 $0x1BF5;
	p2 =	por !p2, p0  }
0x20: {  	[sflag:s8] =	ssyncset.s32 @!p0 $0xFFFFF086;
	s6 =	sadd.s32 @!p0 s3, s7;
	s7 =	simm.s32 @!p0 $0x108  }
0x21: {  	s3 =	sadd.s32 s3, s9;
	s6 =	sadd.s32 @!p0 $0x88, s6;
	s7 =	simm.s32 @p2 $0x1082  }
0x22: {  	[simem:s7], [sflag:s8] =	dma.local @!p0 [hbm:s6], $0xF7A  }
0x23: {  	s9 =	sor.u32 $0xD0000000, s2;
	s6 =	simm.s32 $0x108;
	_ =	swait.ge @!p0 [sflag:s8], $0x0  }
0x24: {  	s3 =	sadd.s32 $0x88, s3;
	s6 =	simm.s32 @!p1 $0x1082;
	[sflag:s4] =	ssyncset.s32 $0xFFFFF086  }
0x25: {  	[simem:s6], [sflag:s4] =	dma.local [hbm:s3], $0xF7A  }
0x26: {  	[smem:$0x3F9E] =	sst s1;
	(tag) =	ssettag s2;
	_ =	strace s9  }
0x27: {  	s1 =	sld [smem:$0x3FAE]  }
0x28: {  	s2 =	sld [smem:$0x3FAF]  }
0x29: {  	s4 =	sld [smem:$0x3FB1]  }
0x2a: {  	p0 =	seq.s32 s5, $0x0;
	s5 =	sld [smem:$0x3FB2]  }
0x2b: {  	s6 =	sld [smem:$0x3FB3]  }
0x2c: {  	s7 =	sld [smem:$0x3FB4]  }
0x2d: {  	s3 =	simm.s32 $0x108;
	s8 =	sld [smem:$0x3FB5]  }
0x2e: {  	s3 =	simm.s32 @!p0 $0x1082;
	s9 =	sld [smem:$0x3FB6]  }
0x2f: {  	lr =	sadd.s32 s0, s3;
	s0 =	sld [smem:$0x3FAD]  }
0x30: {  	s3 =	sld [smem:$0x3FB0]  }
0x31: {  	[smem:$0x3FB9] =	sst s10  }
0x32: {  	s10 =	sld [smem:$0x3FB7];
	_ =	sdelay $0x3  }
0x33: {  	p0 =	seq.s32 s10, $0x1;
	s10 =	sld [smem:$0x3FB9];
	_ =	sdelay $0x3  }
0x34: {  	[smem:$0x3FB9] =	sst s10  }
0x35: {  	s10 =	sld [smem:$0x3FB8];
	_ =	sdelay $0x3  }
0x36: {  	p1 =	seq.s32 s10, $0x1;
	s10 =	sld [smem:$0x3FB9];
	_ =	sdelay $0x3  }
0x37: {  	[smem:$0x3FB9] =	sst s10  }
0x38: {  	s10 =	sld [smem:$0x3FBA]  }
0x39: {  	_ = 	snop;
	(pc) =	sbr.ind lr, $3  }
0x3a: {  	_ = 	snop  }
0x3b: {  	_ = 	snop  }
0x3c: {  	p2 =	seq.s32 s10, $0x1;
	s10 =	sld [smem:$0x3FB9]  }
0x3d: {  	_ =	shalt  }
0x3e: {  	_ =	shalt  }
0x3f: {  	_ =	shalt  }
0x40: {  	_ =	shalt  }
0x41: {  	_ =	shalt  }
0x42: {  	_ =	shalt  }
0x43: {  	_ =	shalt  }
0x44: {  	_ =	shalt  }
0x45: {  	_ =	shalt  }
0x46: {  	_ =	shalt  }
0x47: {  	_ =	shalt  }
0x48: {  	_ =	shalt  }
0x49: {  	_ =	shalt  }
0x4a: {  	_ =	shalt  }
0x4b: {  	_ =	shalt  }
0x4c: {  	_ =	shalt  }
0x4d: {  	_ =	shalt  }
0x4e: {  	_ =	shalt  }
0x4f: {  	_ =	shalt  }
0x50: {  	_ =	shalt  }
0x51: {  	_ =	shalt  }
0x52: {  	_ =	shalt  }
0x53: {  	_ =	shalt  }
0x54: {  	_ =	shalt  }
0x55: {  	_ =	shalt  }
0x56: {  	_ =	shalt  }
0x57: {  	_ =	shalt  }
0x58: {  	_ =	shalt  }
0x59: {  	_ =	shalt  }
0x5a: {  	_ =	shalt  }
0x5b: {  	_ =	shalt  }
0x5c: {  	_ =	shalt  }
0x5d: {  	_ =	shalt  }
0x5e: {  	_ =	shalt  }
0x5f: {  	_ =	shalt  }
0x60: {  	_ =	shalt  }
0x61: {  	_ =	shalt  }
0x62: {  	_ =	shalt  }
0x63: {  	_ =	shalt  }
0x64: {  	_ =	shalt  }
0x65: {  	_ =	shalt  }
0x66: {  	_ =	shalt  }
0x67: {  	_ =	shalt  }
0x68: {  	_ =	shalt  }
0x69: {  	_ =	shalt  }
0x6a: {  	_ =	shalt  }
0x6b: {  	_ =	shalt  }
0x6c: {  	_ =	shalt  }
0x6d: {  	_ =	shalt  }
0x6e: {  	_ =	shalt  }
0x6f: {  	_ =	shalt  }
0x70: {  	_ =	shalt  }
0x71: {  	_ =	shalt  }
0x72: {  	_ =	shalt  }
0x73: {  	_ =	shalt  }
0x74: {  	_ =	shalt  }
0x75: {  	_ =	shalt  }
0x76: {  	_ =	shalt  }
0x77: {  	_ =	shalt  }
0x78: {  	_ =	shalt  }
0x79: {  	_ =	shalt  }
0x7a: {  	_ =	shalt  }
0x7b: {  	_ =	shalt  }
0x7c: {  	_ =	shalt  }
0x7d: {  	_ =	shalt  }
0x7e: {  	_ =	shalt  }
0x7f: {  	_ =	shalt  }
0x80: {  	_ =	shalt  }
0x81: {  	_ =	shalt  }
0x82: {  	_ =	shalt  }
0x83: {  	_ =	shalt  }
0x84: {  	_ =	shalt  }
0x85: {  	_ =	shalt  }
0x86: {  	_ =	shalt  }
0x87: {  	_ =	shalt  }
.Lfunc_end0:
.L_simem_size_0:
called_computation_lowered:
.L_overlay_start_0:
0x88: {  	s2 =	sld [smem:$0x3FD9]  }
0x89: {  	s3 =	sld [smem:$0x3FFE];
	_ =	sdelay $0x1  }
0x8a: {  	s1 =	srdreg.scid  }
0x8b: {  	s0 =	sand.u32 $0x1, s1  }
0x8c: {  	s17 =	sshll.u32 s0, $0xA;
	s2 =	sadd.s32 s3, s2  }
0x8d: {  	s2 =	sadd.s32 s2, s17  }
0x8e: {  	[smem:$0x3FC5] =	sst s2  }
0x8f: {  	_ = 	snop  }
0x90: {  	s2 =	sld [smem:$0x3FD0];
	(tm) =	ssettm $0x1  }
0x91: {  	s18 =	sld [smem:$0x3FFB];
	_ =	sdelay $0x3  }
0x92: {  	_ =	strace s18  }
0x93: {  	s3 =	sld [smem:$0x3FFC];
	_ =	sdelay $0x3  }
0x94: {  	_ =	strace s3  }
0x95: {  	s3 =	sld [smem:$0x3FFD];
	_ =	sdelay $0x3  }
0x96: {  	_ =	strace s3  }
0x97: {  	_ =	strace $0x8FFFFFFF  }
0x98: {  	s19 =	sld [smem:$0x3FDB];
	_ =	sdelay $0x1  }
0x99: {  	s4 =	simm.s32 $_scs_section_size  }
0x9a: {  	s5 =	simm.s32 $_size__tile_overlayer_lowered;
	s6 =	simm.s32 $_tile_overlayer_lowered  }
0x9b: {  	s22 =	simm.s32 $0x1BFF;
	s21 =	sshll.u32 s6, $0x1;
	s3 =	sadd.s32 s4, s19  }
0x9c: {  	s7 =	simm.s32 $0x0;
	s20 =	sshll.u32 s5, $0x1;
	s5 =	sadd.s32 s21, s3  }
0x9d: {  	[timem:s7], [sflag:s22] =	dma.local [hbm:s5], s20  }
0x9e: {  	_ =	swait.ge [sflag:s22], s20  }
0x9f: {  	s4 =	ssub.s32 $0x0, s20;
	[sflag:s22] =	ssyncset.done $0x0  }
0xa0: {  	[sflag:s22] =	ssyncadd.s32 s4;
	_ =	sdelay $0x1  }
0xa1: {  	s23 =	simm.s32 $0x1B8B  }
0xa2: {  	_ =	swait.ge [sflag:s23], $0x1  }
0xa3: {  	[sflag:s23] =	ssyncset.done $0x0  }
0xa4: {  	s25 =	simm.s32 $0x1B8E;
	s24 =	sld [smem:$0x3FFE];
	[sflag:s23] =	ssyncadd.s32 $0xFFFFFFFF  }
0xa5: {  	s26 =	simm.s32 $execute0_lowered;
	[smem:$0x3FD2] =	sst s25  }
0xa6: {  	s5 =	sshll.u32 s26, $0x1;
	_ =	strace $0x80000046;
	[dreg:$0x1] =	wrdreg $0xFFFFFFFF  }
0xa7: {  	s28 =	simm.s32 $_size_execute0_lowered;
	s3 =	sadd.s32 s3, s5;
	[dreg:$0x0] =	wrdreg $0x0  }
0xa8: {  	s5 =	sshll.u32 s28, $0x1;
	[dreg:$0x2] =	wrdreg s3  }
0xa9: {  	[dreg:$0x3] =	wrdreg s5  }
0xaa: {  	[dreg:$0x4] =	wrdreg $0xC0  }
0xab: {  	_ =	task [dreg:s7], $0x5FFFF  }
0xac: {  	[dreg:$0x1] =	wrdreg $0xFFFFFFFF  }
0xad: {  	[dreg:$0x0] =	wrdreg $0x60  }
0xae: {  	[dreg:$0x2] =	wrdreg s2  }
0xaf: {  	[dreg:$0x3] =	wrdreg s24  }
0xb0: {  	[dreg:$0x4] =	wrdreg $0x9  }
0xb1: {  	_ =	task.clear_ibuf [dreg:s7], $0x5FFFF;
	_ =	strace $0x90000046  }
0xb2: {  	s29 =	simm.s32 $0x9;
	_ =	strace $0x80000048  }
0xb3: {  	_ =	swait.ge [sflag:s29], $0x1  }
0xb4: {  	[sflag:s29] =	ssyncadd.s32 $0xFFFFFFFF  }
0xb5: {  	_ =	strace $0x90000048  }
0xb6: {  	_ =	sfence  }
0xb7: {  	s30 =	sld [smem:$0x0];
	_ =	sdelay $0x2  }
0xb8: {  	s31 =	sshll.u32 s1, $0xD;
	s1 =	sshrl.u32 s1, $0x2  }
0xb9: {  	s3 =	sand.u32 $0x4000, s31;
	s1 =	sadd.s32 s1, s30  }
0xba: {  	s0 =	sor.u32 s3, s0;
	s1 =	sshll.u32 s1, $0x11  }
0xbb: {  	s0 =	sor.u32 s1, s0  }
0xbc: {  	s0 =	sadd.s32 $0x8F2B, s0  }
0xbd: {  	[sflag:s0] =	ssyncadd.remote.s32 $0x1  }
0xbe: {  	_ =	sfence.sel $0xFFFF  }
0xbf: {  	[dreg:$0x0] =	wrdreg $0xFFFFFFFF;
	(pc) =	sbr.abs _section_cstart, $3  }
0xc0: {  	[dreg:$0x1] =	wrdreg $0xFFFFFFFF  }
0xc1: {  	_ =	task.clear_ibuf [dreg:s7], $0x2FFFF;
	_ =	strace $0x9FFFFFFF  }
0xc2: {  	(tm) =	ssettm $0x7FFFFFFF  }
0xc3: {  	_ =	shalt  }
tec
execute0_lowered:
.L_overlay_start_1:
0x0: {  	(tag) =	ssettag $0x1  }
0x1: {  	s3 =	rddreg [dreg:$0x0]  }
0x2: {  	s4 =	rddreg [dreg:$0x1]  }
0x3: {  	s0 =	rddreg [dreg:$0x2];
	s5 =	srdreg.scid  }
0x4: {  	s2 =	simm.s32 $0x0;
	s1 =	stileid.u32;
	s8 =	simm.s32 $0x0  }
0x5: {  	s5 =	sand.u32 $0x1, s5;
	s6 =	sshll.u32 s1, $0xC;
	[smem:$0x7FF] =	sst s2  }
0x6: {  	v0 =	vlaneseq.u32;
	s7 =	sshll.u32 s5, $0xB;
	s5 =	ssub.s32 $0x2, s5;
	_ =	strace $0x80000047  }
0x7: {  	v1 =	vmul.u32 $0x40, v0;
	s6 =	sor.u32 s7, s6;
	s31 =	sshrl.u32 s5, $0x1;
	s7 =	simm.s32 $0x4000  }
0x8: {  	s4 =	sadd.s32 s6, s4;
	s5 =	ssub.s32 s5, s31;
	s3 =	sadd.s32 s3, s6  }
0x9: {  	v17 =	vimm.f32 $6.400000000e+01;
	[tilespmem:$0x1FFF0] =	vst v1;
	s6 =	simm.s32 $0x1;
	s4 =	sadd.s32 $0x600, s4;
	s5 =	smax.u32 s5, $0x1  }
.LBB2_1:
0xa: {  	[tilespmem:s2], [sflag:$0x1] =	stream.linear.gather [hbm4b:s3+s2], $0x4000, $0x38;
	[tilespmem:$0x8000] =	vst v63  }
0xb: {  	_ =	swait.ge [sflag:s6], $0x4000  }
0xc: {  	[sflag:s6] =	ssyncset.done $0x0  }
0xd: {  	s9 =	simm.s32 $0x0;
	[sflag:s6] =	ssyncadd.s32 $0xFFFFC000  }
.LBB2_2:
0xe: {  	_ =	sdelay $0x1  }
0xf: {  	v0 =	vmov s9  }
0x10: {  	v0 =	vshll.u32 v0, $0x6  }
0x11: {  	v0 =	vor.u32 v1, v0  }
0x12: {  	v1 =	vor.u32 $0x1, v0  }
0x13: {  	v3 =	vor.u32 $0x2, v0;
	[tilespmem:$0x1F7C0] =	vst v1  }
0x14: {  	v5 =	vor.u32 $0x3, v0;
	[tilespmem:$0x1F7D0] =	vst v3  }
0x15: {  	v4 =	vor.u32 $0x4, v0;
	[tilespmem:$0x1F7E0] =	vst v5  }
0x16: {  	v2 =	vor.u32 $0x5, v0;
	[tilespmem:$0x1F7F0] =	vst v4  }
0x17: {  	v13 =	vor.u32 $0x8, v0;
	[tilespmem:$0x1F800] =	vst v2  }
0x18: {  	v6 =	vor.u32 $0x9, v0;
	[tilespmem:$0x1F830] =	vst v13  }
0x19: {  	v20 =	vor.u32 $0xA, v0;
	[tilespmem:$0x1F840] =	vst v6  }
0x1a: {  	v21 =	vor.u32 $0xD, v0;
	[tilespmem:$0x1F850] =	vst v20  }
0x1b: {  	v22 =	vor.u32 $0xE, v0;
	[tilespmem:$0x1F8A0] =	vst v21  }
0x1c: {  	v23 =	vor.u32 $0xF, v0;
	[tilespmem:$0x1F8D0] =	vst v22  }
0x1d: {  	v24 =	vor.u32 $0x12, v0;
	[tilespmem:$0x1F8F0] =	vst v23  }
0x1e: {  	v25 =	vor.u32 $0x13, v0;
	[tilespmem:$0x1F970] =	vst v24  }
0x1f: {  	v26 =	vor.u32 $0x14, v0;
	[tilespmem:$0x1F990] =	vst v25  }
0x20: {  	v27 =	vor.u32 $0x17, v0;
	[tilespmem:$0x1F9C0] =	vst v26  }
0x21: {  	v28 =	vor.u32 $0x18, v0;
	[tilespmem:$0x1FA20] =	vst v27  }
0x22: {  	v29 =	vor.u32 $0x19, v0;
	[tilespmem:$0x1FA50] =	vst v28  }
0x23: {  	v31 =	vor.u32 $0x1C, v0;
	[tilespmem:$0x1FA70] =	vst v29  }
0x24: {  	v32 =	vor.u32 $0x1D, v0;
	[tilespmem:$0x1FAF0] =	vst v31;
	v53 =	vld.idx.msk [tilespmem:v0+s2+$0x0], $0xffff  }
0x25: {  	v33 =	vor.u32 $0x1E, v0;
	[tilespmem:$0x1FB10] =	vst v32;
	v52 =	vld.idx.msk [tilespmem:v1+s2+$0x0], $0xffff  }
0x26: {  	[tilespmem:$0x1FB40] =	vst v33;
	v1 =	vor.u32 $0x6, v0;
	v14 =	vld.idx.msk [tilespmem:v3+s2+$0x0], $0xffff  }
0x27: {  	v3 =	vor.u32 $0x7, v0;
	v10 =	vld.idx.msk [tilespmem:v5+s2+$0x0], $0xffff;
	[tilespmem:$0x1F810] =	vst v1  }
0x28: {  	v55 =	vld.idx.msk [tilespmem:v2+s2+$0x0], $0xffff;
	v2 =	vor.u32 $0xB, v0;
	[tilespmem:$0x1F820] =	vst v3  }
0x29: {  	v63 =	vld.idx.msk [tilespmem:v4+s2+$0x0], $0xffff;
	[tilespmem:$0x1F860] =	vst v2  }
0x2a: {  	v57 =	vld.idx.msk [tilespmem:v13+s2+$0x0], $0xffff;
	[tilespmem:$0x1F240] =	vst v53  }
0x2b: {  	v58 =	vld.idx.msk [tilespmem:v6+s2+$0x0], $0xffff;
	[tilespmem:$0x1F250] =	vst v52  }
0x2c: {  	v59 =	vld.idx.msk [tilespmem:v20+s2+$0x0], $0xffff;
	[tilespmem:$0x1F260] =	vst v14  }
0x2d: {  	v62 =	vld.idx.msk [tilespmem:v21+s2+$0x0], $0xffff;
	[tilespmem:$0x1F270] =	vst v10  }
0x2e: {  	v15 =	vld.idx.msk [tilespmem:v22+s2+$0x0], $0xffff;
	[tilespmem:$0x1F280] =	vst v63  }
0x2f: {  	v16 =	vld.idx.msk [tilespmem:v23+s2+$0x0], $0xffff;
	[tilespmem:$0x1F2A0] =	vst v55  }
0x30: {  	v9 =	vld.idx.msk [tilespmem:v26+s2+$0x0], $0xffff;
	[tilespmem:$0x1F2D0] =	vst v57  }
0x31: {  	v20 =	vld.idx.msk [tilespmem:v24+s2+$0x0], $0xffff;
	[tilespmem:$0x1F2E0] =	vst v58  }
0x32: {  	v12 =	vld.idx.msk [tilespmem:v27+s2+$0x0], $0xffff;
	[tilespmem:$0x1F2F0] =	vst v59  }
0x33: {  	v21 =	vld.idx.msk [tilespmem:v25+s2+$0x0], $0xffff;
	[tilespmem:$0x1F320] =	vst v62  }
0x34: {  	v54 =	vld.idx.msk [tilespmem:v1+s2+$0x0], $0xffff;
	[tilespmem:$0x1F330] =	vst v15  }
0x35: {  	v1 =	vmax.f32 v53, v52;
	v56 =	vld.idx.msk [tilespmem:v3+s2+$0x0], $0xffff;
	v3 =	vor.u32 $0xC, v0;
	[tilespmem:$0x1F3D0] =	vst v9  }
0x36: {  	v60 =	vld.idx.msk [tilespmem:v2+s2+$0x0], $0xffff;
	v2 =	vor.u32 $0x10, v0;
	[tilespmem:$0x1F340] =	vst v16;
	v1 =	vmax.f32 v1, v14  }
0x37: {  	[tilespmem:$0x1F410] =	vst v12;
	v1 =	vmax.f32 v1, v10  }
0x38: {  	[tilespmem:$0x1F390] =	vst v20;
	v1 =	vmax.f32 v1, v63  }
0x39: {  	[tilespmem:$0x1F3B0] =	vst v21;
	v1 =	vmax.f32 v1, v55  }
0x3a: {  	[tilespmem:$0x1F880] =	vst v3;
	v1 =	vmax.f32 v1, v54;
	v61 =	vld.idx.msk [tilespmem:v3+s2+$0x0], $0xffff;
	v3 =	vor.u32 $0x11, v0  }
0x3b: {  	[tilespmem:$0x1F920] =	vst v2;
	v18 =	vld.idx.msk [tilespmem:v2+s2+$0x0], $0xffff;
	v2 =	vor.u32 $0x15, v0;
	v1 =	vmax.f32 v1, v56  }
0x3c: {  	[tilespmem:$0x1F2B0] =	vst v54;
	v1 =	vmax.f32 v1, v57  }
0x3d: {  	[tilespmem:$0x1F2C0] =	vst v56;
	v1 =	vmax.f32 v1, v58  }
0x3e: {  	[tilespmem:$0x1F300] =	vst v60;
	v1 =	vmax.f32 v1, v59  }
0x3f: {  	[tilespmem:$0x1F940] =	vst v3;
	v1 =	vmax.f32 v1, v60;
	v19 =	vld.idx.msk [tilespmem:v3+s2+$0x0], $0xffff;
	v3 =	vor.u32 $0x16, v0  }
0x40: {  	[tilespmem:$0x1F9E0] =	vst v2;
	v30 =	vld.idx.msk [tilespmem:v2+s2+$0x0], $0xffff;
	v1 =	vmax.f32 v1, v61  }
0x41: {  	[tilespmem:$0x1F310] =	vst v61;
	v1 =	vmax.f32 v1, v62  }
0x42: {  	v2 =	vor.u32 $0x1A, v0;
	[tilespmem:$0x1F350] =	vst v18;
	v1 =	vmax.f32 v1, v15  }
0x43: {  	[tilespmem:$0x1FA00] =	vst v3;
	v1 =	vmax.f32 v1, v16  }
0x44: {  	[tilespmem:$0x1FAA0] =	vst v2;
	v1 =	vmax.f32 v1, v18;
	v11 =	vld.idx.msk [tilespmem:v3+s2+$0x0], $0xffff  }
0x45: {  	[tilespmem:$0x1F3E0] =	vst v30;
	v3 =	vor.u32 $0x1B, v0;
	v1 =	vmax.f32 v1, v19  }
0x46: {  	v46 =	vld.idx.msk [tilespmem:v28+s2+$0x0], $0xffff;
	[tilespmem:$0x1F370] =	vst v19;
	v1 =	vmax.f32 v1, v20  }
0x47: {  	v48 =	vld.idx.msk [tilespmem:v2+s2+$0x0], $0xffff;
	v2 =	vor.u32 $0x1F, v0;
	[tilespmem:$0x1FAC0] =	vst v3;
	v1 =	vmax.f32 v1, v21  }
0x48: {  	v47 =	vld.idx.msk [tilespmem:v29+s2+$0x0], $0xffff;
	[tilespmem:$0x1FB60] =	vst v2;
	v1 =	vmax.f32 v1, v9  }
0x49: {  	[tilespmem:$0x1F3F0] =	vst v11;
	v1 =	vmax.f32 v1, v30  }
0x4a: {  	v49 =	vld.idx.msk [tilespmem:v3+s2+$0x0], $0xffff;
	v3 =	vor.u32 $0x20, v0;
	v1 =	vmax.f32 v1, v11  }
0x4b: {  	v34 =	vor.u32 $0x21, v0;
	v50 =	vld.idx.msk [tilespmem:v31+s2+$0x0], $0xffff;
	v1 =	vmax.f32 v1, v12  }
0x4c: {  	v35 =	vor.u32 $0x22, v0;
	v51 =	vld.idx.msk [tilespmem:v32+s2+$0x0], $0xffff;
	v1 =	vmax.f32 v1, v46  }
0x4d: {  	v36 =	vor.u32 $0x23, v0;
	v22 =	vld.idx.msk [tilespmem:v33+s2+$0x0], $0xffff;
	v1 =	vmax.f32 v1, v47  }
0x4e: {  	v23 =	vld.idx.msk [tilespmem:v2+s2+$0x0], $0xffff;
	v2 =	vor.u32 $0x24, v0;
	v1 =	vmax.f32 v1, v48  }
0x4f: {  	[tilespmem:$0x1FB90] =	vst v3;
	v1 =	vmax.f32 v1, v49;
	v24 =	vld.idx.msk [tilespmem:v3+s2+$0x0], $0xffff;
	v3 =	vor.u32 $0x25, v0  }
0x50: {  	v37 =	vor.u32 $0x26, v0;
	[tilespmem:$0x1FBB0] =	vst v34;
	v25 =	vld.idx.msk [tilespmem:v34+s2+$0x0], $0xffff;
	v1 =	vmax.f32 v1, v50  }
0x51: {  	v38 =	vor.u32 $0x27, v0;
	[tilespmem:$0x1FBE0] =	vst v35;
	v26 =	vld.idx.msk [tilespmem:v35+s2+$0x0], $0xffff;
	v1 =	vmax.f32 v1, v51  }
0x52: {  	v39 =	vor.u32 $0x28, v0;
	[tilespmem:$0x1FC00] =	vst v36;
	v27 =	vld.idx.msk [tilespmem:v36+s2+$0x0], $0xffff;
	v1 =	vmax.f32 v1, v22  }
0x53: {  	[tilespmem:$0x1FC30] =	vst v2;
	v28 =	vld.idx.msk [tilespmem:v2+s2+$0x0], $0xffff;
	v2 =	vor.u32 $0x29, v0;
	v1 =	vmax.f32 v1, v23  }
0x54: {  	[tilespmem:$0x1FC60] =	vst v3;
	v1 =	vmax.f32 v1, v24;
	v29 =	vld.idx.msk [tilespmem:v3+s2+$0x0], $0xffff;
	v3 =	vor.u32 $0x2A, v0  }
0x55: {  	v40 =	vor.u32 $0x2B, v0;
	[tilespmem:$0x1FC90] =	vst v37;
	v30 =	vld.idx.msk [tilespmem:v37+s2+$0x0], $0xffff;
	v1 =	vmax.f32 v1, v25  }
0x56: {  	v41 =	vor.u32 $0x2C, v0;
	[tilespmem:$0x1FCC0] =	vst v38;
	v31 =	vld.idx.msk [tilespmem:v38+s2+$0x0], $0xffff;
	v1 =	vmax.f32 v1, v26  }
0x57: {  	v42 =	vor.u32 $0x2D, v0;
	[tilespmem:$0x1FCE0] =	vst v39;
	v32 =	vld.idx.msk [tilespmem:v39+s2+$0x0], $0xffff;
	v1 =	vmax.f32 v1, v27  }
0x58: {  	[tilespmem:$0x1FD10] =	vst v2;
	v33 =	vld.idx.msk [tilespmem:v2+s2+$0x0], $0xffff;
	v2 =	vor.u32 $0x2E, v0;
	v1 =	vmax.f32 v1, v28  }
0x59: {  	[tilespmem:$0x1FD30] =	vst v3;
	v1 =	vmax.f32 v1, v29;
	v34 =	vld.idx.msk [tilespmem:v3+s2+$0x0], $0xffff;
	v3 =	vor.u32 $0x2F, v0  }
0x5a: {  	v43 =	vor.u32 $0x30, v0;
	[tilespmem:$0x1FD50] =	vst v40;
	v35 =	vld.idx.msk [tilespmem:v40+s2+$0x0], $0xffff;
	v1 =	vmax.f32 v1, v30  }
0x5b: {  	v44 =	vor.u32 $0x31, v0;
	[tilespmem:$0x1FD70] =	vst v41;
	v36 =	vld.idx.msk [tilespmem:v41+s2+$0x0], $0xffff;
	v1 =	vmax.f32 v1, v31  }
0x5c: {  	v45 =	vor.u32 $0x32, v0;
	[tilespmem:$0x1FD90] =	vst v42;
	v37 =	vld.idx.msk [tilespmem:v42+s2+$0x0], $0xffff;
	v1 =	vmax.f32 v1, v32  }
0x5d: {  	[tilespmem:$0x1FDB0] =	vst v2;
	v38 =	vld.idx.msk [tilespmem:v2+s2+$0x0], $0xffff;
	v2 =	vor.u32 $0x33, v0;
	v1 =	vmax.f32 v1, v33  }
0x5e: {  	[tilespmem:$0x1FDD0] =	vst v3;
	v1 =	vmax.f32 v1, v34;
	v39 =	vld.idx.msk [tilespmem:v3+s2+$0x0], $0xffff;
	v3 =	vor.u32 $0x34, v0  }
0x5f: {  	v9 =	vor.u32 $0x35, v0;
	[tilespmem:$0x1FE00] =	vst v43;
	v40 =	vld.idx.msk [tilespmem:v43+s2+$0x0], $0xffff;
	v1 =	vmax.f32 v1, v35  }
0x60: {  	v13 =	vmov v10;
	v10 =	vor.u32 $0x36, v0;
	[tilespmem:$0x1FE30] =	vst v44;
	v41 =	vld.idx.msk [tilespmem:v44+s2+$0x0], $0xffff;
	v1 =	vmax.f32 v1, v36  }
0x61: {  	[tilespmem:$0x1FE50] =	vst v45;
	v42 =	vld.idx.msk [tilespmem:v45+s2+$0x0], $0xffff;
	v11 =	vor.u32 $0x37, v0;
	v1 =	vmax.f32 v1, v37  }
0x62: {  	[tilespmem:$0x1FE70] =	vst v2;
	v12 =	vld.idx.msk [tilespmem:v2+s2+$0x0], $0xffff;
	v2 =	vor.u32 $0x38, v0;
	v1 =	vmax.f32 v1, v38  }
0x63: {  	[tilespmem:$0x1FE90] =	vst v3;
	v1 =	vmax.f32 v1, v39;
	v44 =	vld.idx.msk [tilespmem:v3+s2+$0x0], $0xffff;
	v3 =	vor.u32 $0x39, v0  }
0x64: {  	v5 =	vor.u32 $0x3A, v0;
	[tilespmem:$0x1FEB0] =	vst v9;
	v45 =	vld.idx.msk [tilespmem:v9+s2+$0x0], $0xffff;
	v1 =	vmax.f32 v1, v40  }
0x65: {  	v6 =	vor.u32 $0x3B, v0;
	[tilespmem:$0x1FED0] =	vst v10;
	v43 =	vld.idx.msk [tilespmem:v10+s2+$0x0], $0xffff;
	v1 =	vmax.f32 v1, v41  }
0x66: {  	v4 =	vor.u32 $0x3C, v0;
	[tilespmem:$0x1FF50] =	vst v5;
	v8 =	vld.idx.msk [tilespmem:v11+s2+$0x0], $0xffff;
	v1 =	vmax.f32 v1, v42  }
0x67: {  	[tilespmem:$0x1FF10] =	vst v2;
	v9 =	vld.idx.msk [tilespmem:v2+s2+$0x0], $0xffff;
	v2 =	vor.u32 $0x3D, v0;
	v1 =	vmax.f32 v1, v12  }
0x68: {  	[tilespmem:$0x1FF30] =	vst v3;
	v1 =	vmax.f32 v1, v44;
	v10 =	vld.idx.msk [tilespmem:v3+s2+$0x0], $0xffff;
	v3 =	vor.u32 $0x3E, v0  }
0x69: {  	[tilespmem:$0x1FEF0] =	vst v11;
	v11 =	vld.idx.msk [tilespmem:v5+s2+$0x0], $0xffff;
	v5 =	vor.u32 $0x3F, v0;
	v1 =	vmax.f32 v1, v45  }
0x6a: {  	v7 =	vld.idx.msk [tilespmem:v6+s2+$0x0], $0xffff;
	v1 =	vmax.f32 v1, v43  }
0x6b: {  	[tilespmem:$0x1FF70] =	vst v6;
	v6 =	vld.idx.msk [tilespmem:v4+s2+$0x0], $0xffff;
	v1 =	vmax.f32 v1, v8  }
0x6c: {  	[tilespmem:$0x1FF90] =	vst v4;
	v4 =	vld.idx.msk [tilespmem:v2+s2+$0x0], $0xffff;
	v1 =	vmax.f32 v1, v9  }
0x6d: {  	[tilespmem:$0x1FFD0] =	vst v3;
	v1 =	vmax.f32 v1, v10;
	v3 =	vld.idx.msk [tilespmem:v3+s2+$0x0], $0xffff  }
0x6e: {  	[tilespmem:$0x1FFB0] =	vst v2;
	v2 =	vld.idx.msk [tilespmem:v5+s2+$0x0], $0xffff;
	v1 =	vmax.f32 v1, v11  }
0x6f: {  	v1 =	vmax.f32 v1, v7  }
0x70: {  	v1 =	vmax.f32 v1, v6  }
0x71: {  	v1 =	vmax.f32 v1, v4  }
0x72: {  	v1 =	vmax.f32 v1, v3  }
0x73: {  	[tilespmem:$0x1FFE0] =	vst v5;
	v1 =	vmax.f32 v1, v2  }
0x74: {  	[tilespmem:$0x1F6D0] =	vst v2;
	vm0 =	veq.f32 v53, v1;
	vm1 =	veq.f32 v52, v1  }
0x75: {  	v5 =	vmovc v3;
	[tilespmem:$0x1F6B0] =	vst v3;
	vm2 =	veq.f32 v14, v1;
	v3 =	vsel vm0, $0x0, v17;
	v2 =	vsel vm1, $0x3F800000, v17  }
0x76: {  	vm15 =	veq.f32 v13, v1;
	v53 =	vsel vm2, $0x40000000, v17;
	[tilespmem:$0x1F220] =	vst v2;
	v2 =	vmin.f32 v3, v2  }
0x77: {  	vm4 =	veq.f32 v63, v1;
	[tilespmem:$0x1F230] =	vst v53;
	v2 =	vmin.f32 v2, v53;
	v53 =	vsel vm15, $0x40400000, v17  }
0x78: {  	vm5 =	veq.f32 v55, v1;
	v55 =	vsel vm4, $0x40800000, v17;
	v2 =	vmin.f32 v2, v53  }
0x79: {  	vm6 =	veq.f32 v54, v1;
	v63 =	vsel vm5, $0x40A00000, v17;
	v2 =	vmin.f32 v2, v55  }
0x7a: {  	vm7 =	veq.f32 v56, v1;
	[tilespmem:$0x1F210] =	vst v3;
	v3 =	vsel vm6, $0x40C00000, v17;
	v2 =	vmin.f32 v2, v63  }
0x7b: {  	vm8 =	veq.f32 v57, v1;
	[tilespmem:$0x1F290] =	vst v3;
	v3 =	vmin.f32 v2, v3;
	v2 =	vsel vm7, $0x40E00000, v17  }
0x7c: {  	vm9 =	veq.f32 v58, v1;
	v57 =	vsel vm8, $0x41000000, v17;
	v3 =	vmin.f32 v3, v2  }
0x7d: {  	vm10 =	veq.f32 v59, v1;
	v58 =	vsel vm9, $0x41100000, v17;
	v3 =	vmin.f32 v3, v57  }
0x7e: {  	vm11 =	veq.f32 v60, v1;
	v54 =	vsel vm10, $0x41200000, v17;
	v3 =	vmin.f32 v3, v58  }
0x7f: {  	vm12 =	veq.f32 v61, v1;
	v56 =	vsel vm11, $0x41300000, v17;
	v3 =	vmin.f32 v3, v54  }
0x80: {  	vm13 =	veq.f32 v62, v1;
	v13 =	vsel vm12, $0x41400000, v17;
	v3 =	vmin.f32 v3, v56  }
0x81: {  	vm14 =	veq.f32 v15, v1;
	v60 =	vsel vm13, $0x41500000, v17;
	v3 =	vmin.f32 v3, v13  }
0x82: {  	v14 =	vsel vm14, $0x41600000, v17;
	vm15 =	veq.f32 v16, v1;
	v3 =	vmin.f32 v3, v60  }
0x83: {  	vm4 =	veq.f32 v18, v1;
	v52 =	vsel vm15, $0x41700000, v17;
	v3 =	vmin.f32 v3, v14  }
0x84: {  	vm5 =	veq.f32 v19, v1;
	v61 =	vsel vm4, $0x41800000, v17;
	v3 =	vmin.f32 v3, v52  }
0x85: {  	vm6 =	veq.f32 v20, v1;
	v15 =	vsel vm5, $0x41880000, v17;
	v3 =	vmin.f32 v3, v61  }
0x86: {  	[tilespmem:$0x1F360] =	vst v15;
	v3 =	vmin.f32 v3, v15;
	v15 =	vsel vm6, $0x41900000, v17  }
0x87: {  	[tilespmem:$0x1F380] =	vst v15;
	v3 =	vmin.f32 v3, v15;
	v15 =	vld [tilespmem:$0x1F3D0];
	_ =	sdelay $0x3  }
0x88: {  	vm7 =	veq.f32 v21, v1  }
0x89: {  	vm8 =	veq.f32 v15, v1;
	v15 =	vsel vm7, $0x41980000, v17  }
0x8a: {  	[tilespmem:$0x1F3A0] =	vst v15;
	v3 =	vmin.f32 v3, v15;
	v15 =	vld [tilespmem:$0x1F3E0];
	_ =	sdelay $0x4  }
0x8b: {  	vm9 =	veq.f32 v15, v1;
	v15 =	vsel vm8, $0x41A00000, v17  }
0x8c: {  	[tilespmem:$0x1F3C0] =	vst v15;
	v3 =	vmin.f32 v3, v15;
	v15 =	vld [tilespmem:$0x1F3F0];
	_ =	sdelay $0x4  }
0x8d: {  	vm10 =	veq.f32 v15, v1;
	v15 =	vld [tilespmem:$0x1F410];
	_ =	sdelay $0x3  }
0x8e: {  	v59 =	vsel vm9, $0x41A80000, v17  }
0x8f: {  	v3 =	vmin.f32 v3, v59;
	v62 =	vsel vm10, $0x41B00000, v17;
	vm11 =	veq.f32 v15, v1  }
0x90: {  	vm12 =	veq.f32 v46, v1;
	v3 =	vmin.f32 v3, v62;
	v15 =	vsel vm11, $0x41B80000, v17  }
0x91: {  	vm13 =	veq.f32 v47, v1;
	[tilespmem:$0x1F400] =	vst v15;
	v3 =	vmin.f32 v3, v15;
	v15 =	vsel vm12, $0x41C00000, v17  }
0x92: {  	vm14 =	veq.f32 v48, v1;
	[tilespmem:$0x1F420] =	vst v15;
	v3 =	vmin.f32 v3, v15;
	v15 =	vsel vm13, $0x41C80000, v17  }
0x93: {  	vm15 =	veq.f32 v49, v1;
	[tilespmem:$0x1F440] =	vst v15;
	v3 =	vmin.f32 v3, v15;
	v15 =	vsel vm14, $0x41D00000, v17  }
0x94: {  	vm4 =	veq.f32 v50, v1;
	[tilespmem:$0x1F460] =	vst v15;
	v3 =	vmin.f32 v3, v15;
	v15 =	vsel vm15, $0x41D80000, v17  }
0x95: {  	vm5 =	veq.f32 v51, v1;
	v16 =	vsel vm4, $0x41E00000, v17;
	v3 =	vmin.f32 v3, v15  }
0x96: {  	v18 =	vsel vm5, $0x41E80000, v17;
	vm6 =	veq.f32 v22, v1;
	v3 =	vmin.f32 v3, v16  }
0x97: {  	[tilespmem:$0x1F430] =	vst v46;
	v19 =	vsel vm6, $0x41F00000, v17;
	vm7 =	veq.f32 v23, v1;
	v3 =	vmin.f32 v3, v18  }
0x98: {  	[tilespmem:$0x1F450] =	vst v47;
	v20 =	vsel vm7, $0x41F80000, v17;
	vm8 =	veq.f32 v24, v1;
	v3 =	vmin.f32 v3, v19  }
0x99: {  	[tilespmem:$0x1F470] =	vst v48;
	vm9 =	veq.f32 v25, v1;
	v21 =	vsel vm8, $0x42000000, v17;
	v3 =	vmin.f32 v3, v20  }
0x9a: {  	[tilespmem:$0x1F4B0] =	vst v22;
	v22 =	vsel vm9, $0x42040000, v17;
	vm10 =	veq.f32 v26, v1;
	v3 =	vmin.f32 v3, v21  }
0x9b: {  	[tilespmem:$0x1F4C0] =	vst v23;
	v23 =	vsel vm10, $0x42080000, v17;
	vm11 =	veq.f32 v27, v1;
	v3 =	vmin.f32 v3, v22  }
0x9c: {  	[tilespmem:$0x1F4D0] =	vst v24;
	vm12 =	veq.f32 v28, v1;
	v24 =	vsel vm11, $0x420C0000, v17;
	v3 =	vmin.f32 v3, v23  }
0x9d: {  	[tilespmem:$0x1F4E0] =	vst v25;
	vm13 =	veq.f32 v29, v1;
	v25 =	vsel vm12, $0x42100000, v17;
	v3 =	vmin.f32 v3, v24  }
0x9e: {  	[tilespmem:$0x1F4F0] =	vst v26;
	vm14 =	veq.f32 v30, v1;
	v26 =	vsel vm13, $0x42140000, v17;
	v3 =	vmin.f32 v3, v25  }
0x9f: {  	[tilespmem:$0x1F500] =	vst v27;
	vm15 =	veq.f32 v31, v1;
	v27 =	vsel vm14, $0x42180000, v17;
	v3 =	vmin.f32 v3, v26  }
0xa0: {  	[tilespmem:$0x1F510] =	vst v28;
	vm4 =	veq.f32 v32, v1;
	v28 =	vsel vm15, $0x421C0000, v17;
	v3 =	vmin.f32 v3, v27  }
0xa1: {  	[tilespmem:$0x1F520] =	vst v29;
	vm5 =	veq.f32 v33, v1;
	v29 =	vsel vm4, $0x42200000, v17;
	v3 =	vmin.f32 v3, v28  }
0xa2: {  	[tilespmem:$0x1F530] =	vst v30;
	vm6 =	veq.f32 v34, v1;
	v30 =	vsel vm5, $0x42240000, v17;
	v3 =	vmin.f32 v3, v29  }
0xa3: {  	[tilespmem:$0x1F540] =	vst v31;
	vm7 =	veq.f32 v35, v1;
	v31 =	vsel vm6, $0x42280000, v17;
	v3 =	vmin.f32 v3, v30  }
0xa4: {  	[tilespmem:$0x1F550] =	vst v32;
	v32 =	vsel vm7, $0x422C0000, v17;
	vm8 =	veq.f32 v36, v1;
	v3 =	vmin.f32 v3, v31  }
0xa5: {  	[tilespmem:$0x1F560] =	vst v33;
	vm9 =	veq.f32 v37, v1;
	v33 =	vsel vm8, $0x42300000, v17;
	v3 =	vmin.f32 v3, v32  }
0xa6: {  	[tilespmem:$0x1F570] =	vst v34;
	v34 =	vsel vm9, $0x42340000, v17;
	vm10 =	veq.f32 v38, v1;
	v3 =	vmin.f32 v3, v33  }
0xa7: {  	[tilespmem:$0x1F580] =	vst v35;
	v35 =	vsel vm10, $0x42380000, v17;
	vm11 =	veq.f32 v39, v1;
	v3 =	vmin.f32 v3, v34  }
0xa8: {  	[tilespmem:$0x1F590] =	vst v36;
	vm12 =	veq.f32 v40, v1;
	v36 =	vsel vm11, $0x423C0000, v17;
	v3 =	vmin.f32 v3, v35  }
0xa9: {  	[tilespmem:$0x1F5A0] =	vst v37;
	vm13 =	veq.f32 v41, v1;
	v37 =	vsel vm12, $0x42400000, v17;
	v3 =	vmin.f32 v3, v36  }
0xaa: {  	[tilespmem:$0x1F5B0] =	vst v38;
	vm14 =	veq.f32 v42, v1;
	v38 =	vsel vm13, $0x42440000, v17;
	v3 =	vmin.f32 v3, v37  }
0xab: {  	[tilespmem:$0x1F5C0] =	vst v39;
	vm15 =	veq.f32 v12, v1;
	v39 =	vsel vm14, $0x42480000, v17;
	v3 =	vmin.f32 v3, v38  }
0xac: {  	[tilespmem:$0x1F5D0] =	vst v40;
	vm4 =	veq.f32 v44, v1;
	v40 =	vsel vm15, $0x424C0000, v17;
	v3 =	vmin.f32 v3, v39  }
0xad: {  	[tilespmem:$0x1F5E0] =	vst v41;
	vm5 =	veq.f32 v45, v1;
	v41 =	vsel vm4, $0x42500000, v17;
	v3 =	vmin.f32 v3, v40  }
0xae: {  	[tilespmem:$0x1F5F0] =	vst v42;
	vm6 =	veq.f32 v43, v1;
	v42 =	vsel vm5, $0x42540000, v17;
	v3 =	vmin.f32 v3, v41  }
0xaf: {  	[tilespmem:$0x1F630] =	vst v43;
	vm7 =	veq.f32 v8, v1;
	v43 =	vsel vm6, $0x42580000, v17;
	v3 =	vmin.f32 v3, v42  }
0xb0: {  	[tilespmem:$0x1F610] =	vst v44;
	vm8 =	veq.f32 v9, v1;
	v44 =	vsel vm7, $0x425C0000, v17;
	v3 =	vmin.f32 v3, v43  }
0xb1: {  	[tilespmem:$0x1F620] =	vst v45;
	vm9 =	veq.f32 v10, v1;
	v45 =	vsel vm8, $0x42600000, v17;
	v3 =	vmin.f32 v3, v44  }
0xb2: {  	[tilespmem:$0x1F4A0] =	vst v51;
	v51 =	vld [tilespmem:$0x1F6D0];
	v46 =	vsel vm9, $0x42640000, v17;
	vm10 =	veq.f32 v11, v1;
	v3 =	vmin.f32 v3, v45  }
0xb3: {  	[tilespmem:$0x1F480] =	vst v49;
	v47 =	vsel vm10, $0x42680000, v17;
	vm11 =	veq.f32 v7, v1;
	v3 =	vmin.f32 v3, v46  }
0xb4: {  	[tilespmem:$0x1F490] =	vst v50;
	vm12 =	veq.f32 v6, v1;
	v48 =	vsel vm11, $0x426C0000, v17;
	v3 =	vmin.f32 v3, v47  }
0xb5: {  	[tilespmem:$0x1F650] =	vst v9;
	v9 =	vld [tilespmem:$0x1F220];
	vm13 =	veq.f32 v4, v1;
	v49 =	vsel vm12, $0x42700000, v17;
	v3 =	vmin.f32 v3, v48  }
0xb6: {  	[tilespmem:$0x1F640] =	vst v8;
	vm14 =	veq.f32 v5, v1;
	v50 =	vsel vm13, $0x42740000, v17;
	v3 =	vmin.f32 v3, v49  }
0xb7: {  	[tilespmem:$0x1F660] =	vst v10;
	v8 =	vld [tilespmem:$0x1F210];
	vm15 =	veq.f32 v51, v1;
	v51 =	vsel vm14, $0x42780000, v17;
	v3 =	vmin.f32 v3, v50  }
0xb8: {  	[tilespmem:$0x1F6A0] =	vst v4;
	v10 =	vld [tilespmem:$0x1F230];
	v4 =	vsel vm15, $0x427C0000, v17;
	v3 =	vmin.f32 v3, v51  }
0xb9: {  	[tilespmem:$0x1F670] =	vst v11;
	v11 =	vld [tilespmem:$0x1F240];
	v3 =	vmin.f32 v3, v4  }
0xba: {  	vm4 =	veq.f32 v9, v3;
	v9 =	vld [tilespmem:$0x1F250];
	_ =	sdelay $0x3  }
0xbb: {  	vm3 =	veq.f32 v8, v3  }
0xbc: {  	[tilespmem:$0x1F600] =	vst v12;
	vm5 =	veq.f32 v10, v3;
	v12 =	vsel vm3, $0xFF800000, v11;
	v11 =	vld [tilespmem:$0x1F260];
	v10 =	vsel vm4, $0xFF800000, v9  }
0xbd: {  	[tilespmem:$0x1F6E0] =	vst v12;
	v8 =	vmax.f32 v12, v10;
	v12 =	vld [tilespmem:$0x1F270];
	_ =	sdelay $0x3  }
0xbe: {  	vm6 =	veq.f32 v53, v3;
	vm8 =	veq.f32 v63, v3;
	v63 =	vld [tilespmem:$0x1F2A0];
	v53 =	vsel vm5, $0xFF800000, v11  }
0xbf: {  	vm7 =	veq.f32 v55, v3;
	v8 =	vmax.f32 v8, v53;
	v55 =	vsel vm6, $0xFF800000, v12;
	v12 =	vld [tilespmem:$0x1F280]  }
0xc0: {  	[tilespmem:$0x1F700] =	vst v55;
	v8 =	vmax.f32 v8, v55;
	v55 =	vld [tilespmem:$0x1F290]  }
0xc1: {  	vm10 =	veq.f32 v2, v3;
	v2 =	vld [tilespmem:$0x1F2B0]  }
0xc2: {  	v9 =	vld [tilespmem:$0x1F2C0]  }
0xc3: {  	v11 =	vld [tilespmem:$0x1F2D0]  }
0xc4: {  	vm13 =	veq.f32 v54, v3;
	v54 =	vld [tilespmem:$0x1F2E0];
	v12 =	vsel vm7, $0xFF800000, v12  }
0xc5: {  	[tilespmem:$0x1F6C0] =	vst v4;
	v4 =	vsel vm8, $0xFF800000, v63;
	vm9 =	veq.f32 v55, v3;
	v8 =	vmax.f32 v8, v12  }
0xc6: {  	v5 =	vsel vm9, $0xFF800000, v2;
	v2 =	vmax.f32 v8, v4  }
0xc7: {  	vm11 =	veq.f32 v57, v3;
	v57 =	vld [tilespmem:$0x1F2F0];
	[tilespmem:$0x1F6F0] =	vst v10;
	v10 =	vsel vm10, $0xFF800000, v9;
	v2 =	vmax.f32 v2, v5  }
0xc8: {  	[tilespmem:$0x1F690] =	vst v6;
	vm12 =	veq.f32 v58, v3;
	v58 =	vld [tilespmem:$0x1F300];
	v6 =	vsel vm11, $0xFF800000, v11;
	v2 =	vmax.f32 v2, v10  }
0xc9: {  	v55 =	vsel vm12, $0xFF800000, v54;
	v2 =	vmax.f32 v2, v6  }
0xca: {  	[tilespmem:$0x1F730] =	vst v55;
	v2 =	vmax.f32 v2, v55;
	v55 =	vld [tilespmem:$0x1F320]  }
0xcb: {  	vm14 =	veq.f32 v56, v3;
	vm15 =	veq.f32 v13, v3;
	vm0 =	veq.f32 v60, v3;
	v13 =	vld [tilespmem:$0x1F310]  }
0xcc: {  	[tilespmem:$0x1F680] =	vst v7;
	vm1 =	veq.f32 v14, v3;
	v7 =	vsel vm13, $0xFF800000, v57;
	v57 =	vld [tilespmem:$0x1F330];
	v11 =	vimm.s32 $0x0  }
0xcd: {  	v63 =	vsel vm14, $0xFF800000, v58;
	v58 =	vld [tilespmem:$0x1F340];
	[tilespmem:$0x1F710] =	vst v4;
	v54 =	vimm.s32 $0x0;
	v4 =	vsel vm0, $0xFFFFFFFF, v11  }
0xce: {  	v56 =	vimm.s32 $0x0;
	v14 =	vld [tilespmem:$0x1F350];
	[tilespmem:$0x1F870] =	vst v4;
	v4 =	vsel vm1, $0xFFFFFFFF, v54;
	v2 =	vmax.f32 v2, v7  }
0xcf: {  	[tilespmem:$0x1F740] =	vst v63;
	v2 =	vmax.f32 v2, v63;
	v63 =	vsel vm0, $0xFF800000, v55;
	vm0 =	veq.f32 v52, v3;
	v52 =	vld [tilespmem:$0x1F360]  }
0xd0: {  	[tilespmem:$0x1F890] =	vst v4;
	v4 =	vsel vm0, $0xFFFFFFFF, v56;
	v56 =	vld [tilespmem:$0x1F370]  }
0xd1: {  	v8 =	vsel vm15, $0xFF800000, v13;
	v11 =	vld [tilespmem:$0x1F3A0]  }
0xd2: {  	v9 =	vsel vm1, $0xFF800000, v57;
	v2 =	vmax.f32 v2, v8;
	v60 =	vsel vm0, $0xFF800000, v58;
	v58 =	vld [tilespmem:$0x1F380]  }
0xd3: {  	v13 =	vimm.s32 $0x0;
	v2 =	vmax.f32 v2, v63;
	vm0 =	veq.f32 v61, v3;
	v61 =	vld [tilespmem:$0x1F390]  }
0xd4: {  	[tilespmem:$0x1F8C0] =	vst v4;
	v4 =	vsel vm0, $0xFFFFFFFF, v13;
	v54 =	vsel vm0, $0xFF800000, v14;
	v14 =	vld [tilespmem:$0x1F3B0];
	vm0 =	veq.f32 v52, v3  }
0xd5: {  	v55 =	vimm.s32 $0x0;
	[tilespmem:$0x1F750] =	vst v60;
	v2 =	vmax.f32 v2, v9;
	v57 =	vsel vm0, $0xFF800000, v56;
	v56 =	vld [tilespmem:$0x1F3C0]  }
0xd6: {  	v13 =	vimm.s32 $0x0;
	[tilespmem:$0x1F8E0] =	vst v4;
	v2 =	vmax.f32 v2, v60;
	v4 =	vsel vm0, $0xFFFFFFFF, v55  }
0xd7: {  	v60 =	vimm.s32 $0x0;
	v2 =	vmax.f32 v2, v54;
	vm0 =	veq.f32 v58, v3;
	v58 =	vld [tilespmem:$0x1F3D0];
	[tilespmem:$0x1F910] =	vst v4  }
0xd8: {  	[tilespmem:$0x1F760] =	vst v57;
	v4 =	vsel vm0, $0xFFFFFFFF, v60;
	v55 =	vsel vm0, $0xFF800000, v61;
	vm0 =	veq.f32 v11, v3  }
0xd9: {  	v2 =	vmax.f32 v2, v57;
	v57 =	vimm.s32 $0x0;
	v60 =	vld [tilespmem:$0x1F3E0];
	[tilespmem:$0x1F930] =	vst v4;
	v4 =	vsel vm0, $0xFFFFFFFF, v13  }
0xda: {  	[tilespmem:$0x1F720] =	vst v10;
	v10 =	vld [tilespmem:$0x1F430];
	v52 =	vsel vm0, $0xFF800000, v14;
	v2 =	vmax.f32 v2, v55;
	vm0 =	veq.f32 v56, v3  }
0xdb: {  	v14 =	vld [tilespmem:$0x1F3F0];
	[tilespmem:$0x1F960] =	vst v4;
	v2 =	vmax.f32 v2, v52;
	v4 =	vsel vm0, $0xFFFFFFFF, v57  }
0xdc: {  	[tilespmem:$0x1F770] =	vst v52;
	v52 =	vld [tilespmem:$0x1F400];
	v56 =	vsel vm0, $0xFF800000, v58;
	vm0 =	veq.f32 v59, v3;
	v59 =	vimm.s32 $0x0  }
0xdd: {  	[tilespmem:$0x1F980] =	vst v4;
	v4 =	vsel vm0, $0xFFFFFFFF, v59;
	v59 =	vld [tilespmem:$0x1F410]  }
0xde: {  	v61 =	vsel vm0, $0xFF800000, v60;
	v60 =	vld [tilespmem:$0x1F420]  }
0xdf: {  	v11 =	vld [tilespmem:$0x1F440]  }
0xe0: {  	v13 =	vimm.s32 $0x0;
	v58 =	vimm.s32 $0x0;
	vm0 =	veq.f32 v62, v3  }
0xe1: {  	v2 =	vmax.f32 v2, v56;
	v62 =	vimm.s32 $0x0;
	[tilespmem:$0x1F9B0] =	vst v4;
	v4 =	vsel vm0, $0xFFFFFFFF, v13  }
0xe2: {  	[tilespmem:$0x1F780] =	vst v61;
	v57 =	vsel vm0, $0xFF800000, v14;
	v2 =	vmax.f32 v2, v61;
	vm0 =	veq.f32 v52, v3;
	v14 =	vld [tilespmem:$0x1F450]  }
0xe3: {  	[tilespmem:$0x1F9D0] =	vst v4;
	v4 =	vsel vm0, $0xFFFFFFFF, v58;
	v61 =	vsel vm0, $0xFF800000, v59;
	vm0 =	veq.f32 v60, v3;
	v60 =	vld [tilespmem:$0x1F460]  }
0xe4: {  	[tilespmem:$0x1F9F0] =	vst v4;
	v4 =	vsel vm0, $0xFFFFFFFF, v62;
	v58 =	vsel vm0, $0xFF800000, v10;
	vm0 =	veq.f32 v11, v3;
	v11 =	vld [tilespmem:$0x1F470];
	_ =	sdelay $0x1  }
0xe5: {  	v13 =	vimm.s32 $0x0  }
0xe6: {  	v2 =	vmax.f32 v2, v57;
	v62 =	vimm.s32 $0x0;
	[tilespmem:$0x1FA10] =	vst v4;
	v4 =	vsel vm0, $0xFFFFFFFF, v13  }
0xe7: {  	v52 =	vsel vm0, $0xFF800000, v14;
	v13 =	vimm.s32 $0x0;
	v14 =	vld [tilespmem:$0x1F480];
	vm0 =	veq.f32 v60, v3  }
0xe8: {  	[tilespmem:$0x1FA40] =	vst v4;
	v4 =	vsel vm0, $0xFFFFFFFF, v62;
	v59 =	vsel vm0, $0xFF800000, v11;
	vm0 =	veq.f32 v15, v3;
	v62 =	vld [tilespmem:$0x1F490]  }
0xe9: {  	v2 =	vmax.f32 v2, v61;
	[tilespmem:$0x1FA60] =	vst v4;
	v4 =	vsel vm0, $0xFFFFFFFF, v13;
	v13 =	vld [tilespmem:$0x1F4A0]  }
0xea: {  	v2 =	vmax.f32 v2, v58  }
0xeb: {  	v2 =	vmax.f32 v2, v52;
	v60 =	vimm.s32 $0x0;
	v11 =	vimm.s32 $0x0  }
0xec: {  	[tilespmem:$0x1F790] =	vst v52;
	v52 =	vsel vm0, $0xFF800000, v14;
	v2 =	vmax.f32 v2, v59;
	vm0 =	veq.f32 v16, v3  }
0xed: {  	[tilespmem:$0x1FA90] =	vst v4;
	v4 =	vsel vm0, $0xFFFFFFFF, v60;
	v60 =	vsel vm0, $0xFF800000, v62;
	vm0 =	veq.f32 v18, v3  }
0xee: {  	v2 =	vmax.f32 v2, v52;
	[tilespmem:$0x1FAB0] =	vst v4;
	v4 =	vsel vm0, $0xFFFFFFFF, v11;
	v14 =	vsel vm0, $0xFF800000, v13  }
0xef: {  	[tilespmem:$0x1F7A0] =	vst v52;
	v52 =	vmax.f32 v2, v60;
	vm0 =	veq.f32 v19, v3;
	v2 =	vimm.s32 $0x0  }
0xf0: {  	v2 =	vsel vm0, $0xFFFFFFFF, v2  }
0xf1: {  	[tilespmem:$0x1FB00] =	vst v2;
	v2 =	vld [tilespmem:$0x1F4B0]  }
0xf2: {  	v13 =	vld [tilespmem:$0x1F4C0];
	_ =	sdelay $0x3  }
0xf3: {  	v62 =	vimm.s32 $0x0;
	v2 =	vsel vm0, $0xFF800000, v2;
	vm0 =	veq.f32 v20, v3  }
0xf4: {  	v10 =	vsel vm0, $0xFFFFFFFF, v62;
	v20 =	vsel vm0, $0xFF800000, v13;
	vm0 =	veq.f32 v21, v3;
	v21 =	vld [tilespmem:$0x1F4D0]  }
0xf5: {  	v13 =	vld [tilespmem:$0x1F4E0];
	_ =	sdelay $0x1  }
0xf6: {  	[tilespmem:$0x1FAE0] =	vst v4  }
0xf7: {  	[tilespmem:$0x1F7B0] =	vst v14;
	v4 =	vmax.f32 v52, v14;
	v14 =	vimm.s32 $0x0;
	v52 =	vimm.s32 $0x0  }
0xf8: {  	[tilespmem:$0x1FB30] =	vst v10;
	v10 =	vsel vm0, $0xFFFFFFFF, v14;
	v62 =	vsel vm0, $0xFF800000, v21;
	vm0 =	veq.f32 v22, v3  }
0xf9: {  	[tilespmem:$0x1FB50] =	vst v10;
	v10 =	vsel vm0, $0xFFFFFFFF, v52;
	v21 =	vsel vm0, $0xFF800000, v13;
	vm0 =	veq.f32 v23, v3;
	v23 =	vld [tilespmem:$0x1F4F0]  }
0xfa: {  	v52 =	vld [tilespmem:$0x1F500]  }
0xfb: {  	v4 =	vmax.f32 v4, v2  }
0xfc: {  	v4 =	vmax.f32 v4, v20;
	v22 =	vimm.s32 $0x0  }
0xfd: {  	v14 =	vmax.f32 v4, v62;
	v4 =	vsel vm0, $0xFFFFFFFF, v22  }
0xfe: {  	[tilespmem:$0x1FBA0] =	vst v4;
	v4 =	vsel vm0, $0xFF800000, v23;
	vm0 =	veq.f32 v24, v3;
	v24 =	vimm.s32 $0x0;
	v23 =	vld [tilespmem:$0x1F510]  }
0xff: {  	v11 =	vsel vm0, $0xFFFFFFFF, v24;
	v22 =	vsel vm0, $0xFF800000, v52;
	vm0 =	veq.f32 v25, v3;
	v25 =	vld [tilespmem:$0x1F520];
	_ =	sdelay $0x1  }
0x100: {  	[tilespmem:$0x1FB80] =	vst v10;
	v10 =	vmax.f32 v14, v21;
	v14 =	vimm.s32 $0x0  }
0x101: {  	v13 =	vmax.f32 v10, v4;
	v24 =	vimm.s32 $0x0;
	[tilespmem:$0x1FBD0] =	vst v11;
	v10 =	vsel vm0, $0xFFFFFFFF, v14  }
0x102: {  	v11 =	vmax.f32 v13, v22;
	[tilespmem:$0x1FBF0] =	vst v10;
	v10 =	vsel vm0, $0xFF800000, v23;
	vm0 =	veq.f32 v26, v3  }
0x103: {  	v13 =	vsel vm0, $0xFFFFFFFF, v24;
	v23 =	vsel vm0, $0xFF800000, v25;
	vm0 =	veq.f32 v27, v3;
	v27 =	vld [tilespmem:$0x1F530];
	_ =	sdelay $0x2  }
0x104: {  	v52 =	vld [tilespmem:$0x1F540]  }
0x105: {  	v25 =	vld [tilespmem:$0x1F550]  }
0x106: {  	v26 =	vimm.s32 $0x0;
	v15 =	vsel vm0, $0xFF800000, v27;
	v27 =	vld [tilespmem:$0x1F560]  }
0x107: {  	v24 =	vimm.s32 $0x0;
	[tilespmem:$0x1FC20] =	vst v13;
	v13 =	vsel vm0, $0xFFFFFFFF, v26  }
0x108: {  	v26 =	vimm.s32 $0x0;
	vm0 =	veq.f32 v28, v3;
	v28 =	vimm.s32 $0x0  }
0x109: {  	[tilespmem:$0x1FC50] =	vst v13;
	v13 =	vsel vm0, $0xFFFFFFFF, v28;
	v18 =	vsel vm0, $0xFF800000, v52;
	vm0 =	veq.f32 v29, v3  }
0x10a: {  	v29 =	vld [tilespmem:$0x1F570];
	[tilespmem:$0x1FC80] =	vst v13;
	v13 =	vsel vm0, $0xFFFFFFFF, v24;
	v16 =	vsel vm0, $0xFF800000, v25;
	vm0 =	veq.f32 v30, v3  }
0x10b: {  	[tilespmem:$0x1FCB0] =	vst v13;
	v13 =	vsel vm0, $0xFFFFFFFF, v26;
	v24 =	vsel vm0, $0xFF800000, v27;
	vm0 =	veq.f32 v31, v3;
	v31 =	vld [tilespmem:$0x1F580];
	_ =	sdelay $0x2  }
0x10c: {  	v28 =	vimm.s32 $0x0;
	v30 =	vimm.s32 $0x0  }
0x10d: {  	[tilespmem:$0x1FCD0] =	vst v13;
	v13 =	vsel vm0, $0xFFFFFFFF, v28;
	v25 =	vsel vm0, $0xFF800000, v29;
	vm0 =	veq.f32 v32, v3  }
0x10e: {  	[tilespmem:$0x1FD00] =	vst v13;
	v13 =	vsel vm0, $0xFFFFFFFF, v30;
	v19 =	vsel vm0, $0xFF800000, v31;
	vm0 =	veq.f32 v33, v3;
	v33 =	vld [tilespmem:$0x1F590]  }
0x10f: {  	v11 =	vmax.f32 v11, v10;
	v26 =	vld [tilespmem:$0x1F5A0]  }
0x110: {  	v11 =	vmax.f32 v11, v23;
	v28 =	vld [tilespmem:$0x1F5B0]  }
0x111: {  	v11 =	vmax.f32 v11, v15;
	v52 =	vimm.s32 $0x0;
	v30 =	vld [tilespmem:$0x1F5C0]  }
0x112: {  	v27 =	vimm.s32 $0x0;
	v32 =	vimm.s32 $0x0;
	v29 =	vimm.s32 $0x0  }
0x113: {  	[tilespmem:$0x1FD20] =	vst v13;
	v13 =	vsel vm0, $0xFFFFFFFF, v32;
	v32 =	vsel vm0, $0xFF800000, v33;
	vm0 =	veq.f32 v34, v3  }
0x114: {  	[tilespmem:$0x1FD40] =	vst v13;
	v13 =	vsel vm0, $0xFFFFFFFF, v52;
	v33 =	vsel vm0, $0xFF800000, v26;
	vm0 =	veq.f32 v35, v3  }
0x115: {  	v35 =	vld [tilespmem:$0x1F5D0];
	[tilespmem:$0x1FD60] =	vst v13;
	v13 =	vsel vm0, $0xFFFFFFFF, v27;
	v34 =	vsel vm0, $0xFF800000, v28;
	vm0 =	veq.f32 v36, v3  }
0x116: {  	[tilespmem:$0x1FD80] =	vst v13;
	v13 =	vsel vm0, $0xFFFFFFFF, v29;
	v29 =	vsel vm0, $0xFF800000, v30;
	vm0 =	veq.f32 v37, v3;
	v37 =	vld [tilespmem:$0x1F5E0]  }
0x117: {  	v11 =	vmax.f32 v11, v18  }
0x118: {  	v11 =	vmax.f32 v11, v16  }
0x119: {  	v11 =	vmax.f32 v11, v24;
	v31 =	vimm.s32 $0x0;
	v36 =	vimm.s32 $0x0  }
0x11a: {  	[tilespmem:$0x1FDA0] =	vst v13;
	v13 =	vsel vm0, $0xFFFFFFFF, v31;
	v26 =	vsel vm0, $0xFF800000, v35;
	vm0 =	veq.f32 v38, v3  }
0x11b: {  	[tilespmem:$0x1FDC0] =	vst v13;
	v13 =	vsel vm0, $0xFFFFFFFF, v36;
	v27 =	vsel vm0, $0xFF800000, v37;
	vm0 =	veq.f32 v39, v3;
	v39 =	vld [tilespmem:$0x1F5F0]  }
0x11c: {  	v11 =	vmax.f32 v11, v25  }
0x11d: {  	v11 =	vmax.f32 v11, v19;
	v30 =	vld [tilespmem:$0x1F600]  }
0x11e: {  	v11 =	vmax.f32 v11, v32;
	v35 =	vld [tilespmem:$0x1F610]  }
0x11f: {  	v52 =	vimm.s32 $0x0;
	v11 =	vmax.f32 v11, v33;
	v38 =	vimm.s32 $0x0;
	v37 =	vld [tilespmem:$0x1F620]  }
0x120: {  	[tilespmem:$0x1FDF0] =	vst v13;
	v13 =	vsel vm0, $0xFFFFFFFF, v38;
	v28 =	vsel vm0, $0xFF800000, v39;
	vm0 =	veq.f32 v40, v3;
	v40 =	vld [tilespmem:$0x1F630]  }
0x121: {  	v31 =	vimm.s32 $0x0;
	v36 =	vimm.s32 $0x0;
	v38 =	vimm.s32 $0x0  }
0x122: {  	[tilespmem:$0x1FE20] =	vst v13;
	v13 =	vsel vm0, $0xFFFFFFFF, v52;
	v39 =	vsel vm0, $0xFF800000, v30;
	vm0 =	veq.f32 v41, v3  }
0x123: {  	[tilespmem:$0x1FE40] =	vst v13;
	v13 =	vsel vm0, $0xFFFFFFFF, v31;
	v30 =	vsel vm0, $0xFF800000, v35;
	vm0 =	veq.f32 v42, v3  }
0x124: {  	v42 =	vld [tilespmem:$0x1F640];
	[tilespmem:$0x1FE60] =	vst v13;
	v13 =	vsel vm0, $0xFFFFFFFF, v36;
	v35 =	vsel vm0, $0xFF800000, v37;
	vm0 =	veq.f32 v43, v3  }
0x125: {  	[tilespmem:$0x1FE80] =	vst v13;
	v13 =	vsel vm0, $0xFFFFFFFF, v38;
	v31 =	vsel vm0, $0xFF800000, v40;
	vm0 =	veq.f32 v44, v3;
	v44 =	vld [tilespmem:$0x1F650]  }
0x126: {  	v11 =	vmax.f32 v11, v34  }
0x127: {  	v11 =	vmax.f32 v11, v29  }
0x128: {  	v11 =	vmax.f32 v11, v26;
	v41 =	vimm.s32 $0x0;
	v43 =	vimm.s32 $0x0  }
0x129: {  	[tilespmem:$0x1FEA0] =	vst v13;
	v13 =	vsel vm0, $0xFFFFFFFF, v41;
	v36 =	vsel vm0, $0xFF800000, v42;
	vm0 =	veq.f32 v45, v3  }
0x12a: {  	[tilespmem:$0x1FEC0] =	vst v13;
	v13 =	vsel vm0, $0xFFFFFFFF, v43;
	v38 =	vsel vm0, $0xFF800000, v44;
	vm0 =	veq.f32 v46, v3;
	v46 =	vld [tilespmem:$0x1F660]  }
0x12b: {  	v11 =	vmax.f32 v11, v27;
	v52 =	vld [tilespmem:$0x1F670]  }
0x12c: {  	v11 =	vmax.f32 v11, v28;
	v45 =	vimm.s32 $0x0;
	v42 =	vld [tilespmem:$0x1F680]  }
0x12d: {  	v11 =	vmax.f32 v11, v39;
	[tilespmem:$0x1FEE0] =	vst v13;
	v13 =	vsel vm0, $0xFFFFFFFF, v45;
	v45 =	vld [tilespmem:$0x1F690]  }
0x12e: {  	v11 =	vmax.f32 v11, v30;
	v37 =	vimm.s32 $0x0;
	v43 =	vimm.s32 $0x0  }
0x12f: {  	v40 =	vsel vm0, $0xFF800000, v46;
	vm0 =	veq.f32 v47, v3;
	v47 =	vimm.s32 $0x0  }
0x130: {  	[tilespmem:$0x1FF00] =	vst v13;
	v13 =	vsel vm0, $0xFFFFFFFF, v47;
	v41 =	vsel vm0, $0xFF800000, v52;
	vm0 =	veq.f32 v48, v3;
	v47 =	vld [tilespmem:$0x1F6A0]  }
0x131: {  	[tilespmem:$0x1FF20] =	vst v13;
	v13 =	vsel vm0, $0xFFFFFFFF, v37;
	v44 =	vsel vm0, $0xFF800000, v42;
	vm0 =	veq.f32 v49, v3;
	v49 =	vld [tilespmem:$0x1F6B0]  }
0x132: {  	[tilespmem:$0x1FF40] =	vst v13;
	v13 =	vsel vm0, $0xFFFFFFFF, v43;
	v43 =	vsel vm0, $0xFF800000, v45;
	vm0 =	veq.f32 v50, v3;
	v50 =	vld [tilespmem:$0x1F6C0]  }
0x133: {  	v11 =	vmax.f32 v11, v35  }
0x134: {  	v11 =	vmax.f32 v11, v31;
	v46 =	vimm.s32 $0x0;
	v48 =	vimm.s32 $0x0  }
0x135: {  	[tilespmem:$0x1FF60] =	vst v13;
	v13 =	vsel vm0, $0xFFFFFFFF, v46;
	v45 =	vsel vm0, $0xFF800000, v47;
	vm0 =	veq.f32 v51, v3  }
0x136: {  	v11 =	vmax.f32 v11, v36;
	[tilespmem:$0x1FF80] =	vst v13;
	v13 =	vsel vm0, $0xFFFFFFFF, v48  }
0x137: {  	v37 =	vsel vm0, $0xFF800000, v49;
	vm0 =	veq.f32 v50, v3;
	v3 =	vimm.s32 $0x0  }
0x138: {  	v11 =	vmax.f32 v11, v38;
	v3 =	vsel vm0, $0xFFFFFFFF, v3  }
0x139: {  	v11 =	vmax.f32 v11, v40;
	[tilespmem:$0x1FFC0] =	vst v3;
	v3 =	vld [tilespmem:$0x1F6D0]  }
0x13a: {  	v52 =	vld [tilespmem:$0x1F6F0];
	v11 =	vmax.f32 v11, v41  }
0x13b: {  	v11 =	vmax.f32 v11, v44;
	v51 =	vld [tilespmem:$0x1F6E0]  }
0x13c: {  	v11 =	vmax.f32 v11, v43  }
0x13d: {  	v11 =	vmax.f32 v11, v45  }
0x13e: {  	v42 =	vsel vm0, $0xFF800000, v3;
	v3 =	vmax.f32 v11, v37  }
0x13f: {  	v3 =	vmax.f32 v3, v42  }
0x140: {  	vm0 =	veq.f32 v51, v3;
	vm1 =	veq.f32 v52, v3;
	v51 =	vld [tilespmem:$0x1F700]  }
0x141: {  	vm2 =	veq.f32 v53, v3;
	v11 =	vsel vm0, $0x0, v17;
	v46 =	vsel vm1, $0x3F800000, v17  }
0x142: {  	v47 =	vsel vm2, $0x40000000, v17;
	v53 =	vmin.f32 v11, v46  }
0x143: {  	v52 =	vmin.f32 v53, v47;
	v53 =	vld [tilespmem:$0x1F710];
	_ =	sdelay $0x1  }
0x144: {  	vm0 =	veq.f32 v51, v3;
	v51 =	vld [tilespmem:$0x1F720];
	_ =	sdelay $0x1  }
0x145: {  	vm1 =	veq.f32 v12, v3;
	v48 =	vsel vm0, $0x40400000, v17  }
0x146: {  	[tilespmem:$0x1FFA0] =	vst v13;
	v50 =	vsel vm1, $0x40800000, v17;
	v13 =	vmin.f32 v52, v48;
	vm0 =	veq.f32 v53, v3  }
0x147: {  	vm1 =	veq.f32 v5, v3;
	v13 =	vmin.f32 v13, v50;
	v49 =	vsel vm0, $0x40A00000, v17  }
0x148: {  	v14 =	vsel vm1, $0x40C00000, v17;
	v53 =	vld [tilespmem:$0x1F730];
	v13 =	vmin.f32 v13, v49;
	vm0 =	veq.f32 v51, v3  }
0x149: {  	v5 =	vsel vm0, $0x40E00000, v17;
	v52 =	vmin.f32 v13, v14  }
0x14a: {  	vm1 =	veq.f32 v6, v3;
	v6 =	vmin.f32 v52, v5;
	v52 =	vld [tilespmem:$0x1F740];
	_ =	sdelay $0x2  }
0x14b: {  	v51 =	vsel vm1, $0x41000000, v17;
	vm0 =	veq.f32 v53, v3  }
0x14c: {  	v12 =	vld [tilespmem:$0x1F750];
	vm1 =	veq.f32 v7, v3;
	v6 =	vmin.f32 v6, v51;
	v7 =	vsel vm0, $0x41100000, v17  }
0x14d: {  	v53 =	vsel vm1, $0x41200000, v17;
	v6 =	vmin.f32 v6, v7;
	vm0 =	veq.f32 v52, v3  }
0x14e: {  	vm1 =	veq.f32 v8, v3;
	v6 =	vmin.f32 v6, v53;
	v52 =	vsel vm0, $0x41300000, v17  }
0x14f: {  	v13 =	vsel vm1, $0x41400000, v17;
	vm0 =	veq.f32 v63, v3;
	v6 =	vmin.f32 v6, v52  }
0x150: {  	v8 =	vld [tilespmem:$0x1F760];
	vm1 =	veq.f32 v9, v3;
	v9 =	vsel vm0, $0x41500000, v17;
	v6 =	vmin.f32 v6, v13  }
0x151: {  	v63 =	vsel vm1, $0x41600000, v17;
	vm0 =	veq.f32 v12, v3;
	v6 =	vmin.f32 v6, v9  }
0x152: {  	vm1 =	veq.f32 v54, v3;
	v54 =	vsel vm0, $0x41700000, v17;
	v6 =	vmin.f32 v6, v63  }
0x153: {  	v12 =	vsel vm1, $0x41800000, v17;
	v6 =	vmin.f32 v6, v54  }
0x154: {  	[tilespmem:$0x1F8B0] =	vst v12;
	v6 =	vmin.f32 v6, v12;
	v12 =	vld [tilespmem:$0x1F770]  }
0x155: {  	vm0 =	veq.f32 v8, v3  }
0x156: {  	vm1 =	veq.f32 v55, v3;
	v55 =	vsel vm0, $0x41880000, v17  }
0x157: {  	v8 =	vsel vm1, $0x41900000, v17;
	v6 =	vmin.f32 v6, v55  }
0x158: {  	[tilespmem:$0x1F900] =	vst v8;
	v6 =	vmin.f32 v6, v8;
	v8 =	vld [tilespmem:$0x1F780]  }
0x159: {  	vm0 =	veq.f32 v12, v3  }
0x15a: {  	vm1 =	veq.f32 v56, v3;
	v56 =	vsel vm0, $0x41980000, v17  }
0x15b: {  	v12 =	vsel vm1, $0x41A00000, v17;
	v6 =	vmin.f32 v6, v56  }
0x15c: {  	[tilespmem:$0x1F950] =	vst v12;
	v6 =	vmin.f32 v6, v12;
	v12 =	vld [tilespmem:$0x1F790]  }
0x15d: {  	vm0 =	veq.f32 v8, v3  }
0x15e: {  	vm1 =	veq.f32 v57, v3;
	v57 =	vsel vm0, $0x41A80000, v17  }
0x15f: {  	v8 =	vsel vm1, $0x41B00000, v17;
	vm0 =	veq.f32 v61, v3;
	v6 =	vmin.f32 v6, v57  }
0x160: {  	vm1 =	veq.f32 v58, v3;
	v58 =	vsel vm0, $0x41B80000, v17;
	v6 =	vmin.f32 v6, v8  }
0x161: {  	[tilespmem:$0x1F9A0] =	vst v8;
	v61 =	vsel vm1, $0x41C00000, v17;
	v8 =	vld [tilespmem:$0x1F7A0];
	v6 =	vmin.f32 v6, v58;
	vm0 =	veq.f32 v12, v3  }
0x162: {  	vm1 =	veq.f32 v59, v3;
	v6 =	vmin.f32 v6, v61;
	v59 =	vsel vm0, $0x41C80000, v17  }
0x163: {  	v12 =	vsel vm1, $0x41D00000, v17;
	v6 =	vmin.f32 v6, v59  }
0x164: {  	v1 =	vsub.f32 v3, v1;
	[tilespmem:$0x1FA30] =	vst v12;
	v6 =	vmin.f32 v6, v12;
	v12 =	vld [tilespmem:$0x1F7B0];
	_ =	sdelay $0x1  }
0x165: {  	v1 =	vmul.f32 $1.442695020e+00, v1;
	vm0 =	veq.f32 v8, v3  }
0x166: {  	vm1 =	veq.f32 v60, v3;
	v60 =	vsel vm0, $0x41D80000, v17  }
0x167: {  	(erf) = vpow2.f32 v1;
	v8 =	vsel vm1, $0x41E00000, v17;
	v6 =	vmin.f32 v6, v60  }
0x168: {  	vm1 =	veq.f32 v2, v3;
	v6 =	vmin.f32 v6, v8;
	vm0 =	veq.f32 v12, v3  }
0x169: {  	v12 =	vsel vm1, $0x41F00000, v17;
	vm1 =	veq.f32 v62, v3;
	v2 =	vsel vm0, $0x41E80000, v17  }
0x16a: {  	vm0 =	veq.f32 v20, v3;
	v20 =	vsel vm1, $0x42000000, v17;
	v6 =	vmin.f32 v6, v2  }
0x16b: {  	v62 =	vsel vm0, $0x41F80000, v17;
	vm0 =	veq.f32 v21, v3;
	v6 =	vmin.f32 v6, v12  }
0x16c: {  	vm1 =	veq.f32 v4, v3;
	v4 =	vsel vm0, $0x42040000, v17;
	v6 =	vmin.f32 v6, v62  }
0x16d: {  	[tilespmem:$0x1FAD0] =	vst v12;
	v12 =	vsel vm1, $0x42080000, v17;
	vm0 =	veq.f32 v22, v3;
	v6 =	vmin.f32 v6, v20  }
0x16e: {  	vm1 =	veq.f32 v10, v3;
	v22 =	vsel vm0, $0x420C0000, v17;
	v6 =	vmin.f32 v6, v4  }
0x16f: {  	v21 =	vsel vm1, $0x42100000, v17;
	vm0 =	veq.f32 v23, v3;
	v6 =	vmin.f32 v6, v12  }
0x170: {  	vm1 =	veq.f32 v15, v3;
	v15 =	vsel vm0, $0x42140000, v17;
	v6 =	vmin.f32 v6, v22  }
0x171: {  	[tilespmem:$0x1FB20] =	vst v20;
	v20 =	vsel vm1, $0x42180000, v17;
	vm1 =	veq.f32 v16, v3;
	v6 =	vmin.f32 v6, v21  }
0x172: {  	vm0 =	veq.f32 v18, v3;
	v23 =	vsel vm1, $0x42200000, v17;
	v6 =	vmin.f32 v6, v15  }
0x173: {  	[tilespmem:$0x1FBC0] =	vst v21;
	v21 =	vsel vm0, $0x421C0000, v17;
	vm0 =	veq.f32 v24, v3;
	v6 =	vmin.f32 v6, v20  }
0x174: {  	vm1 =	veq.f32 v19, v3;
	v24 =	vsel vm0, $0x42240000, v17;
	v6 =	vmin.f32 v6, v21  }
0x175: {  	vm0 =	veq.f32 v25, v3;
	v25 =	vsel vm1, $0x422C0000, v17;
	v6 =	vmin.f32 v6, v23  }
0x176: {  	[tilespmem:$0x1FC10] =	vst v20;
	v20 =	vsel vm0, $0x42280000, v17;
	vm0 =	veq.f32 v32, v3;
	v6 =	vmin.f32 v6, v24  }
0x177: {  	[tilespmem:$0x1FC70] =	vst v23;
	v23 =	vsel vm0, $0x42300000, v17;
	vm0 =	veq.f32 v33, v3;
	v1 =	vmin.f32 v6, v20  }
0x178: {  	v19 =	vsel vm0, $0x42340000, v17;
	vm0 =	veq.f32 v34, v3;
	v1 =	vmin.f32 v1, v25  }
0x179: {  	[tilespmem:$0x1FCF0] =	vst v25;
	v25 =	vsel vm0, $0x42380000, v17;
	vm0 =	veq.f32 v29, v3;
	v1 =	vmin.f32 v1, v23  }
0x17a: {  	[tilespmem:$0x1FCA0] =	vst v24;
	v24 =	vsel vm0, $0x423C0000, v17;
	vm0 =	veq.f32 v26, v3;
	v1 =	vmin.f32 v1, v19  }
0x17b: {  	v26 =	vsel vm0, $0x42400000, v17;
	vm0 =	veq.f32 v27, v3;
	v1 =	vmin.f32 v1, v25  }
0x17c: {  	v18 =	vsel vm0, $0x42440000, v17;
	vm0 =	veq.f32 v28, v3;
	v1 =	vmin.f32 v1, v24  }
0x17d: {  	v34 =	vsel vm0, $0x42480000, v17;
	vm0 =	veq.f32 v39, v3;
	v1 =	vmin.f32 v1, v26  }
0x17e: {  	[tilespmem:$0x1FB70] =	vst v12;
	v12 =	vpop (erf);
	vm1 =	veq.f32 v31, v3;
	v10 =	vsel vm0, $0x424C0000, v17;
	v1 =	vmin.f32 v1, v18  }
0x17f: {  	vm0 =	veq.f32 v30, v3;
	v30 =	vadd.f32 $1.000000000e+00, v12;
	v1 =	vmin.f32 v1, v34  }
0x180: {  	v39 =	vsel vm0, $0x42500000, v17;
	vm0 =	veq.f32 v35, v3;
	v1 =	vmin.f32 v1, v10  }
0x181: {  	[tilespmem:$0x1FC40] =	vst v21;
	v33 =	vsel vm1, $0x42580000, v17;
	v21 =	vsel vm0, $0x42540000, v17;
	v1 =	vmin.f32 v1, v39  }
0x182: {  	(erf) = vrcp.f32 v30;
	vm0 =	veq.f32 v36, v3;
	v1 =	vmin.f32 v1, v21  }
0x183: {  	v35 =	vsel vm0, $0x425C0000, v17;
	vm0 =	veq.f32 v38, v3;
	v1 =	vmin.f32 v1, v33  }
0x184: {  	[tilespmem:$0x1FDE0] =	vst v34;
	v34 =	vsel vm0, $0x42600000, v17;
	vm0 =	veq.f32 v40, v3;
	v1 =	vmin.f32 v1, v35  }
0x185: {  	v28 =	vsel vm0, $0x42640000, v17;
	vm0 =	veq.f32 v41, v3;
	v1 =	vmin.f32 v1, v34  }
0x186: {  	v16 =	vsel vm0, $0x42680000, v17;
	vm0 =	veq.f32 v44, v3;
	v1 =	vmin.f32 v1, v28  }
0x187: {  	v27 =	vsel vm0, $0x426C0000, v17;
	vm0 =	veq.f32 v43, v3;
	v1 =	vmin.f32 v1, v16  }
0x188: {  	v32 =	vsel vm0, $0x42700000, v17;
	vm0 =	veq.f32 v45, v3;
	v1 =	vmin.f32 v1, v27  }
0x189: {  	v31 =	vsel vm0, $0x42740000, v17;
	v1 =	vmin.f32 v1, v32  }
0x18a: {  	v1 =	vmin.f32 v1, v31  }
0x18b: {  	vm0 =	veq.f32 v37, v3  }
0x18c: {  	v30 =	vsel vm0, $0x42780000, v17;
	vm0 =	veq.f32 v42, v3  }
0x18d: {  	v29 =	vsel vm0, $0x427C0000, v17;
	v3 =	vmin.f32 v1, v30;
	v1 =	vpop (erf)  }
0x18e: {  	[tilespmem:$0x1FA80] =	vst v8;
	v40 =	vld [tilespmem:$0x1F7C0];
	v8 =	vmin.f32 v3, v29;
	v6 =	vmul.f32 v1, v12  }
0x18f: {  	v42 =	vld [tilespmem:$0x1F7D0];
	vm0 =	veq.f32 v11, v8  }
0x190: {  	v3 =	vnsel vm0, $0x0, v6;
	vm0 =	veq.f32 v46, v8  }
0x191: {  	v44 =	vld [tilespmem:$0x1F7E0];
	v3 =	vsel vm3, v1, v3;
	v37 =	vnsel vm0, $0x0, v6;
	vm0 =	veq.f32 v47, v8  }
0x192: {  	[tilespmem:$0x1FE10] =	vst v10;
	v46 =	vld [tilespmem:$0x1F7F0];
	v10 =	vsel vm4, v1, v37;
	v38 =	vnsel vm0, $0x0, v6;
	vm4 =	veq.f32 v48, v8  }
0x193: {  	v47 =	vld [tilespmem:$0x1F800];
	[tilespmem:v0+s7+$0x0] =	vst.idx.msk $0xffff, v3;
	v0 =	vsel vm5, v1, v38;
	v3 =	vnsel vm4, $0x0, v6  }
0x194: {  	vm5 =	veq.f32 v50, v8;
	v3 =	vsel vm6, v1, v3;
	vm6 =	veq.f32 v49, v8;
	v49 =	vld [tilespmem:$0x1F810]  }
0x195: {  	v41 =	vnsel vm5, $0x0, v6;
	vm5 =	veq.f32 v51, v8;
	v51 =	vld [tilespmem:$0x1F820]  }
0x196: {  	v11 =	vld [tilespmem:$0x1F830];
	[tilespmem:v40+s7+$0x0] =	vst.idx.msk $0xffff, v10  }
0x197: {  	[tilespmem:v42+s7+$0x0] =	vst.idx.msk $0xffff, v0;
	v0 =	vsel vm7, v1, v41;
	vm7 =	veq.f32 v14, v8;
	v14 =	vld [tilespmem:$0x1F840]  }
0x198: {  	v37 =	vld [tilespmem:$0x1F850]  }
0x199: {  	v40 =	vld [tilespmem:$0x1F860];
	v43 =	vnsel vm6, $0x0, v6;
	[tilespmem:v44+s7+$0x0] =	vst.idx.msk $0xffff, v3  }
0x19a: {  	vm4 =	veq.f32 v5, v8;
	v3 =	vsel vm8, v1, v43;
	v45 =	vnsel vm7, $0x0, v6;
	[tilespmem:v46+s7+$0x0] =	vst.idx.msk $0xffff, v0  }
0x19b: {  	v5 =	vnsel vm4, $0x0, v6;
	v0 =	vsel vm9, v1, v45;
	[tilespmem:v47+s7+$0x0] =	vst.idx.msk $0xffff, v3  }
0x19c: {  	v48 =	vnsel vm5, $0x0, v6;
	vm6 =	veq.f32 v7, v8;
	v3 =	vsel vm10, v1, v5;
	[tilespmem:v49+s7+$0x0] =	vst.idx.msk $0xffff, v0  }
0x19d: {  	v50 =	vnsel vm6, $0x0, v6;
	vm7 =	veq.f32 v53, v8;
	v0 =	vsel vm11, v1, v48;
	[tilespmem:v51+s7+$0x0] =	vst.idx.msk $0xffff, v3  }
0x19e: {  	vm8 =	veq.f32 v52, v8;
	v10 =	vnsel vm7, $0x0, v6;
	v3 =	vsel vm12, v1, v50;
	[tilespmem:v11+s7+$0x0] =	vst.idx.msk $0xffff, v0  }
0x19f: {  	v42 =	vld [tilespmem:$0x1F880];
	v12 =	vnsel vm8, $0x0, v6;
	v0 =	vsel vm13, v1, v10;
	[tilespmem:v14+s7+$0x0] =	vst.idx.msk $0xffff, v3  }
0x1a0: {  	v44 =	vld [tilespmem:$0x1F8A0];
	v3 =	vsel vm14, v1, v12;
	[tilespmem:v37+s7+$0x0] =	vst.idx.msk $0xffff, v0  }
0x1a1: {  	[tilespmem:v40+s7+$0x0] =	vst.idx.msk $0xffff, v3;
	v3 =	vld [tilespmem:$0x1F870];
	_ =	sdelay $0x2  }
0x1a2: {  	vm9 =	veq.f32 v13, v8  }
0x1a3: {  	v36 =	vnsel vm9, $0x0, v6;
	vm10 =	veq.f32 v9, v8  }
0x1a4: {  	v38 =	vnsel vm10, $0x0, v6;
	v0 =	vsel vm15, v1, v36;
	vm12 =	vnez.u8 v3  }
0x1a5: {  	[tilespmem:v42+s7+$0x0] =	vst.idx.msk $0xffff, v0;
	v3 =	vsel vm12, v1, v38  }
0x1a6: {  	[tilespmem:v44+s7+$0x0] =	vst.idx.msk $0xffff, v3;
	v3 =	vld [tilespmem:$0x1F8B0];
	_ =	sdelay $0x1  }
0x1a7: {  	v46 =	vld [tilespmem:$0x1F8D0]  }
0x1a8: {  	v48 =	vld [tilespmem:$0x1F8F0]  }
0x1a9: {  	v0 =	vld [tilespmem:$0x1F890]  }
0x1aa: {  	vm15 =	veq.f32 v3, v8;
	v3 =	vld [tilespmem:$0x1F8C0];
	_ =	sdelay $0x2  }
0x1ab: {  	vm11 =	veq.f32 v63, v8  }
0x1ac: {  	v41 =	vnsel vm11, $0x0, v6;
	vm13 =	veq.f32 v54, v8;
	vm14 =	vnez.u8 v0  }
0x1ad: {  	v43 =	vnsel vm13, $0x0, v6;
	v0 =	vsel vm14, v1, v41;
	vm4 =	vnez.u8 v3  }
0x1ae: {  	[tilespmem:v46+s7+$0x0] =	vst.idx.msk $0xffff, v0;
	v3 =	vsel vm4, v1, v43  }
0x1af: {  	[tilespmem:v48+s7+$0x0] =	vst.idx.msk $0xffff, v3;
	v3 =	vld [tilespmem:$0x1F900];
	_ =	sdelay $0x1  }
0x1b0: {  	v52 =	vld [tilespmem:$0x1F940]  }
0x1b1: {  	v50 =	vld [tilespmem:$0x1F920]  }
0x1b2: {  	v0 =	vld [tilespmem:$0x1F8E0]  }
0x1b3: {  	vm7 =	veq.f32 v3, v8;
	v3 =	vld [tilespmem:$0x1F910];
	_ =	sdelay $0x3  }
0x1b4: {  	vm5 =	veq.f32 v55, v8;
	v45 =	vnsel vm15, $0x0, v6;
	vm6 =	vnez.u8 v0  }
0x1b5: {  	v47 =	vnsel vm5, $0x0, v6;
	v0 =	vsel vm6, v1, v45;
	vm8 =	vnez.u8 v3  }
0x1b6: {  	[tilespmem:v50+s7+$0x0] =	vst.idx.msk $0xffff, v0;
	v3 =	vsel vm8, v1, v47  }
0x1b7: {  	[tilespmem:v52+s7+$0x0] =	vst.idx.msk $0xffff, v3;
	v3 =	vld [tilespmem:$0x1F950];
	_ =	sdelay $0x1  }
0x1b8: {  	vm9 =	veq.f32 v56, v8;
	v56 =	vld [tilespmem:$0x1F990]  }
0x1b9: {  	v54 =	vld [tilespmem:$0x1F970]  }
0x1ba: {  	v0 =	vld [tilespmem:$0x1F930]  }
0x1bb: {  	vm11 =	veq.f32 v3, v8;
	v3 =	vld [tilespmem:$0x1F960];
	_ =	sdelay $0x3  }
0x1bc: {  	v49 =	vnsel vm7, $0x0, v6;
	vm10 =	vnez.u8 v0  }
0x1bd: {  	v51 =	vnsel vm9, $0x0, v6;
	v0 =	vsel vm10, v1, v49;
	vm12 =	vnez.u8 v3  }
0x1be: {  	[tilespmem:v54+s7+$0x0] =	vst.idx.msk $0xffff, v0;
	v3 =	vsel vm12, v1, v51  }
0x1bf: {  	[tilespmem:v56+s7+$0x0] =	vst.idx.msk $0xffff, v3;
	v3 =	vld [tilespmem:$0x1F9A0];
	_ =	sdelay $0x1  }
0x1c0: {  	v63 =	vld [tilespmem:$0x1F9C0]  }
0x1c1: {  	v10 =	vld [tilespmem:$0x1F9E0]  }
0x1c2: {  	v0 =	vld [tilespmem:$0x1F980]  }
0x1c3: {  	vm15 =	veq.f32 v3, v8;
	v3 =	vld [tilespmem:$0x1F9B0];
	_ =	sdelay $0x3  }
0x1c4: {  	vm13 =	veq.f32 v57, v8;
	v12 =	vld [tilespmem:$0x1FA00];
	v53 =	vnsel vm11, $0x0, v6;
	vm14 =	vnez.u8 v0  }
0x1c5: {  	v14 =	vld [tilespmem:$0x1FA20];
	v55 =	vnsel vm13, $0x0, v6;
	v0 =	vsel vm14, v1, v53;
	vm4 =	vnez.u8 v3  }
0x1c6: {  	[tilespmem:v63+s7+$0x0] =	vst.idx.msk $0xffff, v0;
	v0 =	vld [tilespmem:$0x1F9D0];
	v3 =	vsel vm4, v1, v55  }
0x1c7: {  	[tilespmem:v10+s7+$0x0] =	vst.idx.msk $0xffff, v3;
	v3 =	vld [tilespmem:$0x1F9F0];
	_ =	sdelay $0x3  }
0x1c8: {  	vm5 =	veq.f32 v58, v8;
	v57 =	vnsel vm15, $0x0, v6;
	vm6 =	vnez.u8 v0  }
0x1c9: {  	v9 =	vnsel vm5, $0x0, v6;
	v0 =	vsel vm6, v1, v57;
	vm8 =	vnez.u8 v3  }
0x1ca: {  	[tilespmem:v12+s7+$0x0] =	vst.idx.msk $0xffff, v0;
	v3 =	vsel vm8, v1, v9  }
0x1cb: {  	[tilespmem:v14+s7+$0x0] =	vst.idx.msk $0xffff, v3;
	v3 =	vld [tilespmem:$0x1FA30];
	_ =	sdelay $0x1  }
0x1cc: {  	v37 =	vld [tilespmem:$0x1FA50]  }
0x1cd: {  	v40 =	vld [tilespmem:$0x1FA70]  }
0x1ce: {  	v0 =	vld [tilespmem:$0x1FA10]  }
0x1cf: {  	vm11 =	veq.f32 v3, v8;
	v3 =	vld [tilespmem:$0x1FA40];
	_ =	sdelay $0x2  }
0x1d0: {  	vm7 =	veq.f32 v61, v8  }
0x1d1: {  	vm9 =	veq.f32 v59, v8;
	v11 =	vnsel vm7, $0x0, v6;
	vm10 =	vnez.u8 v0  }
0x1d2: {  	v13 =	vnsel vm9, $0x0, v6;
	v0 =	vsel vm10, v1, v11;
	vm12 =	vnez.u8 v3  }
0x1d3: {  	[tilespmem:v37+s7+$0x0] =	vst.idx.msk $0xffff, v0;
	v3 =	vsel vm12, v1, v13  }
0x1d4: {  	[tilespmem:v40+s7+$0x0] =	vst.idx.msk $0xffff, v3;
	v3 =	vld [tilespmem:$0x1FA80];
	_ =	sdelay $0x1  }
0x1d5: {  	v42 =	vld [tilespmem:$0x1FAA0]  }
0x1d6: {  	v43 =	vld [tilespmem:$0x1FAC0]  }
0x1d7: {  	v0 =	vld [tilespmem:$0x1FA60]  }
0x1d8: {  	vm15 =	veq.f32 v3, v8;
	v3 =	vld [tilespmem:$0x1FA90];
	_ =	sdelay $0x3  }
0x1d9: {  	vm13 =	veq.f32 v60, v8;
	v36 =	vnsel vm11, $0x0, v6;
	vm14 =	vnez.u8 v0  }
0x1da: {  	v38 =	vnsel vm13, $0x0, v6;
	v0 =	vsel vm14, v1, v36;
	vm4 =	vnez.u8 v3  }
0x1db: {  	[tilespmem:v42+s7+$0x0] =	vst.idx.msk $0xffff, v0;
	v3 =	vsel vm4, v1, v38  }
0x1dc: {  	[tilespmem:v43+s7+$0x0] =	vst.idx.msk $0xffff, v3;
	v3 =	vld [tilespmem:$0x1FAD0];
	_ =	sdelay $0x1  }
0x1dd: {  	v44 =	vld [tilespmem:$0x1FAF0]  }
0x1de: {  	v45 =	vld [tilespmem:$0x1FB10]  }
0x1df: {  	v0 =	vld [tilespmem:$0x1FAB0]  }
0x1e0: {  	vm7 =	veq.f32 v3, v8;
	v3 =	vld [tilespmem:$0x1FAE0];
	_ =	sdelay $0x3  }
0x1e1: {  	vm5 =	veq.f32 v2, v8;
	v41 =	vnsel vm15, $0x0, v6;
	vm6 =	vnez.u8 v0  }
0x1e2: {  	v2 =	vnsel vm5, $0x0, v6;
	v0 =	vsel vm6, v1, v41;
	vm8 =	vnez.u8 v3  }
0x1e3: {  	[tilespmem:v44+s7+$0x0] =	vst.idx.msk $0xffff, v0;
	v2 =	vsel vm8, v1, v2  }
0x1e4: {  	[tilespmem:v45+s7+$0x0] =	vst.idx.msk $0xffff, v2;
	v2 =	vld [tilespmem:$0x1FB20];
	_ =	sdelay $0x1  }
0x1e5: {  	v46 =	vld [tilespmem:$0x1FB40]  }
0x1e6: {  	v47 =	vld [tilespmem:$0x1FB60]  }
0x1e7: {  	v0 =	vld [tilespmem:$0x1FB00]  }
0x1e8: {  	vm11 =	veq.f32 v2, v8;
	v2 =	vld [tilespmem:$0x1FB30];
	_ =	sdelay $0x3  }
0x1e9: {  	vm9 =	veq.f32 v62, v8;
	vm10 =	vnez.u8 v0;
	v3 =	vnsel vm7, $0x0, v6  }
0x1ea: {  	v0 =	vsel vm10, v1, v3;
	v3 =	vnsel vm9, $0x0, v6;
	vm12 =	vnez.u8 v2  }
0x1eb: {  	[tilespmem:v46+s7+$0x0] =	vst.idx.msk $0xffff, v0;
	v2 =	vsel vm12, v1, v3  }
0x1ec: {  	[tilespmem:v47+s7+$0x0] =	vst.idx.msk $0xffff, v2;
	v2 =	vld [tilespmem:$0x1FB70];
	_ =	sdelay $0x1  }
0x1ed: {  	v48 =	vld [tilespmem:$0x1FB90]  }
0x1ee: {  	v49 =	vld [tilespmem:$0x1FBB0]  }
0x1ef: {  	v0 =	vld [tilespmem:$0x1FB50]  }
0x1f0: {  	vm15 =	veq.f32 v2, v8;
	v2 =	vld [tilespmem:$0x1FB80];
	_ =	sdelay $0x3  }
0x1f1: {  	vm13 =	veq.f32 v4, v8;
	vm14 =	vnez.u8 v0;
	v3 =	vnsel vm11, $0x0, v6  }
0x1f2: {  	v50 =	vld [tilespmem:$0x1FBE0];
	v0 =	vsel vm14, v1, v3;
	v3 =	vnsel vm13, $0x0, v6;
	vm4 =	vnez.u8 v2  }
0x1f3: {  	[tilespmem:v48+s7+$0x0] =	vst.idx.msk $0xffff, v0;
	v0 =	vld [tilespmem:$0x1FBA0];
	v2 =	vsel vm4, v1, v3  }
0x1f4: {  	[tilespmem:v49+s7+$0x0] =	vst.idx.msk $0xffff, v2;
	v2 =	vld [tilespmem:$0x1FBC0];
	_ =	sdelay $0x2  }
0x1f5: {  	v52 =	vld [tilespmem:$0x1FC30]  }
0x1f6: {  	v51 =	vld [tilespmem:$0x1FC00];
	vm6 =	vnez.u8 v0;
	v3 =	vnsel vm15, $0x0, v6  }
0x1f7: {  	v0 =	vsel vm6, v1, v3;
	vm7 =	veq.f32 v2, v8;
	v2 =	vld [tilespmem:$0x1FBD0]  }
0x1f8: {  	[tilespmem:v50+s7+$0x0] =	vst.idx.msk $0xffff, v0;
	v0 =	vld [tilespmem:$0x1FBF0];
	_ =	sdelay $0x2  }
0x1f9: {  	vm5 =	veq.f32 v22, v8  }
0x1fa: {  	v3 =	vnsel vm5, $0x0, v6;
	vm8 =	vnez.u8 v2  }
0x1fb: {  	vm10 =	vnez.u8 v0;
	v2 =	vsel vm8, v1, v3;
	v3 =	vnsel vm7, $0x0, v6  }
0x1fc: {  	v0 =	vsel vm10, v1, v3;
	[tilespmem:v51+s7+$0x0] =	vst.idx.msk $0xffff, v2;
	v2 =	vld [tilespmem:$0x1FC10]  }
0x1fd: {  	[tilespmem:v52+s7+$0x0] =	vst.idx.msk $0xffff, v0;
	v0 =	vld [tilespmem:$0x1FC40];
	_ =	sdelay $0x1  }
0x1fe: {  	v54 =	vld [tilespmem:$0x1FC90]  }
0x1ff: {  	v53 =	vld [tilespmem:$0x1FC60]  }
0x200: {  	vm11 =	veq.f32 v2, v8;
	v2 =	vld [tilespmem:$0x1FC20]  }
0x201: {  	vm13 =	veq.f32 v0, v8;
	v0 =	vld [tilespmem:$0x1FC50];
	_ =	sdelay $0x2  }
0x202: {  	vm9 =	veq.f32 v15, v8  }
0x203: {  	v3 =	vnsel vm9, $0x0, v6;
	vm12 =	vnez.u8 v2  }
0x204: {  	v2 =	vsel vm12, v1, v3;
	v3 =	vnsel vm11, $0x0, v6;
	vm14 =	vnez.u8 v0  }
0x205: {  	v0 =	vsel vm14, v1, v3;
	[tilespmem:v53+s7+$0x0] =	vst.idx.msk $0xffff, v2;
	v2 =	vld [tilespmem:$0x1FC70]  }
0x206: {  	[tilespmem:v54+s7+$0x0] =	vst.idx.msk $0xffff, v0;
	v0 =	vld [tilespmem:$0x1FCA0];
	_ =	sdelay $0x1  }
0x207: {  	v56 =	vld [tilespmem:$0x1FCE0]  }
0x208: {  	v55 =	vld [tilespmem:$0x1FCC0]  }
0x209: {  	vm15 =	veq.f32 v2, v8;
	v2 =	vld [tilespmem:$0x1FC80]  }
0x20a: {  	vm5 =	veq.f32 v0, v8;
	v0 =	vld [tilespmem:$0x1FCB0];
	_ =	sdelay $0x3  }
0x20b: {  	v3 =	vnsel vm13, $0x0, v6;
	vm4 =	vnez.u8 v2  }
0x20c: {  	v2 =	vsel vm4, v1, v3;
	v3 =	vnsel vm15, $0x0, v6;
	vm6 =	vnez.u8 v0  }
0x20d: {  	v0 =	vsel vm6, v1, v3;
	[tilespmem:v55+s7+$0x0] =	vst.idx.msk $0xffff, v2  }
0x20e: {  	[tilespmem:v56+s7+$0x0] =	vst.idx.msk $0xffff, v0;
	v0 =	vld [tilespmem:$0x1FCF0];
	_ =	sdelay $0x1  }
0x20f: {  	v58 =	vld [tilespmem:$0x1FD30]  }
0x210: {  	v57 =	vld [tilespmem:$0x1FD10]  }
0x211: {  	v2 =	vld [tilespmem:$0x1FCD0]  }
0x212: {  	vm9 =	veq.f32 v0, v8;
	v0 =	vld [tilespmem:$0x1FD00];
	_ =	sdelay $0x3  }
0x213: {  	v59 =	vld [tilespmem:$0x1FD50];
	vm7 =	veq.f32 v20, v8;
	v3 =	vnsel vm5, $0x0, v6;
	vm8 =	vnez.u8 v2  }
0x214: {  	v60 =	vld [tilespmem:$0x1FD70];
	v2 =	vsel vm8, v1, v3;
	v3 =	vnsel vm7, $0x0, v6;
	vm10 =	vnez.u8 v0  }
0x215: {  	[tilespmem:v57+s7+$0x0] =	vst.idx.msk $0xffff, v2;
	v2 =	vld [tilespmem:$0x1FD20];
	v0 =	vsel vm10, v1, v3  }
0x216: {  	[tilespmem:v58+s7+$0x0] =	vst.idx.msk $0xffff, v0;
	v0 =	vld [tilespmem:$0x1FD40];
	_ =	sdelay $0x3  }
0x217: {  	v62 =	vld [tilespmem:$0x1FDB0];
	vm11 =	veq.f32 v23, v8;
	v3 =	vnsel vm9, $0x0, v6;
	vm12 =	vnez.u8 v2  }
0x218: {  	v61 =	vld [tilespmem:$0x1FD90];
	v2 =	vsel vm12, v1, v3;
	v3 =	vnsel vm11, $0x0, v6;
	vm14 =	vnez.u8 v0  }
0x219: {  	[tilespmem:v59+s7+$0x0] =	vst.idx.msk $0xffff, v2;
	v2 =	vld [tilespmem:$0x1FD60];
	v0 =	vsel vm14, v1, v3  }
0x21a: {  	[tilespmem:v60+s7+$0x0] =	vst.idx.msk $0xffff, v0;
	v0 =	vld [tilespmem:$0x1FD80];
	_ =	sdelay $0x2  }
0x21b: {  	vm13 =	veq.f32 v19, v8  }
0x21c: {  	vm15 =	veq.f32 v25, v8;
	v3 =	vnsel vm13, $0x0, v6;
	vm4 =	vnez.u8 v2  }
0x21d: {  	v2 =	vsel vm4, v1, v3;
	v3 =	vnsel vm15, $0x0, v6;
	vm6 =	vnez.u8 v0  }
0x21e: {  	[tilespmem:v61+s7+$0x0] =	vst.idx.msk $0xffff, v2;
	v2 =	vld [tilespmem:$0x1FDA0];
	v0 =	vsel vm6, v1, v3  }
0x21f: {  	[tilespmem:v62+s7+$0x0] =	vst.idx.msk $0xffff, v0;
	v0 =	vld [tilespmem:$0x1FDC0];
	_ =	sdelay $0x2  }
0x220: {  	vm5 =	veq.f32 v24, v8  }
0x221: {  	vm7 =	veq.f32 v26, v8;
	v3 =	vnsel vm5, $0x0, v6;
	vm8 =	vnez.u8 v2  }
0x222: {  	v2 =	vsel vm8, v1, v3;
	v3 =	vnsel vm7, $0x0, v6;
	vm10 =	vnez.u8 v0  }
0x223: {  	v0 =	vsel vm10, v1, v3;
	v3 =	vld [tilespmem:$0x1FDD0];
	_ =	sdelay $0x7  }
0x224: {  	[tilespmem:v3+s7+$0x0] =	vst.idx.msk $0xffff, v2;
	v3 =	vld [tilespmem:$0x1FDE0];
	_ =	sdelay $0x4  }
0x225: {  	vm11 =	veq.f32 v3, v8;
	v3 =	vld [tilespmem:$0x1FDF0];
	_ =	sdelay $0x4  }
0x226: {  	vm12 =	vnez.u8 v3;
	v3 =	vld [tilespmem:$0x1FE00];
	_ =	sdelay $0x7  }
0x227: {  	[tilespmem:v3+s7+$0x0] =	vst.idx.msk $0xffff, v0;
	v3 =	vld [tilespmem:$0x1FE10];
	_ =	sdelay $0x4  }
0x228: {  	vm13 =	veq.f32 v3, v8;
	v3 =	vld [tilespmem:$0x1FE20];
	_ =	sdelay $0x4  }
0x229: {  	vm14 =	vnez.u8 v3;
	v3 =	vld [tilespmem:$0x1FE30];
	_ =	sdelay $0x4  }
0x22a: {  	vm9 =	veq.f32 v18, v8  }
0x22b: {  	v2 =	vnsel vm9, $0x0, v6  }
0x22c: {  	v2 =	vsel vm12, v1, v2  }
0x22d: {  	[tilespmem:v3+s7+$0x0] =	vst.idx.msk $0xffff, v2;
	v3 =	vld [tilespmem:$0x1FE40];
	_ =	sdelay $0x4  }
0x22e: {  	vm4 =	vnez.u8 v3;
	v3 =	vld [tilespmem:$0x1FE50];
	_ =	sdelay $0x5  }
0x22f: {  	v0 =	vnsel vm11, $0x0, v6  }
0x230: {  	v0 =	vsel vm14, v1, v0  }
0x231: {  	[tilespmem:v3+s7+$0x0] =	vst.idx.msk $0xffff, v0;
	v3 =	vld [tilespmem:$0x1FE60];
	_ =	sdelay $0x4  }
0x232: {  	vm6 =	vnez.u8 v3;
	v3 =	vld [tilespmem:$0x1FE70];
	_ =	sdelay $0x5  }
0x233: {  	v2 =	vnsel vm13, $0x0, v6  }
0x234: {  	v2 =	vsel vm4, v1, v2  }
0x235: {  	[tilespmem:v3+s7+$0x0] =	vst.idx.msk $0xffff, v2;
	v3 =	vld [tilespmem:$0x1FE80];
	_ =	sdelay $0x4  }
0x236: {  	vm8 =	vnez.u8 v3;
	v3 =	vld [tilespmem:$0x1FE90];
	_ =	sdelay $0x4  }
0x237: {  	vm15 =	veq.f32 v39, v8  }
0x238: {  	v0 =	vnsel vm15, $0x0, v6  }
0x239: {  	v0 =	vsel vm6, v1, v0  }
0x23a: {  	[tilespmem:v3+s7+$0x0] =	vst.idx.msk $0xffff, v0;
	v3 =	vld [tilespmem:$0x1FEA0];
	_ =	sdelay $0x4  }
0x23b: {  	vm10 =	vnez.u8 v3;
	v3 =	vld [tilespmem:$0x1FEB0];
	_ =	sdelay $0x4  }
0x23c: {  	vm5 =	veq.f32 v21, v8  }
0x23d: {  	v2 =	vnsel vm5, $0x0, v6  }
0x23e: {  	v2 =	vsel vm8, v1, v2  }
0x23f: {  	[tilespmem:v3+s7+$0x0] =	vst.idx.msk $0xffff, v2;
	v3 =	vld [tilespmem:$0x1FEC0];
	_ =	sdelay $0x4  }
0x240: {  	vm12 =	vnez.u8 v3;
	v3 =	vld [tilespmem:$0x1FED0];
	_ =	sdelay $0x4  }
0x241: {  	vm7 =	veq.f32 v33, v8  }
0x242: {  	v0 =	vnsel vm7, $0x0, v6  }
0x243: {  	v0 =	vsel vm10, v1, v0  }
0x244: {  	[tilespmem:v3+s7+$0x0] =	vst.idx.msk $0xffff, v0;
	v3 =	vld [tilespmem:$0x1FEE0];
	_ =	sdelay $0x4  }
0x245: {  	vm14 =	vnez.u8 v3;
	v3 =	vld [tilespmem:$0x1FEF0];
	_ =	sdelay $0x4  }
0x246: {  	vm9 =	veq.f32 v35, v8  }
0x247: {  	v2 =	vnsel vm9, $0x0, v6  }
0x248: {  	v2 =	vsel vm12, v1, v2  }
0x249: {  	[tilespmem:v3+s7+$0x0] =	vst.idx.msk $0xffff, v2;
	v3 =	vld [tilespmem:$0x1FF00];
	_ =	sdelay $0x4  }
0x24a: {  	vm4 =	vnez.u8 v3;
	v3 =	vld [tilespmem:$0x1FF10];
	_ =	sdelay $0x4  }
0x24b: {  	vm11 =	veq.f32 v34, v8  }
0x24c: {  	v0 =	vnsel vm11, $0x0, v6  }
0x24d: {  	v0 =	vsel vm14, v1, v0  }
0x24e: {  	[tilespmem:v3+s7+$0x0] =	vst.idx.msk $0xffff, v0;
	v3 =	vld [tilespmem:$0x1FF20];
	_ =	sdelay $0x4  }
0x24f: {  	vm6 =	vnez.u8 v3;
	v3 =	vld [tilespmem:$0x1FF30];
	_ =	sdelay $0x4  }
0x250: {  	vm13 =	veq.f32 v28, v8  }
0x251: {  	v2 =	vnsel vm13, $0x0, v6  }
0x252: {  	v2 =	vsel vm4, v1, v2  }
0x253: {  	[tilespmem:v3+s7+$0x0] =	vst.idx.msk $0xffff, v2;
	v3 =	vld [tilespmem:$0x1FF40];
	_ =	sdelay $0x4  }
0x254: {  	vm8 =	vnez.u8 v3;
	v3 =	vld [tilespmem:$0x1FF50];
	_ =	sdelay $0x4  }
0x255: {  	vm15 =	veq.f32 v16, v8  }
0x256: {  	v0 =	vnsel vm15, $0x0, v6  }
0x257: {  	v0 =	vsel vm6, v1, v0  }
0x258: {  	[tilespmem:v3+s7+$0x0] =	vst.idx.msk $0xffff, v0;
	v3 =	vld [tilespmem:$0x1FF60];
	_ =	sdelay $0x4  }
0x259: {  	vm10 =	vnez.u8 v3;
	v3 =	vld [tilespmem:$0x1FF70];
	_ =	sdelay $0x4  }
0x25a: {  	vm5 =	veq.f32 v27, v8  }
0x25b: {  	v2 =	vnsel vm5, $0x0, v6  }
0x25c: {  	v2 =	vsel vm8, v1, v2  }
0x25d: {  	[tilespmem:v3+s7+$0x0] =	vst.idx.msk $0xffff, v2;
	v3 =	vld [tilespmem:$0x1FF80];
	_ =	sdelay $0x4  }
0x25e: {  	vm12 =	vnez.u8 v3;
	v3 =	vld [tilespmem:$0x1FF90]  }
0x25f: {  	v63 =	vld [tilespmem:$0x1FFB0];
	_ =	sdelay $0x3  }
0x260: {  	vm7 =	veq.f32 v32, v8  }
0x261: {  	vm9 =	veq.f32 v31, v8;
	v0 =	vnsel vm7, $0x0, v6  }
0x262: {  	v0 =	vsel vm10, v1, v0;
	v2 =	vnsel vm9, $0x0, v6  }
0x263: {  	v2 =	vsel vm12, v1, v2;
	[tilespmem:v3+s7+$0x0] =	vst.idx.msk $0xffff, v0  }
0x264: {  	[tilespmem:v63+s7+$0x0] =	vst.idx.msk $0xffff, v2;
	v2 =	vld [tilespmem:$0x1FFC0];
	_ =	sdelay $0x4  }
0x265: {  	vm15 =	vnez.u8 v2;
	v2 =	vld [tilespmem:$0x1FFD0]  }
0x266: {  	v3 =	vld [tilespmem:$0x1FFA0];
	_ =	sdelay $0x3  }
0x267: {  	vm11 =	veq.f32 v30, v8  }
0x268: {  	v0 =	vnsel vm11, $0x0, v6;
	vm14 =	vnez.u8 v3  }
0x269: {  	v0 =	vsel vm14, v1, v0  }
0x26a: {  	[tilespmem:v2+s7+$0x0] =	vst.idx.msk $0xffff, v0;
	v0 =	vld [tilespmem:$0x1FFE0];
	_ =	sdelay $0x2  }
0x26b: {  	p0 =	sne.s32 s9, $0xF0  }
.Ltmp0:
0x26c: {  	_ = 	snop;
	(pc) =	sbr.rel @p0 .LBB2_2-.Ltmp0, $4  }
0x26d: {  	vm13 =	veq.f32 v29, v8  }
0x26e: {  	v3 =	vnsel vm13, $0x0, v6  }
0x26f: {  	v1 =	vsel vm15, v1, v3  }
0x270: {  	s9 =	sadd.s32 $0x10, s9;
	[tilespmem:v0+s7+$0x0] =	vst.idx.msk $0xffff, v1;
	v1 =	vld [tilespmem:$0x1FFF0]  }
0x271: {  	s8 =	sadd.s32 $0x1, s8  }
0x272: {  	p0 =	sne.s32 s8, s5  }
.Ltmp1:
0x273: {  	_ = 	snop;
	(pc) =	sbr.rel @p0 .LBB2_1-.Ltmp1, $4  }
0x274: {  	[hbm4b:s4+s2] =	stream.linear.scatter [tilespmem:s7], [sflag:$0x1], $0x4000, $0x38;
	[tilespmem:$0x8000] =	vst v63  }
0x275: {  	_ =	swait.ge [sflag:s6], $0x4000  }
0x276: {  	[sflag:s6] =	ssyncset.done $0x0  }
0x277: {  	[sflag:s6] =	ssyncadd.s32 $0xFFFFC000  }
0x278: {  	_ =	sfence.sel $0x180000  }
0x279: {  	[bflag:$0x0] =	sbarrier.arrive $0xFFFF  }
0x27a: {  	p0 =	sne.s32 s1, $0x0;
	_ =	strace $0x90000047  }
0x27b: {  	s0 =	sadd.s32 @!p0 $0x100000, s0;
	[bflag:$0x2] =	sbarrier.arrive $0xFFFF  }
0x27c: {  	[sflag:s0] =	ssyncadd.tile.s32 @!p0 $0x1;
	_ =	shalt  }
.Lfunc_end2:
_tile_overlayer_lowered:
.L_overlay_start_2:
0x27d: {  	(tag) =	ssettag $0x2  }
0x27e: {  	s0 =	rddreg [dreg:$0x0];
	s2 =	stileid.u32  }
0x27f: {  	s1 =	rddreg [dreg:$0x1];
	p0 =	sne.s32 s2, $0x0  }
0x280: {  	s3 =	rddreg [dreg:$0x2];
	[bflag:$0x3] =	sbarrier.arrive $0xFFFF;
	s2 =	simm.s32 @!p0 $0x1C01  }
0x281: {  	[timem:s3], [sflag:s2] =	dma.local @!p0 [hbm:s0], s1  }
0x282: {  	s0 =	simm.s32 @!p0 $0x1  }
0x283: {  	_ =	swait.ge @!p0 [sflag:s0], s1  }
0x284: {  	s1 =	ssub.s32 @!p0 $0x0, s1;
	[sflag:s0] =	ssyncset.done @!p0 $0x0  }
0x285: {  	[sflag:s0] =	ssyncadd.s32 @!p0 s1  }
0x286: {  	[bflag:$0x3] =	sbarrier.arrive $0xFFFF  }
0x287: {  	_ =	shalt  }

</sc_bundles>
